<compile_context>
chip_gen: v7x
topology: tpu7x:2x2x1
jax: 0.10.2.dev20260603
libtpu: 0.0.44.dev20260713+nightly
codegen_flags: <defaults>
</compile_context>

<pallas_src>
import functools

import jax
import jax.numpy as jnp
from jax import lax
from jax.experimental import pallas as pl
from jax.experimental.pallas import tpu as pltpu
from jax.experimental.pallas import tpu_sc as plsc

N = 10000
D = 128
N_PAD = 10240
TRASH = N_PAD - 1
NC, NS, L = 2, 16, 16
NW = NC * NS

E = 320000
EC = 80
E_PAD = NW * EC * 128

DE = 100000
DEH = 102400
DC = 50
DE_PAD = NW * DC * 128

_mesh = plsc.VectorSubcoreMesh(core_axis_name="c", subcore_axis_name="s")




def _zero_buf(buf, nrows):
    zv = jnp.zeros((L,), jnp.float32)

    def st(i, _):
        r = i // 8
        c = (i % 8) * L
        buf[r, pl.ds(c, L)] = zv
        return 0

    lax.fori_loop(0, nrows * 8, st, 0, unroll=8)


def _deg_body(dst_hbm, out_hbm, dst_v, ones_v, zbuf, deg_sh, sem):
    c = lax.axis_index("c")
    s = lax.axis_index("s")
    wid = s * NC + c
    rows_per_tile = N_PAD // NS

    ov = jnp.ones((L,), jnp.float32)
    for i in range(128 // L):
        ones_v[pl.ds(i * L, L)] = ov
    zv = jnp.zeros((L,), jnp.float32)

    def zst(i, _):
        zbuf[pl.ds(i * L, L)] = zv
        return 0

    lax.fori_loop(0, rows_per_tile // L, zst, 0)
    pltpu.sync_copy(dst_hbm.at[wid], dst_v)

    pltpu.sync_copy(zbuf, deg_sh.at[pl.ds(s * rows_per_tile, rows_per_tile)])
    plsc.subcore_barrier()

    def step(j, _):
        pltpu.sync_copy(ones_v, deg_sh.at[dst_v.at[j]], add=True)
        return 0

    lax.fori_loop(0, EC, step, 0)
    plsc.subcore_barrier()
    pltpu.sync_copy(deg_sh.at[pl.ds(s * rows_per_tile, rows_per_tile)],
                    out_hbm.at[c, pl.ds(s * rows_per_tile, rows_per_tile)])


@functools.partial(
    pl.kernel,
    out_type=jax.ShapeDtypeStruct((NC, N_PAD), jnp.float32),
    mesh=_mesh,
    scratch_types=[
        pltpu.VMEM((EC, 128), jnp.int32),
        pltpu.VMEM((128,), jnp.float32),
        pltpu.VMEM((N_PAD // NS,), jnp.float32),
        pltpu.VMEM_SHARED((N_PAD,), jnp.float32),
        pltpu.SemaphoreType.DMA,
    ],
)
def _deg_kernel(dst_hbm, out_hbm, dst_v, ones_v, zbuf, deg_sh, sem):
    _deg_body(dst_hbm, out_hbm, dst_v, ones_v, zbuf, deg_sh, sem)


_EH = EC // 2


def _prop_body(g_hbm, src_hbm, dst_hbm, out_hbm, src_v, dst_v, rows0, rows1,
               acc_sh, sem0, sem1):
    c = lax.axis_index("c")
    s = lax.axis_index("s")
    wid = s * NC + c
    rows_per_tile = N_PAD // NS

    _zero_buf(rows0, 128)

    def zc(i, _):
        pltpu.sync_copy(rows0,
                        acc_sh.at[pl.ds(s * rows_per_tile + i * 128, 128)])
        return 0

    lax.fori_loop(0, rows_per_tile // 128, zc, 0)
    plsc.subcore_barrier()

    for h in range(2):
        pltpu.sync_copy(src_hbm.at[wid, pl.ds(h * _EH, _EH)], src_v)
        pltpu.sync_copy(dst_hbm.at[wid, pl.ds(h * _EH, _EH)], dst_v)
        pltpu.async_copy(g_hbm.at[src_v.at[0]], rows0, sem0)

        def step(t, _):
            j = 2 * t
            pltpu.async_copy(g_hbm.at[src_v.at[j + 1]], rows1, sem1)
            pltpu.make_async_copy(g_hbm.at[src_v.at[j]], rows0, sem0).wait()
            pltpu.sync_copy(rows0, acc_sh.at[dst_v.at[j]], add=True)

            @pl.when(j + 2 < _EH)
            def _():
                pltpu.async_copy(g_hbm.at[src_v.at[j + 2]], rows0, sem0)

            pltpu.make_async_copy(g_hbm.at[src_v.at[j + 1]], rows1,
                                  sem1).wait()
            pltpu.sync_copy(rows1, acc_sh.at[dst_v.at[j + 1]], add=True)
            return 0

        lax.fori_loop(0, _EH // 2, step, 0)

    plsc.subcore_barrier()
    pltpu.sync_copy(acc_sh.at[pl.ds(s * rows_per_tile, rows_per_tile)],
                    out_hbm.at[c, pl.ds(s * rows_per_tile, rows_per_tile)])


@functools.partial(
    pl.kernel,
    out_type=jax.ShapeDtypeStruct((NC, N_PAD, D), jnp.float32),
    mesh=_mesh,
    scratch_types=[
        pltpu.VMEM((_EH, 128), jnp.int32),
        pltpu.VMEM((_EH, 128), jnp.int32),
        pltpu.VMEM((128, D), jnp.float32),
        pltpu.VMEM((128, D), jnp.float32),
        pltpu.VMEM_SHARED((N_PAD, D), jnp.float32),
        pltpu.SemaphoreType.DMA,
        pltpu.SemaphoreType.DMA,
    ],
)
def _prop_kernel(g_hbm, src_hbm, dst_hbm, out_hbm, src_v, dst_v, rows0, rows1,
                 acc_sh, sem0, sem1):
    _prop_body(g_hbm, src_hbm, dst_hbm, out_hbm, src_v, dst_v, rows0, rows1,
               acc_sh, sem0, sem1)


def _dec_body(u_hbm, v_hbm, se_hbm, de_hbm, out_hbm, se_v, de_v, ubuf0, vbuf0,
              ubuf1, vbuf1, obuf, sem0, sem1):
    c = lax.axis_index("c")
    s = lax.axis_index("s")
    wid = s * NC + c
    per_tile = DC * 128

    pltpu.sync_copy(se_hbm.at[wid], se_v)
    pltpu.sync_copy(de_hbm.at[wid], de_v)

    def start(j, ub, vb, sem):
        pltpu.async_copy(u_hbm.at[se_v.at[j]], ub, sem)
        pltpu.async_copy(v_hbm.at[de_v.at[j]], vb, sem)

    def finish(j, ub, vb, sem):
        pltpu.make_async_copy(u_hbm.at[se_v.at[j]], ub, sem).wait()
        pltpu.make_async_copy(v_hbm.at[de_v.at[j]], vb, sem).wait()
        for i in range(128 // L):
            obuf[pl.ds(j * 128 + i * L, L)] = (
                ub[pl.ds(i * L, L)] + vb[pl.ds(i * L, L)])

    start(0, ubuf0, vbuf0, sem0)

    def step(t, _):
        j = 2 * t
        start(j + 1, ubuf1, vbuf1, sem1)
        finish(j, ubuf0, vbuf0, sem0)

        @pl.when(j + 2 < DC)
        def _():
            start(j + 2, ubuf0, vbuf0, sem0)

        finish(j + 1, ubuf1, vbuf1, sem1)
        return 0

    lax.fori_loop(0, DC // 2, step, 0)
    pltpu.sync_copy(obuf, out_hbm.at[pl.ds(wid * per_tile, per_tile)])


@functools.partial(
    pl.kernel,
    out_type=jax.ShapeDtypeStruct((DE_PAD,), jnp.float32),
    mesh=_mesh,
    scratch_types=[
        pltpu.VMEM((DC, 128), jnp.int32),
        pltpu.VMEM((DC, 128), jnp.int32),
        pltpu.VMEM((128,), jnp.float32),
        pltpu.VMEM((128,), jnp.float32),
        pltpu.VMEM((128,), jnp.float32),
        pltpu.VMEM((128,), jnp.float32),
        pltpu.VMEM((DC * 128,), jnp.float32),
        pltpu.SemaphoreType.DMA,
        pltpu.SemaphoreType.DMA,
    ],
)
def _dec_kernel(u_hbm, v_hbm, se_hbm, de_hbm, out_hbm, se_v, de_v, ubuf0,
                vbuf0, ubuf1, vbuf1, obuf, sem0, sem1):
    _dec_body(u_hbm, v_hbm, se_hbm, de_hbm, out_hbm, se_v, de_v, ubuf0, vbuf0,
              ubuf1, vbuf1, obuf, sem0, sem1)



_RB = 1024
_GRID = N_PAD // _RB


def _ka_body(x_ref, w_ref, d0_ref, d1_ref, dinv_ref, g1_ref):
    deg = d0_ref[...] + d1_ref[...] + 1.0
    dinv = lax.rsqrt(deg)
    dinv_ref[...] = dinv
    g1_ref[...] = jnp.dot(x_ref[...], w_ref[...],
                          preferred_element_type=jnp.float32) * dinv


def _ka(x_pad, w1, d0, d1):
    return pl.pallas_call(
        _ka_body,
        grid=(_GRID,),
        in_specs=[
            pl.BlockSpec((_RB, D), lambda i: (i, 0)),
            pl.BlockSpec((D, D), lambda i: (0, 0)),
            pl.BlockSpec((_RB, 1), lambda i: (i, 0)),
            pl.BlockSpec((_RB, 1), lambda i: (i, 0)),
        ],
        out_specs=[
            pl.BlockSpec((_RB, 1), lambda i: (i, 0)),
            pl.BlockSpec((_RB, D), lambda i: (i, 0)),
        ],
        out_shape=[
            jax.ShapeDtypeStruct((N_PAD, 1), jnp.float32),
            jax.ShapeDtypeStruct((N_PAD, D), jnp.float32),
        ],
    )(x_pad, w1, d0, d1)


def _kb_body(acc_ref, g1_ref, dinv_ref, b1_ref, w2_ref, g2_ref):
    dinv = dinv_ref[...]
    a = (acc_ref[0] + acc_ref[1] + g1_ref[...]) * dinv + b1_ref[...]
    h = jnp.maximum(a, 0.0)
    g2_ref[...] = jnp.dot(h, w2_ref[...],
                          preferred_element_type=jnp.float32) * dinv


def _kb(acc, g1, dinv, b1, w2):
    return pl.pallas_call(
        _kb_body,
        grid=(_GRID,),
        in_specs=[
            pl.BlockSpec((2, _RB, D), lambda i: (0, i, 0)),
            pl.BlockSpec((_RB, D), lambda i: (i, 0)),
            pl.BlockSpec((_RB, 1), lambda i: (i, 0)),
            pl.BlockSpec((1, D), lambda i: (0, 0)),
            pl.BlockSpec((D, D), lambda i: (0, 0)),
        ],
        out_specs=pl.BlockSpec((_RB, D), lambda i: (i, 0)),
        out_shape=jax.ShapeDtypeStruct((N_PAD, D), jnp.float32),
    )(acc, g1, dinv, b1, w2)


def _kc_body(acc_ref, g2_ref, dinv_ref, b2_ref, wla_ref, wlb_ref, bl_ref,
             u_ref, v_ref):
    z = (acc_ref[0] + acc_ref[1] + g2_ref[...]) * dinv_ref[...] + b2_ref[...]
    u_ref[...] = jnp.sum(z * wla_ref[...], axis=1, keepdims=True) + bl_ref[...]
    v_ref[...] = jnp.sum(z * wlb_ref[...], axis=1, keepdims=True)


def _kc(acc, g2, dinv, b2, wla, wlb, bl):
    return pl.pallas_call(
        _kc_body,
        grid=(_GRID,),
        in_specs=[
            pl.BlockSpec((2, _RB, D), lambda i: (0, i, 0)),
            pl.BlockSpec((_RB, D), lambda i: (i, 0)),
            pl.BlockSpec((_RB, 1), lambda i: (i, 0)),
            pl.BlockSpec((1, D), lambda i: (0, 0)),
            pl.BlockSpec((1, D), lambda i: (0, 0)),
            pl.BlockSpec((1, D), lambda i: (0, 0)),
            pl.BlockSpec((1, 1), lambda i: (0, 0)),
        ],
        out_specs=[
            pl.BlockSpec((_RB, 1), lambda i: (i, 0)),
            pl.BlockSpec((_RB, 1), lambda i: (i, 0)),
        ],
        out_shape=[
            jax.ShapeDtypeStruct((N_PAD, 1), jnp.float32),
            jax.ShapeDtypeStruct((N_PAD, 1), jnp.float32),
        ],
    )(acc, g2, dinv, b2, wla, wlb, bl)




def kernel(x, edge_index, pos_edge_index, neg_edge_index, W1, b1, W2, b2, Wl,
           bl):
    x_pad = jnp.pad(x, ((0, N_PAD - N), (0, 0)))

    ei = edge_index.astype(jnp.int32)
    src_p = jnp.concatenate(
        [ei[0], jnp.zeros((E_PAD - E,), jnp.int32)]).reshape(NW, EC, 128)
    dst_p = jnp.concatenate(
        [ei[1], jnp.full((E_PAD - E,), TRASH, jnp.int32)]).reshape(NW, EC, 128)

    degp = _deg_kernel(dst_p)
    d0 = degp[0].reshape(N_PAD, 1)
    d1 = degp[1].reshape(N_PAD, 1)

    dinv, g1 = _ka(x_pad, W1, d0, d1)
    acc1 = _prop_kernel(g1, src_p, dst_p)
    g2 = _kb(acc1, g1, dinv, b1.reshape(1, D), W2)
    acc2 = _prop_kernel(g2, src_p, dst_p)
    u, v = _kc(acc2, g2, dinv, b2.reshape(1, D), Wl[:D].reshape(1, D),
               Wl[D:].reshape(1, D), bl.reshape(1, 1))

    pe = pos_edge_index.astype(jnp.int32)
    ne = neg_edge_index.astype(jnp.int32)
    zpad = jnp.zeros((DEH - DE,), jnp.int32)
    se = jnp.concatenate([pe[0], zpad, ne[0], zpad]).reshape(NW, DC, 128)
    de = jnp.concatenate([pe[1], zpad, ne[1], zpad]).reshape(NW, DC, 128)

    dec = _dec_kernel(u.reshape(N_PAD), v.reshape(N_PAD), se, de)
    return dec[:DE], dec[DEH:DEH + DE]

# --- scband reference (transcript-rebuilt; emitter-appended) ---
"""Pipeline reference for scband-gcnlink-predictor-57097295233678 (READ-ONLY COPY).

The authoritative reference and input builder live on the scoring server;
editing this copy changes nothing except your own understanding.
"""

import jax, jax.numpy as jnp
import numpy as np

N_NODES = 10000
D_IN = 128
D_H = 128


def gcn_conv(x, edge_index, W, b):
    n = x.shape[0]
    src, dst = edge_index[0], edge_index[1]
    # add self loops (PyG GCNConv default add_self_loops=True)
    loop = jnp.arange(n, dtype=src.dtype)
    src2 = jnp.concatenate([src, loop])
    dst2 = jnp.concatenate([dst, loop])
    h = x @ W
    deg = jnp.zeros((n,), dtype=h.dtype).at[dst2].add(1.0)
    dinv = jnp.where(deg > 0, jax.lax.rsqrt(deg), 0.0)
    norm = dinv[src2] * dinv[dst2]
    msg = h[src2] * norm[:, None]
    out = jnp.zeros_like(h).at[dst2].add(msg)
    return out + b


def setup_inputs(seed: int = 0) -> dict:
    key = jax.random.key(seed)
    ks = jax.random.split(key, 12)
    x = jax.random.normal(ks[0], (N_NODES, D_IN), dtype=jnp.float32)
    edge_index = jax.random.randint(ks[1], (2, 320000), 0, N_NODES, dtype=jnp.int64)
    pos_edge_index = jax.random.randint(ks[2], (2, 100000), 0, N_NODES, dtype=jnp.int64)
    neg_edge_index = jax.random.randint(ks[3], (2, 100000), 0, N_NODES, dtype=jnp.int64)
    s1 = 1.0 / np.sqrt(D_IN)
    s2 = 1.0 / np.sqrt(D_H)
    sl = 1.0 / np.sqrt(2 * D_H)
    W1 = jax.random.uniform(ks[4], (D_IN, D_H), jnp.float32, -s1, s1)
    b1 = jnp.zeros((D_H,), dtype=jnp.float32)
    W2 = jax.random.uniform(ks[5], (D_H, D_H), jnp.float32, -s2, s2)
    b2 = jnp.zeros((D_H,), dtype=jnp.float32)
    Wl = jax.random.uniform(ks[6], (2 * D_H, 1), jnp.float32, -sl, sl)
    bl = jax.random.uniform(ks[7], (1,), jnp.float32, -sl, sl)
    return {"x": x, "edge_index": edge_index, "pos_edge_index": pos_edge_index,
            "neg_edge_index": neg_edge_index, "W1": W1, "b1": b1, "W2": W2,
            "b2": b2, "Wl": Wl, "bl": bl}


def decode(z, edge_index, Wl, bl):
    src, dst = edge_index[0], edge_index[1]
    z_cat = jnp.concatenate([z[src], z[dst]], axis=1)
    return (z_cat @ Wl + bl).squeeze(-1)


def reference(x, edge_index, pos_edge_index, neg_edge_index, W1, b1, W2, b2, Wl, bl):
    h = gcn_conv(x, edge_index, W1, b1)
    h = jax.nn.relu(h)
    z = gcn_conv(h, edge_index, W2, b2)
    pos_out = decode(z, pos_edge_index, Wl, bl)
    neg_out = decode(z, neg_edge_index, Wl, bl)
    return (pos_out, neg_out)

if __name__ == "__main__":
    import jax
    _d = setup_inputs()
    print(jax.jit(kernel)(*tuple(_d.values())))

</pallas_src>

<mosaic_0001>
#map = affine_map<(d0, d1) -> (0, 0)>
#map1 = affine_map<(d0, d1) -> (0, 0, 0)>
module attributes {stable_mosaic.version = 14 : i64} {
  func.func @_prop_kernel(%arg0: i32, %arg1: i32, %arg2: memref<10240x128xf32, #tpu.memory_space<hbm>>, %arg3: memref<32x80x128xi32, #tpu.memory_space<hbm>>, %arg4: memref<32x80x128xi32, #tpu.memory_space<hbm>>, %arg5: memref<2x10240x128xf32, #tpu.memory_space<hbm>>, %arg6: memref<40x128xi32, #tpu.memory_space<vmem>>, %arg7: memref<40x128xi32, #tpu.memory_space<vmem>>, %arg8: memref<128x128xf32, #tpu.memory_space<vmem>>, %arg9: memref<128x128xf32, #tpu.memory_space<vmem>>, %arg10: memref<10240x128xf32, #tpu.memory_space<vmem_shared>>, %arg11: memref<!tpu.dma_semaphore, #tpu.memory_space<semaphore_mem>>, %arg12: memref<!tpu.dma_semaphore, #tpu.memory_space<semaphore_mem>>) attributes {dimension_semantics = [#tpu.dimension_semantics<core_parallel>, #tpu.dimension_semantics<subcore_parallel>], iteration_bounds = array<i64: 2, 16>, scalar_prefetch = 0 : i64, scratch_operands = 7 : i64, tpu.core_type = #tpu.core_type<sc_vector_subcore>, window_params = [{transform_indices = #map}, {transform_indices = #map1}, {transform_indices = #map1}, {transform_indices = #map1}]} {
    %mul3A = arith.constant 2 : i32
    %mul3A_0 = arith.muli %arg1, %mul3A : i32
    %add3A = arith.addi %mul3A_0, %arg0 : i32
    %broadcast_in_dim3A = arith.constant 0.000000e+00 : f32
    %broadcast_in_dim3A_1 = vector.broadcast %broadcast_in_dim3A : f32 to vector<16xf32>
    %scan3A = arith.constant 0 : i32
    %scan3A_2 = arith.constant 0 : i32
    %scan3A_3 = arith.constant 1024 : i32
    %scan3A_4 = arith.addi %scan3A_2, %scan3A_3 : i32
    %scan3A_5 = arith.constant 8 : i32
    %scan3A_6 = scf.for %scan3A_47 = %scan3A_2 to %scan3A_4 step %scan3A_5 iter_args(%scan3A_48 = %scan3A) -> (i32)  : i32 {
      %jit3A = arith.constant 8 : i32
      %div3A = arith.divsi %scan3A_47, %jit3A : i32
      %sign3A = arith.constant 0 : i32
      %sign3A_49 = arith.cmpi sgt, %scan3A_47, %sign3A : i32
      %sign3A_50 = arith.extui %sign3A_49 : i1 to i32
      %sign3A_51 = arith.constant 0 : i32
      %sign3A_52 = arith.cmpi slt, %scan3A_47, %sign3A_51 : i32
      %sign3A_53 = arith.extui %sign3A_52 : i1 to i32
      %sign3A_54 = arith.subi %sign3A_50, %sign3A_53 : i32
      %sign3A_55 = arith.constant 0 : i32
      %sign3A_56 = arith.cmpi sgt, %jit3A, %sign3A_55 : i32
      %sign3A_57 = arith.extui %sign3A_56 : i1 to i32
      %sign3A_58 = arith.constant 0 : i32
      %sign3A_59 = arith.cmpi slt, %jit3A, %sign3A_58 : i32
      %sign3A_60 = arith.extui %sign3A_59 : i1 to i32
      %sign3A_61 = arith.subi %sign3A_57, %sign3A_60 : i32
      %ne3A = arith.cmpi ne, %sign3A_54, %sign3A_61 : i32
      %rem3A = arith.remsi %scan3A_47, %jit3A : i32
      %ne3A_62 = arith.constant 0 : i32
      %ne3A_63 = arith.cmpi ne, %rem3A, %ne3A_62 : i32
      %and3A = arith.andi %ne3A, %ne3A_63 : i1
      %sub3A = arith.constant 1 : i32
      %sub3A_64 = arith.subi %div3A, %sub3A : i32
      %select_n3A = arith.select %and3A, %sub3A_64, %div3A : i32
      %jit3A_65 = arith.constant 8 : i32
      %eq3A = arith.constant 0 : i32
      %eq3A_66 = arith.cmpi eq, %jit3A_65, %eq3A : i32
      %jit3A_67 = arith.constant 1 : i32
      %select_n3A_68 = arith.select %eq3A_66, %jit3A_67, %jit3A_65 : i32
      %rem3A_69 = arith.remsi %scan3A_47, %select_n3A_68 : i32
      %ne3A_70 = arith.constant 0 : i32
      %ne3A_71 = arith.cmpi ne, %rem3A_69, %ne3A_70 : i32
      %lt3A = arith.constant 0 : i32
      %lt3A_72 = arith.cmpi slt, %rem3A_69, %lt3A : i32
      %lt3A_73 = arith.constant 0 : i32
      %lt3A_74 = arith.cmpi slt, %select_n3A_68, %lt3A_73 : i32
      %ne3A_75 = arith.xori %lt3A_72, %lt3A_74 : i1
      %and3A_76 = arith.andi %ne3A_75, %ne3A_71 : i1
      %add3A_77 = arith.addi %rem3A_69, %select_n3A_68 : i32
      %select_n3A_78 = arith.select %and3A_76, %add3A_77, %rem3A_69 : i32
      %mul3A_79 = arith.constant 16 : i32
      %mul3A_80 = arith.muli %select_n3A_78, %mul3A_79 : i32
      %swap3A = arith.index_cast %select_n3A : i32 to index
      %swap3A_81 = arith.index_cast %mul3A_80 : i32 to index
      %swap3A_82 = tpu.vector_load %arg8[%swap3A, %swap3A_81] {strides = array<i32>} : memref<128x128xf32, #tpu.memory_space<vmem>>, vector<1x16xf32>,
      %swap3A_83 = vector.shape_cast %swap3A_82 : vector<1x16xf32> to vector<16xf32>
      %swap3A_84 = vector.shape_cast %broadcast_in_dim3A_1 : vector<16xf32> to vector<1x16xf32>
      tpu.vector_store %arg8[%swap3A, %swap3A_81], %swap3A_84 {strides = array<i32>} : memref<128x128xf32, #tpu.memory_space<vmem>>, vector<1x16xf32>,
      %scan3A_85 = arith.constant 0 : i32
      %scan3A_86 = arith.constant 1 : i32
      %scan3A_87 = arith.addi %scan3A_47, %scan3A_86 : i32
      %jit3A_88 = arith.constant 8 : i32
      %div3A_89 = arith.divsi %scan3A_87, %jit3A_88 : i32
      %sign3A_90 = arith.constant 0 : i32
      %sign3A_91 = arith.cmpi sgt, %scan3A_87, %sign3A_90 : i32
      %sign3A_92 = arith.extui %sign3A_91 : i1 to i32
      %sign3A_93 = arith.constant 0 : i32
      %sign3A_94 = arith.cmpi slt, %scan3A_87, %sign3A_93 : i32
      %sign3A_95 = arith.extui %sign3A_94 : i1 to i32
      %sign3A_96 = arith.subi %sign3A_92, %sign3A_95 : i32
      %sign3A_97 = arith.constant 0 : i32
      %sign3A_98 = arith.cmpi sgt, %jit3A_88, %sign3A_97 : i32
      %sign3A_99 = arith.extui %sign3A_98 : i1 to i32
      %sign3A_100 = arith.constant 0 : i32
      %sign3A_101 = arith.cmpi slt, %jit3A_88, %sign3A_100 : i32
      %sign3A_102 = arith.extui %sign3A_101 : i1 to i32
      %sign3A_103 = arith.subi %sign3A_99, %sign3A_102 : i32
      %ne3A_104 = arith.cmpi ne, %sign3A_96, %sign3A_103 : i32
      %rem3A_105 = arith.remsi %scan3A_87, %jit3A_88 : i32
      %ne3A_106 = arith.constant 0 : i32
      %ne3A_107 = arith.cmpi ne, %rem3A_105, %ne3A_106 : i32
      %and3A_108 = arith.andi %ne3A_104, %ne3A_107 : i1
      %sub3A_109 = arith.constant 1 : i32
      %sub3A_110 = arith.subi %div3A_89, %sub3A_109 : i32
      %select_n3A_111 = arith.select %and3A_108, %sub3A_110, %div3A_89 : i32
      %jit3A_112 = arith.constant 8 : i32
      %eq3A_113 = arith.constant 0 : i32
      %eq3A_114 = arith.cmpi eq, %jit3A_112, %eq3A_113 : i32
      %jit3A_115 = arith.constant 1 : i32
      %select_n3A_116 = arith.select %eq3A_114, %jit3A_115, %jit3A_112 : i32
      %rem3A_117 = arith.remsi %scan3A_87, %select_n3A_116 : i32
      %ne3A_118 = arith.constant 0 : i32
      %ne3A_119 = arith.cmpi ne, %rem3A_117, %ne3A_118 : i32
      %lt3A_120 = arith.constant 0 : i32
      %lt3A_121 = arith.cmpi slt, %rem3A_117, %lt3A_120 : i32
      %lt3A_122 = arith.constant 0 : i32
      %lt3A_123 = arith.cmpi slt, %select_n3A_116, %lt3A_122 : i32
      %ne3A_124 = arith.xori %lt3A_121, %lt3A_123 : i1
      %and3A_125 = arith.andi %ne3A_124, %ne3A_119 : i1
      %add3A_126 = arith.addi %rem3A_117, %select_n3A_116 : i32
      %select_n3A_127 = arith.select %and3A_125, %add3A_126, %rem3A_117 : i32
      %mul3A_128 = arith.constant 16 : i32
      %mul3A_129 = arith.muli %select_n3A_127, %mul3A_128 : i32
      %swap3A_130 = arith.index_cast %select_n3A_111 : i32 to index
      %swap3A_131 = arith.index_cast %mul3A_129 : i32 to index
      %swap3A_132 = tpu.vector_load %arg8[%swap3A_130, %swap3A_131] {strides = array<i32>} : memref<128x128xf32, #tpu.memory_space<vmem>>, vector<1x16xf32>,
      %swap3A_133 = vector.shape_cast %swap3A_132 : vector<1x16xf32> to vector<16xf32>
      %swap3A_134 = vector.shape_cast %broadcast_in_dim3A_1 : vector<16xf32> to vector<1x16xf32>
      tpu.vector_store %arg8[%swap3A_130, %swap3A_131], %swap3A_134 {strides = array<i32>} : memref<128x128xf32, #tpu.memory_space<vmem>>, vector<1x16xf32>,
      %scan3A_135 = arith.constant 0 : i32
      %scan3A_136 = arith.constant 2 : i32
      %scan3A_137 = arith.addi %scan3A_47, %scan3A_136 : i32
      %jit3A_138 = arith.constant 8 : i32
      %div3A_139 = arith.divsi %scan3A_137, %jit3A_138 : i32
      %sign3A_140 = arith.constant 0 : i32
      %sign3A_141 = arith.cmpi sgt, %scan3A_137, %sign3A_140 : i32
      %sign3A_142 = arith.extui %sign3A_141 : i1 to i32
      %sign3A_143 = arith.constant 0 : i32
      %sign3A_144 = arith.cmpi slt, %scan3A_137, %sign3A_143 : i32
      %sign3A_145 = arith.extui %sign3A_144 : i1 to i32
      %sign3A_146 = arith.subi %sign3A_142, %sign3A_145 : i32
      %sign3A_147 = arith.constant 0 : i32
      %sign3A_148 = arith.cmpi sgt, %jit3A_138, %sign3A_147 : i32
      %sign3A_149 = arith.extui %sign3A_148 : i1 to i32
      %sign3A_150 = arith.constant 0 : i32
      %sign3A_151 = arith.cmpi slt, %jit3A_138, %sign3A_150 : i32
      %sign3A_152 = arith.extui %sign3A_151 : i1 to i32
      %sign3A_153 = arith.subi %sign3A_149, %sign3A_152 : i32
      %ne3A_154 = arith.cmpi ne, %sign3A_146, %sign3A_153 : i32
      %rem3A_155 = arith.remsi %scan3A_137, %jit3A_138 : i32
      %ne3A_156 = arith.constant 0 : i32
      %ne3A_157 = arith.cmpi ne, %rem3A_155, %ne3A_156 : i32
      %and3A_158 = arith.andi %ne3A_154, %ne3A_157 : i1
      %sub3A_159 = arith.constant 1 : i32
      %sub3A_160 = arith.subi %div3A_139, %sub3A_159 : i32
      %select_n3A_161 = arith.select %and3A_158, %sub3A_160, %div3A_139 : i32
      %jit3A_162 = arith.constant 8 : i32
      %eq3A_163 = arith.constant 0 : i32
      %eq3A_164 = arith.cmpi eq, %jit3A_162, %eq3A_163 : i32
      %jit3A_165 = arith.constant 1 : i32
      %select_n3A_166 = arith.select %eq3A_164, %jit3A_165, %jit3A_162 : i32
      %rem3A_167 = arith.remsi %scan3A_137, %select_n3A_166 : i32
      %ne3A_168 = arith.constant 0 : i32
      %ne3A_169 = arith.cmpi ne, %rem3A_167, %ne3A_168 : i32
      %lt3A_170 = arith.constant 0 : i32
      %lt3A_171 = arith.cmpi slt, %rem3A_167, %lt3A_170 : i32
      %lt3A_172 = arith.constant 0 : i32
      %lt3A_173 = arith.cmpi slt, %select_n3A_166, %lt3A_172 : i32
      %ne3A_174 = arith.xori %lt3A_171, %lt3A_173 : i1
      %and3A_175 = arith.andi %ne3A_174, %ne3A_169 : i1
      %add3A_176 = arith.addi %rem3A_167, %select_n3A_166 : i32
      %select_n3A_177 = arith.select %and3A_175, %add3A_176, %rem3A_167 : i32
      %mul3A_178 = arith.constant 16 : i32
      %mul3A_179 = arith.muli %select_n3A_177, %mul3A_178 : i32
      %swap3A_180 = arith.index_cast %select_n3A_161 : i32 to index
      %swap3A_181 = arith.index_cast %mul3A_179 : i32 to index
      %swap3A_182 = tpu.vector_load %arg8[%swap3A_180, %swap3A_181] {strides = array<i32>} : memref<128x128xf32, #tpu.memory_space<vmem>>, vector<1x16xf32>,
      %swap3A_183 = vector.shape_cast %swap3A_182 : vector<1x16xf32> to vector<16xf32>
      %swap3A_184 = vector.shape_cast %broadcast_in_dim3A_1 : vector<16xf32> to vector<1x16xf32>
      tpu.vector_store %arg8[%swap3A_180, %swap3A_181], %swap3A_184 {strides = array<i32>} : memref<128x128xf32, #tpu.memory_space<vmem>>, vector<1x16xf32>,
      %scan3A_185 = arith.constant 0 : i32
      %scan3A_186 = arith.constant 3 : i32
      %scan3A_187 = arith.addi %scan3A_47, %scan3A_186 : i32
      %jit3A_188 = arith.constant 8 : i32
      %div3A_189 = arith.divsi %scan3A_187, %jit3A_188 : i32
      %sign3A_190 = arith.constant 0 : i32
      %sign3A_191 = arith.cmpi sgt, %scan3A_187, %sign3A_190 : i32
      %sign3A_192 = arith.extui %sign3A_191 : i1 to i32
      %sign3A_193 = arith.constant 0 : i32
      %sign3A_194 = arith.cmpi slt, %scan3A_187, %sign3A_193 : i32
      %sign3A_195 = arith.extui %sign3A_194 : i1 to i32
      %sign3A_196 = arith.subi %sign3A_192, %sign3A_195 : i32
      %sign3A_197 = arith.constant 0 : i32
      %sign3A_198 = arith.cmpi sgt, %jit3A_188, %sign3A_197 : i32
      %sign3A_199 = arith.extui %sign3A_198 : i1 to i32
      %sign3A_200 = arith.constant 0 : i32
      %sign3A_201 = arith.cmpi slt, %jit3A_188, %sign3A_200 : i32
      %sign3A_202 = arith.extui %sign3A_201 : i1 to i32
      %sign3A_203 = arith.subi %sign3A_199, %sign3A_202 : i32
      %ne3A_204 = arith.cmpi ne, %sign3A_196, %sign3A_203 : i32
      %rem3A_205 = arith.remsi %scan3A_187, %jit3A_188 : i32
      %ne3A_206 = arith.constant 0 : i32
      %ne3A_207 = arith.cmpi ne, %rem3A_205, %ne3A_206 : i32
      %and3A_208 = arith.andi %ne3A_204, %ne3A_207 : i1
      %sub3A_209 = arith.constant 1 : i32
      %sub3A_210 = arith.subi %div3A_189, %sub3A_209 : i32
      %select_n3A_211 = arith.select %and3A_208, %sub3A_210, %div3A_189 : i32
      %jit3A_212 = arith.constant 8 : i32
      %eq3A_213 = arith.constant 0 : i32
      %eq3A_214 = arith.cmpi eq, %jit3A_212, %eq3A_213 : i32
      %jit3A_215 = arith.constant 1 : i32
      %select_n3A_216 = arith.select %eq3A_214, %jit3A_215, %jit3A_212 : i32
      %rem3A_217 = arith.remsi %scan3A_187, %select_n3A_216 : i32
      %ne3A_218 = arith.constant 0 : i32
      %ne3A_219 = arith.cmpi ne, %rem3A_217, %ne3A_218 : i32
      %lt3A_220 = arith.constant 0 : i32
      %lt3A_221 = arith.cmpi slt, %rem3A_217, %lt3A_220 : i32
      %lt3A_222 = arith.constant 0 : i32
      %lt3A_223 = arith.cmpi slt, %select_n3A_216, %lt3A_222 : i32
      %ne3A_224 = arith.xori %lt3A_221, %lt3A_223 : i1
      %and3A_225 = arith.andi %ne3A_224, %ne3A_219 : i1
      %add3A_226 = arith.addi %rem3A_217, %select_n3A_216 : i32
      %select_n3A_227 = arith.select %and3A_225, %add3A_226, %rem3A_217 : i32
      %mul3A_228 = arith.constant 16 : i32
      %mul3A_229 = arith.muli %select_n3A_227, %mul3A_228 : i32
      %swap3A_230 = arith.index_cast %select_n3A_211 : i32 to index
      %swap3A_231 = arith.index_cast %mul3A_229 : i32 to index
      %swap3A_232 = tpu.vector_load %arg8[%swap3A_230, %swap3A_231] {strides = array<i32>} : memref<128x128xf32, #tpu.memory_space<vmem>>, vector<1x16xf32>,
      %swap3A_233 = vector.shape_cast %swap3A_232 : vector<1x16xf32> to vector<16xf32>
      %swap3A_234 = vector.shape_cast %broadcast_in_dim3A_1 : vector<16xf32> to vector<1x16xf32>
      tpu.vector_store %arg8[%swap3A_230, %swap3A_231], %swap3A_234 {strides = array<i32>} : memref<128x128xf32, #tpu.memory_space<vmem>>, vector<1x16xf32>,
      %scan3A_235 = arith.constant 0 : i32
      %scan3A_236 = arith.constant 4 : i32
      %scan3A_237 = arith.addi %scan3A_47, %scan3A_236 : i32
      %jit3A_238 = arith.constant 8 : i32
      %div3A_239 = arith.divsi %scan3A_237, %jit3A_238 : i32
      %sign3A_240 = arith.constant 0 : i32
      %sign3A_241 = arith.cmpi sgt, %scan3A_237, %sign3A_240 : i32
      %sign3A_242 = arith.extui %sign3A_241 : i1 to i32
      %sign3A_243 = arith.constant 0 : i32
      %sign3A_244 = arith.cmpi slt, %scan3A_237, %sign3A_243 : i32
      %sign3A_245 = arith.extui %sign3A_244 : i1 to i32
      %sign3A_246 = arith.subi %sign3A_242, %sign3A_245 : i32
      %sign3A_247 = arith.constant 0 : i32
      %sign3A_248 = arith.cmpi sgt, %jit3A_238, %sign3A_247 : i32
      %sign3A_249 = arith.extui %sign3A_248 : i1 to i32
      %sign3A_250 = arith.constant 0 : i32
      %sign3A_251 = arith.cmpi slt, %jit3A_238, %sign3A_250 : i32
      %sign3A_252 = arith.extui %sign3A_251 : i1 to i32
      %sign3A_253 = arith.subi %sign3A_249, %sign3A_252 : i32
      %ne3A_254 = arith.cmpi ne, %sign3A_246, %sign3A_253 : i32
      %rem3A_255 = arith.remsi %scan3A_237, %jit3A_238 : i32
      %ne3A_256 = arith.constant 0 : i32
      %ne3A_257 = arith.cmpi ne, %rem3A_255, %ne3A_256 : i32
      %and3A_258 = arith.andi %ne3A_254, %ne3A_257 : i1
      %sub3A_259 = arith.constant 1 : i32
      %sub3A_260 = arith.subi %div3A_239, %sub3A_259 : i32
      %select_n3A_261 = arith.select %and3A_258, %sub3A_260, %div3A_239 : i32
      %jit3A_262 = arith.constant 8 : i32
      %eq3A_263 = arith.constant 0 : i32
      %eq3A_264 = arith.cmpi eq, %jit3A_262, %eq3A_263 : i32
      %jit3A_265 = arith.constant 1 : i32
      %select_n3A_266 = arith.select %eq3A_264, %jit3A_265, %jit3A_262 : i32
      %rem3A_267 = arith.remsi %scan3A_237, %select_n3A_266 : i32
      %ne3A_268 = arith.constant 0 : i32
      %ne3A_269 = arith.cmpi ne, %rem3A_267, %ne3A_268 : i32
      %lt3A_270 = arith.constant 0 : i32
      %lt3A_271 = arith.cmpi slt, %rem3A_267, %lt3A_270 : i32
      %lt3A_272 = arith.constant 0 : i32
      %lt3A_273 = arith.cmpi slt, %select_n3A_266, %lt3A_272 : i32
      %ne3A_274 = arith.xori %lt3A_271, %lt3A_273 : i1
      %and3A_275 = arith.andi %ne3A_274, %ne3A_269 : i1
      %add3A_276 = arith.addi %rem3A_267, %select_n3A_266 : i32
      %select_n3A_277 = arith.select %and3A_275, %add3A_276, %rem3A_267 : i32
      %mul3A_278 = arith.constant 16 : i32
      %mul3A_279 = arith.muli %select_n3A_277, %mul3A_278 : i32
      %swap3A_280 = arith.index_cast %select_n3A_261 : i32 to index
      %swap3A_281 = arith.index_cast %mul3A_279 : i32 to index
      %swap3A_282 = tpu.vector_load %arg8[%swap3A_280, %swap3A_281] {strides = array<i32>} : memref<128x128xf32, #tpu.memory_space<vmem>>, vector<1x16xf32>,
      %swap3A_283 = vector.shape_cast %swap3A_282 : vector<1x16xf32> to vector<16xf32>
      %swap3A_284 = vector.shape_cast %broadcast_in_dim3A_1 : vector<16xf32> to vector<1x16xf32>
      tpu.vector_store %arg8[%swap3A_280, %swap3A_281], %swap3A_284 {strides = array<i32>} : memref<128x128xf32, #tpu.memory_space<vmem>>, vector<1x16xf32>,
      %scan3A_285 = arith.constant 0 : i32
      %scan3A_286 = arith.constant 5 : i32
      %scan3A_287 = arith.addi %scan3A_47, %scan3A_286 : i32
      %jit3A_288 = arith.constant 8 : i32
      %div3A_289 = arith.divsi %scan3A_287, %jit3A_288 : i32
      %sign3A_290 = arith.constant 0 : i32
      %sign3A_291 = arith.cmpi sgt, %scan3A_287, %sign3A_290 : i32
      %sign3A_292 = arith.extui %sign3A_291 : i1 to i32
      %sign3A_293 = arith.constant 0 : i32
      %sign3A_294 = arith.cmpi slt, %scan3A_287, %sign3A_293 : i32
      %sign3A_295 = arith.extui %sign3A_294 : i1 to i32
      %sign3A_296 = arith.subi %sign3A_292, %sign3A_295 : i32
      %sign3A_297 = arith.constant 0 : i32
      %sign3A_298 = arith.cmpi sgt, %jit3A_288, %sign3A_297 : i32
      %sign3A_299 = arith.extui %sign3A_298 : i1 to i32
      %sign3A_300 = arith.constant 0 : i32
      %sign3A_301 = arith.cmpi slt, %jit3A_288, %sign3A_300 : i32
      %sign3A_302 = arith.extui %sign3A_301 : i1 to i32
      %sign3A_303 = arith.subi %sign3A_299, %sign3A_302 : i32
      %ne3A_304 = arith.cmpi ne, %sign3A_296, %sign3A_303 : i32
      %rem3A_305 = arith.remsi %scan3A_287, %jit3A_288 : i32
      %ne3A_306 = arith.constant 0 : i32
      %ne3A_307 = arith.cmpi ne, %rem3A_305, %ne3A_306 : i32
      %and3A_308 = arith.andi %ne3A_304, %ne3A_307 : i1
      %sub3A_309 = arith.constant 1 : i32
      %sub3A_310 = arith.subi %div3A_289, %sub3A_309 : i32
      %select_n3A_311 = arith.select %and3A_308, %sub3A_310, %div3A_289 : i32
      %jit3A_312 = arith.constant 8 : i32
      %eq3A_313 = arith.constant 0 : i32
      %eq3A_314 = arith.cmpi eq, %jit3A_312, %eq3A_313 : i32
      %jit3A_315 = arith.constant 1 : i32
      %select_n3A_316 = arith.select %eq3A_314, %jit3A_315, %jit3A_312 : i32
      %rem3A_317 = arith.remsi %scan3A_287, %select_n3A_316 : i32
      %ne3A_318 = arith.constant 0 : i32
      %ne3A_319 = arith.cmpi ne, %rem3A_317, %ne3A_318 : i32
      %lt3A_320 = arith.constant 0 : i32
      %lt3A_321 = arith.cmpi slt, %rem3A_317, %lt3A_320 : i32
      %lt3A_322 = arith.constant 0 : i32
      %lt3A_323 = arith.cmpi slt, %select_n3A_316, %lt3A_322 : i32
      %ne3A_324 = arith.xori %lt3A_321, %lt3A_323 : i1
      %and3A_325 = arith.andi %ne3A_324, %ne3A_319 : i1
      %add3A_326 = arith.addi %rem3A_317, %select_n3A_316 : i32
      %select_n3A_327 = arith.select %and3A_325, %add3A_326, %rem3A_317 : i32
      %mul3A_328 = arith.constant 16 : i32
      %mul3A_329 = arith.muli %select_n3A_327, %mul3A_328 : i32
      %swap3A_330 = arith.index_cast %select_n3A_311 : i32 to index
      %swap3A_331 = arith.index_cast %mul3A_329 : i32 to index
      %swap3A_332 = tpu.vector_load %arg8[%swap3A_330, %swap3A_331] {strides = array<i32>} : memref<128x128xf32, #tpu.memory_space<vmem>>, vector<1x16xf32>,
      %swap3A_333 = vector.shape_cast %swap3A_332 : vector<1x16xf32> to vector<16xf32>
      %swap3A_334 = vector.shape_cast %broadcast_in_dim3A_1 : vector<16xf32> to vector<1x16xf32>
      tpu.vector_store %arg8[%swap3A_330, %swap3A_331], %swap3A_334 {strides = array<i32>} : memref<128x128xf32, #tpu.memory_space<vmem>>, vector<1x16xf32>,
      %scan3A_335 = arith.constant 0 : i32
      %scan3A_336 = arith.constant 6 : i32
      %scan3A_337 = arith.addi %scan3A_47, %scan3A_336 : i32
      %jit3A_338 = arith.constant 8 : i32
      %div3A_339 = arith.divsi %scan3A_337, %jit3A_338 : i32
      %sign3A_340 = arith.constant 0 : i32
      %sign3A_341 = arith.cmpi sgt, %scan3A_337, %sign3A_340 : i32
      %sign3A_342 = arith.extui %sign3A_341 : i1 to i32
      %sign3A_343 = arith.constant 0 : i32
      %sign3A_344 = arith.cmpi slt, %scan3A_337, %sign3A_343 : i32
      %sign3A_345 = arith.extui %sign3A_344 : i1 to i32
      %sign3A_346 = arith.subi %sign3A_342, %sign3A_345 : i32
      %sign3A_347 = arith.constant 0 : i32
      %sign3A_348 = arith.cmpi sgt, %jit3A_338, %sign3A_347 : i32
      %sign3A_349 = arith.extui %sign3A_348 : i1 to i32
      %sign3A_350 = arith.constant 0 : i32
      %sign3A_351 = arith.cmpi slt, %jit3A_338, %sign3A_350 : i32
      %sign3A_352 = arith.extui %sign3A_351 : i1 to i32
      %sign3A_353 = arith.subi %sign3A_349, %sign3A_352 : i32
      %ne3A_354 = arith.cmpi ne, %sign3A_346, %sign3A_353 : i32
      %rem3A_355 = arith.remsi %scan3A_337, %jit3A_338 : i32
      %ne3A_356 = arith.constant 0 : i32
      %ne3A_357 = arith.cmpi ne, %rem3A_355, %ne3A_356 : i32
      %and3A_358 = arith.andi %ne3A_354, %ne3A_357 : i1
      %sub3A_359 = arith.constant 1 : i32
      %sub3A_360 = arith.subi %div3A_339, %sub3A_359 : i32
      %select_n3A_361 = arith.select %and3A_358, %sub3A_360, %div3A_339 : i32
      %jit3A_362 = arith.constant 8 : i32
      %eq3A_363 = arith.constant 0 : i32
      %eq3A_364 = arith.cmpi eq, %jit3A_362, %eq3A_363 : i32
      %jit3A_365 = arith.constant 1 : i32
      %select_n3A_366 = arith.select %eq3A_364, %jit3A_365, %jit3A_362 : i32
      %rem3A_367 = arith.remsi %scan3A_337, %select_n3A_366 : i32
      %ne3A_368 = arith.constant 0 : i32
      %ne3A_369 = arith.cmpi ne, %rem3A_367, %ne3A_368 : i32
      %lt3A_370 = arith.constant 0 : i32
      %lt3A_371 = arith.cmpi slt, %rem3A_367, %lt3A_370 : i32
      %lt3A_372 = arith.constant 0 : i32
      %lt3A_373 = arith.cmpi slt, %select_n3A_366, %lt3A_372 : i32
      %ne3A_374 = arith.xori %lt3A_371, %lt3A_373 : i1
      %and3A_375 = arith.andi %ne3A_374, %ne3A_369 : i1
      %add3A_376 = arith.addi %rem3A_367, %select_n3A_366 : i32
      %select_n3A_377 = arith.select %and3A_375, %add3A_376, %rem3A_367 : i32
      %mul3A_378 = arith.constant 16 : i32
      %mul3A_379 = arith.muli %select_n3A_377, %mul3A_378 : i32
      %swap3A_380 = arith.index_cast %select_n3A_361 : i32 to index
      %swap3A_381 = arith.index_cast %mul3A_379 : i32 to index
      %swap3A_382 = tpu.vector_load %arg8[%swap3A_380, %swap3A_381] {strides = array<i32>} : memref<128x128xf32, #tpu.memory_space<vmem>>, vector<1x16xf32>,
      %swap3A_383 = vector.shape_cast %swap3A_382 : vector<1x16xf32> to vector<16xf32>
      %swap3A_384 = vector.shape_cast %broadcast_in_dim3A_1 : vector<16xf32> to vector<1x16xf32>
      tpu.vector_store %arg8[%swap3A_380, %swap3A_381], %swap3A_384 {strides = array<i32>} : memref<128x128xf32, #tpu.memory_space<vmem>>, vector<1x16xf32>,
      %scan3A_385 = arith.constant 0 : i32
      %scan3A_386 = arith.constant 7 : i32
      %scan3A_387 = arith.addi %scan3A_47, %scan3A_386 : i32
      %jit3A_388 = arith.constant 8 : i32
      %div3A_389 = arith.divsi %scan3A_387, %jit3A_388 : i32
      %sign3A_390 = arith.constant 0 : i32
      %sign3A_391 = arith.cmpi sgt, %scan3A_387, %sign3A_390 : i32
      %sign3A_392 = arith.extui %sign3A_391 : i1 to i32
      %sign3A_393 = arith.constant 0 : i32
      %sign3A_394 = arith.cmpi slt, %scan3A_387, %sign3A_393 : i32
      %sign3A_395 = arith.extui %sign3A_394 : i1 to i32
      %sign3A_396 = arith.subi %sign3A_392, %sign3A_395 : i32
      %sign3A_397 = arith.constant 0 : i32
      %sign3A_398 = arith.cmpi sgt, %jit3A_388, %sign3A_397 : i32
      %sign3A_399 = arith.extui %sign3A_398 : i1 to i32
      %sign3A_400 = arith.constant 0 : i32
      %sign3A_401 = arith.cmpi slt, %jit3A_388, %sign3A_400 : i32
      %sign3A_402 = arith.extui %sign3A_401 : i1 to i32
      %sign3A_403 = arith.subi %sign3A_399, %sign3A_402 : i32
      %ne3A_404 = arith.cmpi ne, %sign3A_396, %sign3A_403 : i32
      %rem3A_405 = arith.remsi %scan3A_387, %jit3A_388 : i32
      %ne3A_406 = arith.constant 0 : i32
      %ne3A_407 = arith.cmpi ne, %rem3A_405, %ne3A_406 : i32
      %and3A_408 = arith.andi %ne3A_404, %ne3A_407 : i1
      %sub3A_409 = arith.constant 1 : i32
      %sub3A_410 = arith.subi %div3A_389, %sub3A_409 : i32
      %select_n3A_411 = arith.select %and3A_408, %sub3A_410, %div3A_389 : i32
      %jit3A_412 = arith.constant 8 : i32
      %eq3A_413 = arith.constant 0 : i32
      %eq3A_414 = arith.cmpi eq, %jit3A_412, %eq3A_413 : i32
      %jit3A_415 = arith.constant 1 : i32
      %select_n3A_416 = arith.select %eq3A_414, %jit3A_415, %jit3A_412 : i32
      %rem3A_417 = arith.remsi %scan3A_387, %select_n3A_416 : i32
      %ne3A_418 = arith.constant 0 : i32
      %ne3A_419 = arith.cmpi ne, %rem3A_417, %ne3A_418 : i32
      %lt3A_420 = arith.constant 0 : i32
      %lt3A_421 = arith.cmpi slt, %rem3A_417, %lt3A_420 : i32
      %lt3A_422 = arith.constant 0 : i32
      %lt3A_423 = arith.cmpi slt, %select_n3A_416, %lt3A_422 : i32
      %ne3A_424 = arith.xori %lt3A_421, %lt3A_423 : i1
      %and3A_425 = arith.andi %ne3A_424, %ne3A_419 : i1
      %add3A_426 = arith.addi %rem3A_417, %select_n3A_416 : i32
      %select_n3A_427 = arith.select %and3A_425, %add3A_426, %rem3A_417 : i32
      %mul3A_428 = arith.constant 16 : i32
      %mul3A_429 = arith.muli %select_n3A_427, %mul3A_428 : i32
      %swap3A_430 = arith.index_cast %select_n3A_411 : i32 to index
      %swap3A_431 = arith.index_cast %mul3A_429 : i32 to index
      %swap3A_432 = tpu.vector_load %arg8[%swap3A_430, %swap3A_431] {strides = array<i32>} : memref<128x128xf32, #tpu.memory_space<vmem>>, vector<1x16xf32>,
      %swap3A_433 = vector.shape_cast %swap3A_432 : vector<1x16xf32> to vector<16xf32>
      %swap3A_434 = vector.shape_cast %broadcast_in_dim3A_1 : vector<16xf32> to vector<1x16xf32>
      tpu.vector_store %arg8[%swap3A_430, %swap3A_431], %swap3A_434 {strides = array<i32>} : memref<128x128xf32, #tpu.memory_space<vmem>>, vector<1x16xf32>,
      %scan3A_435 = arith.constant 0 : i32
      scf.yield %scan3A_435 : i32
    }
    %scan3A_7 = arith.constant 1024 : i32
    %scan3A_8 = arith.constant 0 : i32
    %scan3A_9 = arith.constant 0 : i32
    %scan3A_10 = arith.constant 5 : i32
    %scan3A_11 = arith.addi %scan3A_9, %scan3A_10 : i32
    %scan3A_12 = arith.constant 1 : i32
    %scan3A_13 = scf.for %scan3A_47 = %scan3A_9 to %scan3A_11 step %scan3A_12 iter_args(%scan3A_48 = %scan3A_8) -> (i32)  : i32 {
      %mul3A_49 = arith.constant 640 : i32
      %mul3A_50 = arith.muli %arg1, %mul3A_49 : i32
      %mul3A_51 = arith.constant 128 : i32
      %mul3A_52 = arith.muli %scan3A_47, %mul3A_51 : i32
      %add3A_53 = arith.addi %mul3A_50, %mul3A_52 : i32
      "tpu.region"() ({
        %run_scoped3A = tpu.sem_alloc : memref<!tpu.dma_semaphore, #tpu.memory_space<semaphore_mem>>
        %dma_start3A_55 = arith.constant 0 : i32
        %dma_start3A_56 = tpu.memref_slice %arg10[%add3A_53, %dma_start3A_55] : memref<10240x128xf32, #tpu.memory_space<vmem_shared>> -> memref<128x128xf32, #tpu.memory_space<vmem_shared>>
        %dma_start3A_57 = arith.constant 0 : i32
        %dma_start3A_58 = tpu.memref_slice %arg10[%add3A_53, %dma_start3A_57] : memref<10240x128xf32, #tpu.memory_space<vmem_shared>> -> memref<128x128xf32, #tpu.memory_space<vmem_shared>>
        tpu.enqueue_dma source(%arg8 : memref<128x128xf32, #tpu.memory_space<vmem>>) target(%dma_start3A_58 : memref<128x128xf32, #tpu.memory_space<vmem_shared>>) target_semaphore(%run_scoped3A : memref<!tpu.dma_semaphore, #tpu.memory_space<semaphore_mem>>)
        %dma_wait3A = arith.constant 0 : i32
        %dma_wait3A_59 = tpu.memref_slice %arg10[%add3A_53, %dma_wait3A] : memref<10240x128xf32, #tpu.memory_space<vmem_shared>> -> memref<128x128xf32, #tpu.memory_space<vmem_shared>>
        %dma_wait3A_60 = arith.constant 0 : i32
        %dma_wait3A_61 = tpu.memref_slice %arg10[%add3A_53, %dma_wait3A_60] : memref<10240x128xf32, #tpu.memory_space<vmem_shared>> -> memref<128x128xf32, #tpu.memory_space<vmem_shared>>
        tpu.wait_dma2 semaphore(%run_scoped3A : memref<!tpu.dma_semaphore, #tpu.memory_space<semaphore_mem>>) src(%arg8 : memref<128x128xf32, #tpu.memory_space<vmem>>) dst(%dma_wait3A_61 : memref<128x128xf32, #tpu.memory_space<vmem_shared>>)
        tpu.yield
      }) : () -> ()
      %scan3A_54 = arith.constant 0 : i32
      scf.yield %scan3A_54 : i32
    }
    %scan3A_14 = arith.constant 5 : i32
    %barrier3A = arith.constant 0 : index
    tpu.barrier barrier_id(%barrier3A)
    "tpu.region"() ({
      %run_scoped3A = tpu.sem_alloc : memref<!tpu.dma_semaphore, #tpu.memory_space<semaphore_mem>>
      %dma_start3A_47 = arith.constant 0 : i32
      %dma_start3A_48 = arith.constant 0 : i32
      %dma_start3A_49 = tpu.memref_slice %arg3[%add3A, %dma_start3A_47, %dma_start3A_48] : memref<32x80x128xi32, #tpu.memory_space<hbm>> -> memref<1x40x128xi32, #tpu.memory_space<hbm>>
      %dma_start3A_50 = tpu.memref_squeeze %dma_start3A_49 : memref<1x40x128xi32, #tpu.memory_space<hbm>> -> memref<40x128xi32, #tpu.memory_space<hbm>>
      %dma_start3A_51 = arith.constant 0 : i32
      %dma_start3A_52 = arith.constant 0 : i32
      %dma_start3A_53 = tpu.memref_slice %arg3[%add3A, %dma_start3A_51, %dma_start3A_52] : memref<32x80x128xi32, #tpu.memory_space<hbm>> -> memref<1x40x128xi32, #tpu.memory_space<hbm>>
      %dma_start3A_54 = tpu.memref_squeeze %dma_start3A_53 : memref<1x40x128xi32, #tpu.memory_space<hbm>> -> memref<40x128xi32, #tpu.memory_space<hbm>>
      tpu.enqueue_dma source(%dma_start3A_54 : memref<40x128xi32, #tpu.memory_space<hbm>>) target(%arg6 : memref<40x128xi32, #tpu.memory_space<vmem>>) target_semaphore(%run_scoped3A : memref<!tpu.dma_semaphore, #tpu.memory_space<semaphore_mem>>)
      %dma_wait3A = arith.constant 0 : i32
      %dma_wait3A_55 = arith.constant 0 : i32
      %dma_wait3A_56 = tpu.memref_slice %arg3[%add3A, %dma_wait3A, %dma_wait3A_55] : memref<32x80x128xi32, #tpu.memory_space<hbm>> -> memref<1x40x128xi32, #tpu.memory_space<hbm>>
      %dma_wait3A_57 = tpu.memref_squeeze %dma_wait3A_56 : memref<1x40x128xi32, #tpu.memory_space<hbm>> -> memref<40x128xi32, #tpu.memory_space<hbm>>
      %dma_wait3A_58 = arith.constant 0 : i32
      %dma_wait3A_59 = arith.constant 0 : i32
      %dma_wait3A_60 = tpu.memref_slice %arg3[%add3A, %dma_wait3A_58, %dma_wait3A_59] : memref<32x80x128xi32, #tpu.memory_space<hbm>> -> memref<1x40x128xi32, #tpu.memory_space<hbm>>
      %dma_wait3A_61 = tpu.memref_squeeze %dma_wait3A_60 : memref<1x40x128xi32, #tpu.memory_space<hbm>> -> memref<40x128xi32, #tpu.memory_space<hbm>>
      tpu.wait_dma2 semaphore(%run_scoped3A : memref<!tpu.dma_semaphore, #tpu.memory_space<semaphore_mem>>) src(%dma_wait3A_61 : memref<40x128xi32, #tpu.memory_space<hbm>>) dst(%arg6 : memref<40x128xi32, #tpu.memory_space<vmem>>)
      tpu.yield
    }) : () -> ()
    "tpu.region"() ({
      %run_scoped3A = tpu.sem_alloc : memref<!tpu.dma_semaphore, #tpu.memory_space<semaphore_mem>>
      %dma_start3A_47 = arith.constant 0 : i32
      %dma_start3A_48 = arith.constant 0 : i32
      %dma_start3A_49 = tpu.memref_slice %arg4[%add3A, %dma_start3A_47, %dma_start3A_48] : memref<32x80x128xi32, #tpu.memory_space<hbm>> -> memref<1x40x128xi32, #tpu.memory_space<hbm>>
      %dma_start3A_50 = tpu.memref_squeeze %dma_start3A_49 : memref<1x40x128xi32, #tpu.memory_space<hbm>> -> memref<40x128xi32, #tpu.memory_space<hbm>>
      %dma_start3A_51 = arith.constant 0 : i32
      %dma_start3A_52 = arith.constant 0 : i32
      %dma_start3A_53 = tpu.memref_slice %arg4[%add3A, %dma_start3A_51, %dma_start3A_52] : memref<32x80x128xi32, #tpu.memory_space<hbm>> -> memref<1x40x128xi32, #tpu.memory_space<hbm>>
      %dma_start3A_54 = tpu.memref_squeeze %dma_start3A_53 : memref<1x40x128xi32, #tpu.memory_space<hbm>> -> memref<40x128xi32, #tpu.memory_space<hbm>>
      tpu.enqueue_dma source(%dma_start3A_54 : memref<40x128xi32, #tpu.memory_space<hbm>>) target(%arg7 : memref<40x128xi32, #tpu.memory_space<vmem>>) target_semaphore(%run_scoped3A : memref<!tpu.dma_semaphore, #tpu.memory_space<semaphore_mem>>)
      %dma_wait3A = arith.constant 0 : i32
      %dma_wait3A_55 = arith.constant 0 : i32
      %dma_wait3A_56 = tpu.memref_slice %arg4[%add3A, %dma_wait3A, %dma_wait3A_55] : memref<32x80x128xi32, #tpu.memory_space<hbm>> -> memref<1x40x128xi32, #tpu.memory_space<hbm>>
      %dma_wait3A_57 = tpu.memref_squeeze %dma_wait3A_56 : memref<1x40x128xi32, #tpu.memory_space<hbm>> -> memref<40x128xi32, #tpu.memory_space<hbm>>
      %dma_wait3A_58 = arith.constant 0 : i32
      %dma_wait3A_59 = arith.constant 0 : i32
      %dma_wait3A_60 = tpu.memref_slice %arg4[%add3A, %dma_wait3A_58, %dma_wait3A_59] : memref<32x80x128xi32, #tpu.memory_space<hbm>> -> memref<1x40x128xi32, #tpu.memory_space<hbm>>
      %dma_wait3A_61 = tpu.memref_squeeze %dma_wait3A_60 : memref<1x40x128xi32, #tpu.memory_space<hbm>> -> memref<40x128xi32, #tpu.memory_space<hbm>>
      tpu.wait_dma2 semaphore(%run_scoped3A : memref<!tpu.dma_semaphore, #tpu.memory_space<semaphore_mem>>) src(%dma_wait3A_61 : memref<40x128xi32, #tpu.memory_space<hbm>>) dst(%arg7 : memref<40x128xi32, #tpu.memory_space<vmem>>)
      tpu.yield
    }) : () -> ()
    %dma_start3A = arith.constant 0 : i32
    %dma_start3A_15 = arith.constant 0 : i32
    %dma_start3A_16 = tpu.memref_slice %arg6[%dma_start3A, %dma_start3A_15] : memref<40x128xi32, #tpu.memory_space<vmem>> -> memref<1x128xi32, #tpu.memory_space<vmem>>
    %dma_start3A_17 = tpu.memref_squeeze %dma_start3A_16 : memref<1x128xi32, #tpu.memory_space<vmem>> -> memref<128xi32, #tpu.memory_space<vmem>>
    %dma_start3A_18 = arith.constant 0 : i32
    %dma_start3A_19 = arith.constant 0 : i32
    %dma_start3A_20 = tpu.memref_slice %arg2[%dma_start3A_18, %dma_start3A_19] : memref<10240x128xf32, #tpu.memory_space<hbm>> -> memref<10240x128xf32, #tpu.memory_space<hbm>>
    tpu.enqueue_indirect_dma source(%dma_start3A_20 : memref<10240x128xf32, #tpu.memory_space<hbm>>) target(%arg8 : memref<128x128xf32, #tpu.memory_space<vmem>>) offsets(%dma_start3A_17 : memref<128xi32, #tpu.memory_space<vmem>>) semaphore(%arg11 : memref<!tpu.dma_semaphore, #tpu.memory_space<semaphore_mem>>)
    %scan3A_21 = arith.constant 0 : i32
    %scan3A_22 = arith.constant 0 : i32
    %scan3A_23 = arith.constant 20 : i32
    %scan3A_24 = arith.addi %scan3A_22, %scan3A_23 : i32
    %scan3A_25 = arith.constant 1 : i32
    %scan3A_26 = scf.for %scan3A_47 = %scan3A_22 to %scan3A_24 step %scan3A_25 iter_args(%scan3A_48 = %scan3A_21) -> (i32)  : i32 {
      %mul3A_49 = arith.constant 2 : i32
      %mul3A_50 = arith.muli %mul3A_49, %scan3A_47 : i32
      %add3A_51 = arith.constant 1 : i32
      %add3A_52 = arith.addi %mul3A_50, %add3A_51 : i32
      %dma_start3A_53 = arith.constant 0 : i32
      %dma_start3A_54 = tpu.memref_slice %arg6[%add3A_52, %dma_start3A_53] : memref<40x128xi32, #tpu.memory_space<vmem>> -> memref<1x128xi32, #tpu.memory_space<vmem>>
      %dma_start3A_55 = tpu.memref_squeeze %dma_start3A_54 : memref<1x128xi32, #tpu.memory_space<vmem>> -> memref<128xi32, #tpu.memory_space<vmem>>
      %dma_start3A_56 = arith.constant 0 : i32
      %dma_start3A_57 = arith.constant 0 : i32
      %dma_start3A_58 = tpu.memref_slice %arg2[%dma_start3A_56, %dma_start3A_57] : memref<10240x128xf32, #tpu.memory_space<hbm>> -> memref<10240x128xf32, #tpu.memory_space<hbm>>
      tpu.enqueue_indirect_dma source(%dma_start3A_58 : memref<10240x128xf32, #tpu.memory_space<hbm>>) target(%arg9 : memref<128x128xf32, #tpu.memory_space<vmem>>) offsets(%dma_start3A_55 : memref<128xi32, #tpu.memory_space<vmem>>) semaphore(%arg12 : memref<!tpu.dma_semaphore, #tpu.memory_space<semaphore_mem>>)
      %dma_wait3A = arith.constant 0 : i32
      %dma_wait3A_59 = tpu.memref_slice %arg6[%mul3A_50, %dma_wait3A] : memref<40x128xi32, #tpu.memory_space<vmem>> -> memref<1x128xi32, #tpu.memory_space<vmem>>
      %dma_wait3A_60 = tpu.memref_squeeze %dma_wait3A_59 : memref<1x128xi32, #tpu.memory_space<vmem>> -> memref<128xi32, #tpu.memory_space<vmem>>
      %dma_wait3A_61 = arith.constant 0 : i32
      %dma_wait3A_62 = arith.constant 0 : i32
      %dma_wait3A_63 = tpu.memref_slice %arg2[%dma_wait3A_61, %dma_wait3A_62] : memref<10240x128xf32, #tpu.memory_space<hbm>> -> memref<10240x128xf32, #tpu.memory_space<hbm>>
      tpu.wait_indirect_dma semaphore(%arg11 : memref<!tpu.dma_semaphore, #tpu.memory_space<semaphore_mem>>) src(%dma_wait3A_63 : memref<10240x128xf32, #tpu.memory_space<hbm>>) dst(%arg8 : memref<128x128xf32, #tpu.memory_space<vmem>>)
      "tpu.region"() ({
        %run_scoped3A = tpu.sem_alloc : memref<!tpu.dma_semaphore, #tpu.memory_space<semaphore_mem>>
        %dma_start3A_79 = arith.constant 0 : i32
        %dma_start3A_80 = tpu.memref_slice %arg7[%mul3A_50, %dma_start3A_79] : memref<40x128xi32, #tpu.memory_space<vmem>> -> memref<1x128xi32, #tpu.memory_space<vmem>>
        %dma_start3A_81 = tpu.memref_squeeze %dma_start3A_80 : memref<1x128xi32, #tpu.memory_space<vmem>> -> memref<128xi32, #tpu.memory_space<vmem>>
        %dma_start3A_82 = arith.constant 0 : i32
        %dma_start3A_83 = arith.constant 0 : i32
        %dma_start3A_84 = tpu.memref_slice %arg10[%dma_start3A_82, %dma_start3A_83] : memref<10240x128xf32, #tpu.memory_space<vmem_shared>> -> memref<10240x128xf32, #tpu.memory_space<vmem_shared>>
        tpu.enqueue_indirect_dma source(%arg8 : memref<128x128xf32, #tpu.memory_space<vmem>>) target(%dma_start3A_84 : memref<10240x128xf32, #tpu.memory_space<vmem_shared>>) offsets(%dma_start3A_81 : memref<128xi32, #tpu.memory_space<vmem>>) semaphore(%run_scoped3A : memref<!tpu.dma_semaphore, #tpu.memory_space<semaphore_mem>>) {add = true}
        %dma_wait3A_85 = arith.constant 0 : i32
        %dma_wait3A_86 = tpu.memref_slice %arg7[%mul3A_50, %dma_wait3A_85] : memref<40x128xi32, #tpu.memory_space<vmem>> -> memref<1x128xi32, #tpu.memory_space<vmem>>
        %dma_wait3A_87 = tpu.memref_squeeze %dma_wait3A_86 : memref<1x128xi32, #tpu.memory_space<vmem>> -> memref<128xi32, #tpu.memory_space<vmem>>
        %dma_wait3A_88 = arith.constant 0 : i32
        %dma_wait3A_89 = arith.constant 0 : i32
        %dma_wait3A_90 = tpu.memref_slice %arg10[%dma_wait3A_88, %dma_wait3A_89] : memref<10240x128xf32, #tpu.memory_space<vmem_shared>> -> memref<10240x128xf32, #tpu.memory_space<vmem_shared>>
        tpu.wait_indirect_dma semaphore(%run_scoped3A : memref<!tpu.dma_semaphore, #tpu.memory_space<semaphore_mem>>) src(%arg8 : memref<128x128xf32, #tpu.memory_space<vmem>>) dst(%dma_wait3A_90 : memref<10240x128xf32, #tpu.memory_space<vmem_shared>>)
        tpu.yield
      }) : () -> ()
      %add3A_64 = arith.constant 2 : i32
      %add3A_65 = arith.addi %mul3A_50, %add3A_64 : i32
      %lt3A = arith.constant 40 : i32
      %lt3A_66 = arith.cmpi slt, %add3A_65, %lt3A : i32
      %convert_element_type3A = arith.extui %lt3A_66 : i1 to i32
      %cond3A = arith.constant 0 : i32
      %cond3A_67 = arith.cmpi ne, %convert_element_type3A, %cond3A : i32
      scf.if %cond3A_67 {
        %add3A_79 = arith.constant 2 : i32
        %add3A_80 = arith.addi %mul3A_50, %add3A_79 : i32
        %dma_start3A_81 = arith.constant 0 : i32
        %dma_start3A_82 = tpu.memref_slice %arg6[%add3A_80, %dma_start3A_81] : memref<40x128xi32, #tpu.memory_space<vmem>> -> memref<1x128xi32, #tpu.memory_space<vmem>>
        %dma_start3A_83 = tpu.memref_squeeze %dma_start3A_82 : memref<1x128xi32, #tpu.memory_space<vmem>> -> memref<128xi32, #tpu.memory_space<vmem>>
        %dma_start3A_84 = arith.constant 0 : i32
        %dma_start3A_85 = arith.constant 0 : i32
        %dma_start3A_86 = tpu.memref_slice %arg2[%dma_start3A_84, %dma_start3A_85] : memref<10240x128xf32, #tpu.memory_space<hbm>> -> memref<10240x128xf32, #tpu.memory_space<hbm>>
        tpu.enqueue_indirect_dma source(%dma_start3A_86 : memref<10240x128xf32, #tpu.memory_space<hbm>>) target(%arg8 : memref<128x128xf32, #tpu.memory_space<vmem>>) offsets(%dma_start3A_83 : memref<128xi32, #tpu.memory_space<vmem>>) semaphore(%arg11 : memref<!tpu.dma_semaphore, #tpu.memory_space<semaphore_mem>>)
      } else {
      }
      %add3A_68 = arith.constant 1 : i32
      %add3A_69 = arith.addi %mul3A_50, %add3A_68 : i32
      %dma_wait3A_70 = arith.constant 0 : i32
      %dma_wait3A_71 = tpu.memref_slice %arg6[%add3A_69, %dma_wait3A_70] : memref<40x128xi32, #tpu.memory_space<vmem>> -> memref<1x128xi32, #tpu.memory_space<vmem>>
      %dma_wait3A_72 = tpu.memref_squeeze %dma_wait3A_71 : memref<1x128xi32, #tpu.memory_space<vmem>> -> memref<128xi32, #tpu.memory_space<vmem>>
      %dma_wait3A_73 = arith.constant 0 : i32
      %dma_wait3A_74 = arith.constant 0 : i32
      %dma_wait3A_75 = tpu.memref_slice %arg2[%dma_wait3A_73, %dma_wait3A_74] : memref<10240x128xf32, #tpu.memory_space<hbm>> -> memref<10240x128xf32, #tpu.memory_space<hbm>>
      tpu.wait_indirect_dma semaphore(%arg12 : memref<!tpu.dma_semaphore, #tpu.memory_space<semaphore_mem>>) src(%dma_wait3A_75 : memref<10240x128xf32, #tpu.memory_space<hbm>>) dst(%arg9 : memref<128x128xf32, #tpu.memory_space<vmem>>)
      %add3A_76 = arith.constant 1 : i32
      %add3A_77 = arith.addi %mul3A_50, %add3A_76 : i32
      "tpu.region"() ({
        %run_scoped3A = tpu.sem_alloc : memref<!tpu.dma_semaphore, #tpu.memory_space<semaphore_mem>>
        %dma_start3A_79 = arith.constant 0 : i32
        %dma_start3A_80 = tpu.memref_slice %arg7[%add3A_77, %dma_start3A_79] : memref<40x128xi32, #tpu.memory_space<vmem>> -> memref<1x128xi32, #tpu.memory_space<vmem>>
        %dma_start3A_81 = tpu.memref_squeeze %dma_start3A_80 : memref<1x128xi32, #tpu.memory_space<vmem>> -> memref<128xi32, #tpu.memory_space<vmem>>
        %dma_start3A_82 = arith.constant 0 : i32
        %dma_start3A_83 = arith.constant 0 : i32
        %dma_start3A_84 = tpu.memref_slice %arg10[%dma_start3A_82, %dma_start3A_83] : memref<10240x128xf32, #tpu.memory_space<vmem_shared>> -> memref<10240x128xf32, #tpu.memory_space<vmem_shared>>
        tpu.enqueue_indirect_dma source(%arg9 : memref<128x128xf32, #tpu.memory_space<vmem>>) target(%dma_start3A_84 : memref<10240x128xf32, #tpu.memory_space<vmem_shared>>) offsets(%dma_start3A_81 : memref<128xi32, #tpu.memory_space<vmem>>) semaphore(%run_scoped3A : memref<!tpu.dma_semaphore, #tpu.memory_space<semaphore_mem>>) {add = true}
        %dma_wait3A_85 = arith.constant 0 : i32
        %dma_wait3A_86 = tpu.memref_slice %arg7[%add3A_77, %dma_wait3A_85] : memref<40x128xi32, #tpu.memory_space<vmem>> -> memref<1x128xi32, #tpu.memory_space<vmem>>
        %dma_wait3A_87 = tpu.memref_squeeze %dma_wait3A_86 : memref<1x128xi32, #tpu.memory_space<vmem>> -> memref<128xi32, #tpu.memory_space<vmem>>
        %dma_wait3A_88 = arith.constant 0 : i32
        %dma_wait3A_89 = arith.constant 0 : i32
        %dma_wait3A_90 = tpu.memref_slice %arg10[%dma_wait3A_88, %dma_wait3A_89] : memref<10240x128xf32, #tpu.memory_space<vmem_shared>> -> memref<10240x128xf32, #tpu.memory_space<vmem_shared>>
        tpu.wait_indirect_dma semaphore(%run_scoped3A : memref<!tpu.dma_semaphore, #tpu.memory_space<semaphore_mem>>) src(%arg9 : memref<128x128xf32, #tpu.memory_space<vmem>>) dst(%dma_wait3A_90 : memref<10240x128xf32, #tpu.memory_space<vmem_shared>>)
        tpu.yield
      }) : () -> ()
      %scan3A_78 = arith.constant 0 : i32
      scf.yield %scan3A_78 : i32
    }
    %scan3A_27 = arith.constant 20 : i32
    "tpu.region"() ({
      %run_scoped3A = tpu.sem_alloc : memref<!tpu.dma_semaphore, #tpu.memory_space<semaphore_mem>>
      %dma_start3A_47 = arith.constant 40 : i32
      %dma_start3A_48 = arith.constant 0 : i32
      %dma_start3A_49 = tpu.memref_slice %arg3[%add3A, %dma_start3A_47, %dma_start3A_48] : memref<32x80x128xi32, #tpu.memory_space<hbm>> -> memref<1x40x128xi32, #tpu.memory_space<hbm>>
      %dma_start3A_50 = tpu.memref_squeeze %dma_start3A_49 : memref<1x40x128xi32, #tpu.memory_space<hbm>> -> memref<40x128xi32, #tpu.memory_space<hbm>>
      %dma_start3A_51 = arith.constant 40 : i32
      %dma_start3A_52 = arith.constant 0 : i32
      %dma_start3A_53 = tpu.memref_slice %arg3[%add3A, %dma_start3A_51, %dma_start3A_52] : memref<32x80x128xi32, #tpu.memory_space<hbm>> -> memref<1x40x128xi32, #tpu.memory_space<hbm>>
      %dma_start3A_54 = tpu.memref_squeeze %dma_start3A_53 : memref<1x40x128xi32, #tpu.memory_space<hbm>> -> memref<40x128xi32, #tpu.memory_space<hbm>>
      tpu.enqueue_dma source(%dma_start3A_54 : memref<40x128xi32, #tpu.memory_space<hbm>>) target(%arg6 : memref<40x128xi32, #tpu.memory_space<vmem>>) target_semaphore(%run_scoped3A : memref<!tpu.dma_semaphore, #tpu.memory_space<semaphore_mem>>)
      %dma_wait3A = arith.constant 40 : i32
      %dma_wait3A_55 = arith.constant 0 : i32
      %dma_wait3A_56 = tpu.memref_slice %arg3[%add3A, %dma_wait3A, %dma_wait3A_55] : memref<32x80x128xi32, #tpu.memory_space<hbm>> -> memref<1x40x128xi32, #tpu.memory_space<hbm>>
      %dma_wait3A_57 = tpu.memref_squeeze %dma_wait3A_56 : memref<1x40x128xi32, #tpu.memory_space<hbm>> -> memref<40x128xi32, #tpu.memory_space<hbm>>
      %dma_wait3A_58 = arith.constant 40 : i32
      %dma_wait3A_59 = arith.constant 0 : i32
      %dma_wait3A_60 = tpu.memref_slice %arg3[%add3A, %dma_wait3A_58, %dma_wait3A_59] : memref<32x80x128xi32, #tpu.memory_space<hbm>> -> memref<1x40x128xi32, #tpu.memory_space<hbm>>
      %dma_wait3A_61 = tpu.memref_squeeze %dma_wait3A_60 : memref<1x40x128xi32, #tpu.memory_space<hbm>> -> memref<40x128xi32, #tpu.memory_space<hbm>>
      tpu.wait_dma2 semaphore(%run_scoped3A : memref<!tpu.dma_semaphore, #tpu.memory_space<semaphore_mem>>) src(%dma_wait3A_61 : memref<40x128xi32, #tpu.memory_space<hbm>>) dst(%arg6 : memref<40x128xi32, #tpu.memory_space<vmem>>)
      tpu.yield
    }) : () -> ()
    "tpu.region"() ({
      %run_scoped3A = tpu.sem_alloc : memref<!tpu.dma_semaphore, #tpu.memory_space<semaphore_mem>>
      %dma_start3A_47 = arith.constant 40 : i32
      %dma_start3A_48 = arith.constant 0 : i32
      %dma_start3A_49 = tpu.memref_slice %arg4[%add3A, %dma_start3A_47, %dma_start3A_48] : memref<32x80x128xi32, #tpu.memory_space<hbm>> -> memref<1x40x128xi32, #tpu.memory_space<hbm>>
      %dma_start3A_50 = tpu.memref_squeeze %dma_start3A_49 : memref<1x40x128xi32, #tpu.memory_space<hbm>> -> memref<40x128xi32, #tpu.memory_space<hbm>>
      %dma_start3A_51 = arith.constant 40 : i32
      %dma_start3A_52 = arith.constant 0 : i32
      %dma_start3A_53 = tpu.memref_slice %arg4[%add3A, %dma_start3A_51, %dma_start3A_52] : memref<32x80x128xi32, #tpu.memory_space<hbm>> -> memref<1x40x128xi32, #tpu.memory_space<hbm>>
      %dma_start3A_54 = tpu.memref_squeeze %dma_start3A_53 : memref<1x40x128xi32, #tpu.memory_space<hbm>> -> memref<40x128xi32, #tpu.memory_space<hbm>>
      tpu.enqueue_dma source(%dma_start3A_54 : memref<40x128xi32, #tpu.memory_space<hbm>>) target(%arg7 : memref<40x128xi32, #tpu.memory_space<vmem>>) target_semaphore(%run_scoped3A : memref<!tpu.dma_semaphore, #tpu.memory_space<semaphore_mem>>)
      %dma_wait3A = arith.constant 40 : i32
      %dma_wait3A_55 = arith.constant 0 : i32
      %dma_wait3A_56 = tpu.memref_slice %arg4[%add3A, %dma_wait3A, %dma_wait3A_55] : memref<32x80x128xi32, #tpu.memory_space<hbm>> -> memref<1x40x128xi32, #tpu.memory_space<hbm>>
      %dma_wait3A_57 = tpu.memref_squeeze %dma_wait3A_56 : memref<1x40x128xi32, #tpu.memory_space<hbm>> -> memref<40x128xi32, #tpu.memory_space<hbm>>
      %dma_wait3A_58 = arith.constant 40 : i32
      %dma_wait3A_59 = arith.constant 0 : i32
      %dma_wait3A_60 = tpu.memref_slice %arg4[%add3A, %dma_wait3A_58, %dma_wait3A_59] : memref<32x80x128xi32, #tpu.memory_space<hbm>> -> memref<1x40x128xi32, #tpu.memory_space<hbm>>
      %dma_wait3A_61 = tpu.memref_squeeze %dma_wait3A_60 : memref<1x40x128xi32, #tpu.memory_space<hbm>> -> memref<40x128xi32, #tpu.memory_space<hbm>>
      tpu.wait_dma2 semaphore(%run_scoped3A : memref<!tpu.dma_semaphore, #tpu.memory_space<semaphore_mem>>) src(%dma_wait3A_61 : memref<40x128xi32, #tpu.memory_space<hbm>>) dst(%arg7 : memref<40x128xi32, #tpu.memory_space<vmem>>)
      tpu.yield
    }) : () -> ()
    %dma_start3A_28 = arith.constant 0 : i32
    %dma_start3A_29 = arith.constant 0 : i32
    %dma_start3A_30 = tpu.memref_slice %arg6[%dma_start3A_28, %dma_start3A_29] : memref<40x128xi32, #tpu.memory_space<vmem>> -> memref<1x128xi32, #tpu.memory_space<vmem>>
    %dma_start3A_31 = tpu.memref_squeeze %dma_start3A_30 : memref<1x128xi32, #tpu.memory_space<vmem>> -> memref<128xi32, #tpu.memory_space<vmem>>
    %dma_start3A_32 = arith.constant 0 : i32
    %dma_start3A_33 = arith.constant 0 : i32
    %dma_start3A_34 = tpu.memref_slice %arg2[%dma_start3A_32, %dma_start3A_33] : memref<10240x128xf32, #tpu.memory_space<hbm>> -> memref<10240x128xf32, #tpu.memory_space<hbm>>
    tpu.enqueue_indirect_dma source(%dma_start3A_34 : memref<10240x128xf32, #tpu.memory_space<hbm>>) target(%arg8 : memref<128x128xf32, #tpu.memory_space<vmem>>) offsets(%dma_start3A_31 : memref<128xi32, #tpu.memory_space<vmem>>) semaphore(%arg11 : memref<!tpu.dma_semaphore, #tpu.memory_space<semaphore_mem>>)
    %scan3A_35 = arith.constant 0 : i32
    %scan3A_36 = arith.constant 0 : i32
    %scan3A_37 = arith.constant 20 : i32
    %scan3A_38 = arith.addi %scan3A_36, %scan3A_37 : i32
    %scan3A_39 = arith.constant 1 : i32
    %scan3A_40 = scf.for %scan3A_47 = %scan3A_36 to %scan3A_38 step %scan3A_39 iter_args(%scan3A_48 = %scan3A_35) -> (i32)  : i32 {
      %mul3A_49 = arith.constant 2 : i32
      %mul3A_50 = arith.muli %mul3A_49, %scan3A_47 : i32
      %add3A_51 = arith.constant 1 : i32
      %add3A_52 = arith.addi %mul3A_50, %add3A_51 : i32
      %dma_start3A_53 = arith.constant 0 : i32
      %dma_start3A_54 = tpu.memref_slice %arg6[%add3A_52, %dma_start3A_53] : memref<40x128xi32, #tpu.memory_space<vmem>> -> memref<1x128xi32, #tpu.memory_space<vmem>>
      %dma_start3A_55 = tpu.memref_squeeze %dma_start3A_54 : memref<1x128xi32, #tpu.memory_space<vmem>> -> memref<128xi32, #tpu.memory_space<vmem>>
      %dma_start3A_56 = arith.constant 0 : i32
      %dma_start3A_57 = arith.constant 0 : i32
      %dma_start3A_58 = tpu.memref_slice %arg2[%dma_start3A_56, %dma_start3A_57] : memref<10240x128xf32, #tpu.memory_space<hbm>> -> memref<10240x128xf32, #tpu.memory_space<hbm>>
      tpu.enqueue_indirect_dma source(%dma_start3A_58 : memref<10240x128xf32, #tpu.memory_space<hbm>>) target(%arg9 : memref<128x128xf32, #tpu.memory_space<vmem>>) offsets(%dma_start3A_55 : memref<128xi32, #tpu.memory_space<vmem>>) semaphore(%arg12 : memref<!tpu.dma_semaphore, #tpu.memory_space<semaphore_mem>>)
      %dma_wait3A = arith.constant 0 : i32
      %dma_wait3A_59 = tpu.memref_slice %arg6[%mul3A_50, %dma_wait3A] : memref<40x128xi32, #tpu.memory_space<vmem>> -> memref<1x128xi32, #tpu.memory_space<vmem>>
      %dma_wait3A_60 = tpu.memref_squeeze %dma_wait3A_59 : memref<1x128xi32, #tpu.memory_space<vmem>> -> memref<128xi32, #tpu.memory_space<vmem>>
      %dma_wait3A_61 = arith.constant 0 : i32
      %dma_wait3A_62 = arith.constant 0 : i32
      %dma_wait3A_63 = tpu.memref_slice %arg2[%dma_wait3A_61, %dma_wait3A_62] : memref<10240x128xf32, #tpu.memory_space<hbm>> -> memref<10240x128xf32, #tpu.memory_space<hbm>>
      tpu.wait_indirect_dma semaphore(%arg11 : memref<!tpu.dma_semaphore, #tpu.memory_space<semaphore_mem>>) src(%dma_wait3A_63 : memref<10240x128xf32, #tpu.memory_space<hbm>>) dst(%arg8 : memref<128x128xf32, #tpu.memory_space<vmem>>)
      "tpu.region"() ({
        %run_scoped3A = tpu.sem_alloc : memref<!tpu.dma_semaphore, #tpu.memory_space<semaphore_mem>>
        %dma_start3A_79 = arith.constant 0 : i32
        %dma_start3A_80 = tpu.memref_slice %arg7[%mul3A_50, %dma_start3A_79] : memref<40x128xi32, #tpu.memory_space<vmem>> -> memref<1x128xi32, #tpu.memory_space<vmem>>
        %dma_start3A_81 = tpu.memref_squeeze %dma_start3A_80 : memref<1x128xi32, #tpu.memory_space<vmem>> -> memref<128xi32, #tpu.memory_space<vmem>>
        %dma_start3A_82 = arith.constant 0 : i32
        %dma_start3A_83 = arith.constant 0 : i32
        %dma_start3A_84 = tpu.memref_slice %arg10[%dma_start3A_82, %dma_start3A_83] : memref<10240x128xf32, #tpu.memory_space<vmem_shared>> -> memref<10240x128xf32, #tpu.memory_space<vmem_shared>>
        tpu.enqueue_indirect_dma source(%arg8 : memref<128x128xf32, #tpu.memory_space<vmem>>) target(%dma_start3A_84 : memref<10240x128xf32, #tpu.memory_space<vmem_shared>>) offsets(%dma_start3A_81 : memref<128xi32, #tpu.memory_space<vmem>>) semaphore(%run_scoped3A : memref<!tpu.dma_semaphore, #tpu.memory_space<semaphore_mem>>) {add = true}
        %dma_wait3A_85 = arith.constant 0 : i32
        %dma_wait3A_86 = tpu.memref_slice %arg7[%mul3A_50, %dma_wait3A_85] : memref<40x128xi32, #tpu.memory_space<vmem>> -> memref<1x128xi32, #tpu.memory_space<vmem>>
        %dma_wait3A_87 = tpu.memref_squeeze %dma_wait3A_86 : memref<1x128xi32, #tpu.memory_space<vmem>> -> memref<128xi32, #tpu.memory_space<vmem>>
        %dma_wait3A_88 = arith.constant 0 : i32
        %dma_wait3A_89 = arith.constant 0 : i32
        %dma_wait3A_90 = tpu.memref_slice %arg10[%dma_wait3A_88, %dma_wait3A_89] : memref<10240x128xf32, #tpu.memory_space<vmem_shared>> -> memref<10240x128xf32, #tpu.memory_space<vmem_shared>>
        tpu.wait_indirect_dma semaphore(%run_scoped3A : memref<!tpu.dma_semaphore, #tpu.memory_space<semaphore_mem>>) src(%arg8 : memref<128x128xf32, #tpu.memory_space<vmem>>) dst(%dma_wait3A_90 : memref<10240x128xf32, #tpu.memory_space<vmem_shared>>)
        tpu.yield
      }) : () -> ()
      %add3A_64 = arith.constant 2 : i32
      %add3A_65 = arith.addi %mul3A_50, %add3A_64 : i32
      %lt3A = arith.constant 40 : i32
      %lt3A_66 = arith.cmpi slt, %add3A_65, %lt3A : i32
      %convert_element_type3A = arith.extui %lt3A_66 : i1 to i32
      %cond3A = arith.constant 0 : i32
      %cond3A_67 = arith.cmpi ne, %convert_element_type3A, %cond3A : i32
      scf.if %cond3A_67 {
        %add3A_79 = arith.constant 2 : i32
        %add3A_80 = arith.addi %mul3A_50, %add3A_79 : i32
        %dma_start3A_81 = arith.constant 0 : i32
        %dma_start3A_82 = tpu.memref_slice %arg6[%add3A_80, %dma_start3A_81] : memref<40x128xi32, #tpu.memory_space<vmem>> -> memref<1x128xi32, #tpu.memory_space<vmem>>
        %dma_start3A_83 = tpu.memref_squeeze %dma_start3A_82 : memref<1x128xi32, #tpu.memory_space<vmem>> -> memref<128xi32, #tpu.memory_space<vmem>>
        %dma_start3A_84 = arith.constant 0 : i32
        %dma_start3A_85 = arith.constant 0 : i32
        %dma_start3A_86 = tpu.memref_slice %arg2[%dma_start3A_84, %dma_start3A_85] : memref<10240x128xf32, #tpu.memory_space<hbm>> -> memref<10240x128xf32, #tpu.memory_space<hbm>>
        tpu.enqueue_indirect_dma source(%dma_start3A_86 : memref<10240x128xf32, #tpu.memory_space<hbm>>) target(%arg8 : memref<128x128xf32, #tpu.memory_space<vmem>>) offsets(%dma_start3A_83 : memref<128xi32, #tpu.memory_space<vmem>>) semaphore(%arg11 : memref<!tpu.dma_semaphore, #tpu.memory_space<semaphore_mem>>)
      } else {
      }
      %add3A_68 = arith.constant 1 : i32
      %add3A_69 = arith.addi %mul3A_50, %add3A_68 : i32
      %dma_wait3A_70 = arith.constant 0 : i32
      %dma_wait3A_71 = tpu.memref_slice %arg6[%add3A_69, %dma_wait3A_70] : memref<40x128xi32, #tpu.memory_space<vmem>> -> memref<1x128xi32, #tpu.memory_space<vmem>>
      %dma_wait3A_72 = tpu.memref_squeeze %dma_wait3A_71 : memref<1x128xi32, #tpu.memory_space<vmem>> -> memref<128xi32, #tpu.memory_space<vmem>>
      %dma_wait3A_73 = arith.constant 0 : i32
      %dma_wait3A_74 = arith.constant 0 : i32
      %dma_wait3A_75 = tpu.memref_slice %arg2[%dma_wait3A_73, %dma_wait3A_74] : memref<10240x128xf32, #tpu.memory_space<hbm>> -> memref<10240x128xf32, #tpu.memory_space<hbm>>
      tpu.wait_indirect_dma semaphore(%arg12 : memref<!tpu.dma_semaphore, #tpu.memory_space<semaphore_mem>>) src(%dma_wait3A_75 : memref<10240x128xf32, #tpu.memory_space<hbm>>) dst(%arg9 : memref<128x128xf32, #tpu.memory_space<vmem>>)
      %add3A_76 = arith.constant 1 : i32
      %add3A_77 = arith.addi %mul3A_50, %add3A_76 : i32
      "tpu.region"() ({
        %run_scoped3A = tpu.sem_alloc : memref<!tpu.dma_semaphore, #tpu.memory_space<semaphore_mem>>
        %dma_start3A_79 = arith.constant 0 : i32
        %dma_start3A_80 = tpu.memref_slice %arg7[%add3A_77, %dma_start3A_79] : memref<40x128xi32, #tpu.memory_space<vmem>> -> memref<1x128xi32, #tpu.memory_space<vmem>>
        %dma_start3A_81 = tpu.memref_squeeze %dma_start3A_80 : memref<1x128xi32, #tpu.memory_space<vmem>> -> memref<128xi32, #tpu.memory_space<vmem>>
        %dma_start3A_82 = arith.constant 0 : i32
        %dma_start3A_83 = arith.constant 0 : i32
        %dma_start3A_84 = tpu.memref_slice %arg10[%dma_start3A_82, %dma_start3A_83] : memref<10240x128xf32, #tpu.memory_space<vmem_shared>> -> memref<10240x128xf32, #tpu.memory_space<vmem_shared>>
        tpu.enqueue_indirect_dma source(%arg9 : memref<128x128xf32, #tpu.memory_space<vmem>>) target(%dma_start3A_84 : memref<10240x128xf32, #tpu.memory_space<vmem_shared>>) offsets(%dma_start3A_81 : memref<128xi32, #tpu.memory_space<vmem>>) semaphore(%run_scoped3A : memref<!tpu.dma_semaphore, #tpu.memory_space<semaphore_mem>>) {add = true}
        %dma_wait3A_85 = arith.constant 0 : i32
        %dma_wait3A_86 = tpu.memref_slice %arg7[%add3A_77, %dma_wait3A_85] : memref<40x128xi32, #tpu.memory_space<vmem>> -> memref<1x128xi32, #tpu.memory_space<vmem>>
        %dma_wait3A_87 = tpu.memref_squeeze %dma_wait3A_86 : memref<1x128xi32, #tpu.memory_space<vmem>> -> memref<128xi32, #tpu.memory_space<vmem>>
        %dma_wait3A_88 = arith.constant 0 : i32
        %dma_wait3A_89 = arith.constant 0 : i32
        %dma_wait3A_90 = tpu.memref_slice %arg10[%dma_wait3A_88, %dma_wait3A_89] : memref<10240x128xf32, #tpu.memory_space<vmem_shared>> -> memref<10240x128xf32, #tpu.memory_space<vmem_shared>>
        tpu.wait_indirect_dma semaphore(%run_scoped3A : memref<!tpu.dma_semaphore, #tpu.memory_space<semaphore_mem>>) src(%arg9 : memref<128x128xf32, #tpu.memory_space<vmem>>) dst(%dma_wait3A_90 : memref<10240x128xf32, #tpu.memory_space<vmem_shared>>)
        tpu.yield
      }) : () -> ()
      %scan3A_78 = arith.constant 0 : i32
      scf.yield %scan3A_78 : i32
    }
    %scan3A_41 = arith.constant 20 : i32
    %barrier3A_42 = arith.constant 0 : index
    tpu.barrier barrier_id(%barrier3A_42)
    %mul3A_43 = arith.constant 640 : i32
    %mul3A_44 = arith.muli %arg1, %mul3A_43 : i32
    %mul3A_45 = arith.constant 640 : i32
    %mul3A_46 = arith.muli %arg1, %mul3A_45 : i32
    "tpu.region"() ({
      %run_scoped3A = tpu.sem_alloc : memref<!tpu.dma_semaphore, #tpu.memory_space<semaphore_mem>>
      %dma_start3A_47 = arith.constant 0 : i32
      %dma_start3A_48 = tpu.memref_slice %arg5[%arg0, %mul3A_46, %dma_start3A_47] : memref<2x10240x128xf32, #tpu.memory_space<hbm>> -> memref<1x640x128xf32, #tpu.memory_space<hbm>>
      %dma_start3A_49 = tpu.memref_squeeze %dma_start3A_48 : memref<1x640x128xf32, #tpu.memory_space<hbm>> -> memref<640x128xf32, #tpu.memory_space<hbm>>
      %dma_start3A_50 = arith.constant 0 : i32
      %dma_start3A_51 = tpu.memref_slice %arg10[%mul3A_44, %dma_start3A_50] : memref<10240x128xf32, #tpu.memory_space<vmem_shared>> -> memref<640x128xf32, #tpu.memory_space<vmem_shared>>
      tpu.enqueue_dma source(%dma_start3A_51 : memref<640x128xf32, #tpu.memory_space<vmem_shared>>) target(%dma_start3A_49 : memref<640x128xf32, #tpu.memory_space<hbm>>) target_semaphore(%run_scoped3A : memref<!tpu.dma_semaphore, #tpu.memory_space<semaphore_mem>>)
      %dma_wait3A = arith.constant 0 : i32
      %dma_wait3A_52 = tpu.memref_slice %arg5[%arg0, %mul3A_46, %dma_wait3A] : memref<2x10240x128xf32, #tpu.memory_space<hbm>> -> memref<1x640x128xf32, #tpu.memory_space<hbm>>
      %dma_wait3A_53 = tpu.memref_squeeze %dma_wait3A_52 : memref<1x640x128xf32, #tpu.memory_space<hbm>> -> memref<640x128xf32, #tpu.memory_space<hbm>>
      %dma_wait3A_54 = arith.constant 0 : i32
      %dma_wait3A_55 = tpu.memref_slice %arg10[%mul3A_44, %dma_wait3A_54] : memref<10240x128xf32, #tpu.memory_space<vmem_shared>> -> memref<640x128xf32, #tpu.memory_space<vmem_shared>>
      tpu.wait_dma2 semaphore(%run_scoped3A : memref<!tpu.dma_semaphore, #tpu.memory_space<semaphore_mem>>) src(%dma_wait3A_55 : memref<640x128xf32, #tpu.memory_space<vmem_shared>>) dst(%dma_wait3A_53 : memref<640x128xf32, #tpu.memory_space<hbm>>)
      tpu.yield
    }) : () -> ()
    return
  }
}

#map = affine_map<(d0, d1) -> (0, 0, 0)>
#map1 = affine_map<(d0, d1) -> (0, 0)>
module attributes {stable_mosaic.version = 14 : i64} {
  func.func @_deg_kernel(%arg0: i32, %arg1: i32, %arg2: memref<32x80x128xi32, #tpu.memory_space<hbm>>, %arg3: memref<2x10240xf32, #tpu.memory_space<hbm>>, %arg4: memref<80x128xi32, #tpu.memory_space<vmem>>, %arg5: memref<128xf32, #tpu.memory_space<vmem>>, %arg6: memref<640xf32, #tpu.memory_space<vmem>>, %arg7: memref<10240xf32, #tpu.memory_space<vmem_shared>>, %arg8: memref<!tpu.dma_semaphore, #tpu.memory_space<semaphore_mem>>) attributes {dimension_semantics = [#tpu.dimension_semantics<core_parallel>, #tpu.dimension_semantics<subcore_parallel>], iteration_bounds = array<i64: 2, 16>, scalar_prefetch = 0 : i64, scratch_operands = 5 : i64, tpu.core_type = #tpu.core_type<sc_vector_subcore>, window_params = [{transform_indices = #map}, {transform_indices = #map1}]} {
    %mul3A = arith.constant 2 : i32
    %mul3A_0 = arith.muli %arg1, %mul3A : i32
    %add3A = arith.addi %mul3A_0, %arg0 : i32
    %broadcast_in_dim3A = arith.constant 1.000000e+00 : f32
    %broadcast_in_dim3A_1 = vector.broadcast %broadcast_in_dim3A : f32 to vector<16xf32>
    %swap3A = arith.constant 0 : index
    %swap3A_2 = tpu.vector_load %arg5[%swap3A] {strides = array<i32>} : memref<128xf32, #tpu.memory_space<vmem>>, vector<16xf32>,
    %swap3A_3 = vector.shape_cast %swap3A_2 : vector<16xf32> to vector<16xf32>
    %swap3A_4 = vector.shape_cast %broadcast_in_dim3A_1 : vector<16xf32> to vector<16xf32>
    tpu.vector_store %arg5[%swap3A], %swap3A_4 {strides = array<i32>} : memref<128xf32, #tpu.memory_space<vmem>>, vector<16xf32>,
    %swap3A_5 = arith.constant 16 : index
    %swap3A_6 = tpu.vector_load %arg5[%swap3A_5] {strides = array<i32>} : memref<128xf32, #tpu.memory_space<vmem>>, vector<16xf32>,
    %swap3A_7 = vector.shape_cast %swap3A_6 : vector<16xf32> to vector<16xf32>
    %swap3A_8 = vector.shape_cast %broadcast_in_dim3A_1 : vector<16xf32> to vector<16xf32>
    tpu.vector_store %arg5[%swap3A_5], %swap3A_8 {strides = array<i32>} : memref<128xf32, #tpu.memory_space<vmem>>, vector<16xf32>,
    %swap3A_9 = arith.constant 32 : index
    %swap3A_10 = tpu.vector_load %arg5[%swap3A_9] {strides = array<i32>} : memref<128xf32, #tpu.memory_space<vmem>>, vector<16xf32>,
    %swap3A_11 = vector.shape_cast %swap3A_10 : vector<16xf32> to vector<16xf32>
    %swap3A_12 = vector.shape_cast %broadcast_in_dim3A_1 : vector<16xf32> to vector<16xf32>
    tpu.vector_store %arg5[%swap3A_9], %swap3A_12 {strides = array<i32>} : memref<128xf32, #tpu.memory_space<vmem>>, vector<16xf32>,
    %swap3A_13 = arith.constant 48 : index
    %swap3A_14 = tpu.vector_load %arg5[%swap3A_13] {strides = array<i32>} : memref<128xf32, #tpu.memory_space<vmem>>, vector<16xf32>,
    %swap3A_15 = vector.shape_cast %swap3A_14 : vector<16xf32> to vector<16xf32>
    %swap3A_16 = vector.shape_cast %broadcast_in_dim3A_1 : vector<16xf32> to vector<16xf32>
    tpu.vector_store %arg5[%swap3A_13], %swap3A_16 {strides = array<i32>} : memref<128xf32, #tpu.memory_space<vmem>>, vector<16xf32>,
    %swap3A_17 = arith.constant 64 : index
    %swap3A_18 = tpu.vector_load %arg5[%swap3A_17] {strides = array<i32>} : memref<128xf32, #tpu.memory_space<vmem>>, vector<16xf32>,
    %swap3A_19 = vector.shape_cast %swap3A_18 : vector<16xf32> to vector<16xf32>
    %swap3A_20 = vector.shape_cast %broadcast_in_dim3A_1 : vector<16xf32> to vector<16xf32>
    tpu.vector_store %arg5[%swap3A_17], %swap3A_20 {strides = array<i32>} : memref<128xf32, #tpu.memory_space<vmem>>, vector<16xf32>,
    %swap3A_21 = arith.constant 80 : index
    %swap3A_22 = tpu.vector_load %arg5[%swap3A_21] {strides = array<i32>} : memref<128xf32, #tpu.memory_space<vmem>>, vector<16xf32>,
    %swap3A_23 = vector.shape_cast %swap3A_22 : vector<16xf32> to vector<16xf32>
    %swap3A_24 = vector.shape_cast %broadcast_in_dim3A_1 : vector<16xf32> to vector<16xf32>
    tpu.vector_store %arg5[%swap3A_21], %swap3A_24 {strides = array<i32>} : memref<128xf32, #tpu.memory_space<vmem>>, vector<16xf32>,
    %swap3A_25 = arith.constant 96 : index
    %swap3A_26 = tpu.vector_load %arg5[%swap3A_25] {strides = array<i32>} : memref<128xf32, #tpu.memory_space<vmem>>, vector<16xf32>,
    %swap3A_27 = vector.shape_cast %swap3A_26 : vector<16xf32> to vector<16xf32>
    %swap3A_28 = vector.shape_cast %broadcast_in_dim3A_1 : vector<16xf32> to vector<16xf32>
    tpu.vector_store %arg5[%swap3A_25], %swap3A_28 {strides = array<i32>} : memref<128xf32, #tpu.memory_space<vmem>>, vector<16xf32>,
    %swap3A_29 = arith.constant 112 : index
    %swap3A_30 = tpu.vector_load %arg5[%swap3A_29] {strides = array<i32>} : memref<128xf32, #tpu.memory_space<vmem>>, vector<16xf32>,
    %swap3A_31 = vector.shape_cast %swap3A_30 : vector<16xf32> to vector<16xf32>
    %swap3A_32 = vector.shape_cast %broadcast_in_dim3A_1 : vector<16xf32> to vector<16xf32>
    tpu.vector_store %arg5[%swap3A_29], %swap3A_32 {strides = array<i32>} : memref<128xf32, #tpu.memory_space<vmem>>, vector<16xf32>,
    %broadcast_in_dim3A_33 = arith.constant 0.000000e+00 : f32
    %broadcast_in_dim3A_34 = vector.broadcast %broadcast_in_dim3A_33 : f32 to vector<16xf32>
    %scan3A = arith.constant 0 : i32
    %scan3A_35 = arith.constant 0 : i32
    %scan3A_36 = arith.constant 40 : i32
    %scan3A_37 = arith.addi %scan3A_35, %scan3A_36 : i32
    %scan3A_38 = arith.constant 1 : i32
    %scan3A_39 = scf.for %scan3A_55 = %scan3A_35 to %scan3A_37 step %scan3A_38 iter_args(%scan3A_56 = %scan3A) -> (i32)  : i32 {
      %mul3A_57 = arith.constant 16 : i32
      %mul3A_58 = arith.muli %scan3A_55, %mul3A_57 : i32
      %swap3A_59 = arith.index_cast %mul3A_58 : i32 to index
      %swap3A_60 = tpu.vector_load %arg6[%swap3A_59] {strides = array<i32>} : memref<640xf32, #tpu.memory_space<vmem>>, vector<16xf32>,
      %swap3A_61 = vector.shape_cast %swap3A_60 : vector<16xf32> to vector<16xf32>
      %swap3A_62 = vector.shape_cast %broadcast_in_dim3A_34 : vector<16xf32> to vector<16xf32>
      tpu.vector_store %arg6[%swap3A_59], %swap3A_62 {strides = array<i32>} : memref<640xf32, #tpu.memory_space<vmem>>, vector<16xf32>,
      %scan3A_63 = arith.constant 0 : i32
      scf.yield %scan3A_63 : i32
    }
    %scan3A_40 = arith.constant 40 : i32
    "tpu.region"() ({
      %run_scoped3A = tpu.sem_alloc : memref<!tpu.dma_semaphore, #tpu.memory_space<semaphore_mem>>
      %dma_start3A = arith.constant 0 : i32
      %dma_start3A_55 = arith.constant 0 : i32
      %dma_start3A_56 = tpu.memref_slice %arg2[%add3A, %dma_start3A, %dma_start3A_55] : memref<32x80x128xi32, #tpu.memory_space<hbm>> -> memref<1x80x128xi32, #tpu.memory_space<hbm>>
      %dma_start3A_57 = tpu.memref_squeeze %dma_start3A_56 : memref<1x80x128xi32, #tpu.memory_space<hbm>> -> memref<80x128xi32, #tpu.memory_space<hbm>>
      %dma_start3A_58 = arith.constant 0 : i32
      %dma_start3A_59 = arith.constant 0 : i32
      %dma_start3A_60 = tpu.memref_slice %arg2[%add3A, %dma_start3A_58, %dma_start3A_59] : memref<32x80x128xi32, #tpu.memory_space<hbm>> -> memref<1x80x128xi32, #tpu.memory_space<hbm>>
      %dma_start3A_61 = tpu.memref_squeeze %dma_start3A_60 : memref<1x80x128xi32, #tpu.memory_space<hbm>> -> memref<80x128xi32, #tpu.memory_space<hbm>>
      tpu.enqueue_dma source(%dma_start3A_61 : memref<80x128xi32, #tpu.memory_space<hbm>>) target(%arg4 : memref<80x128xi32, #tpu.memory_space<vmem>>) target_semaphore(%run_scoped3A : memref<!tpu.dma_semaphore, #tpu.memory_space<semaphore_mem>>)
      %dma_wait3A = arith.constant 0 : i32
      %dma_wait3A_62 = arith.constant 0 : i32
      %dma_wait3A_63 = tpu.memref_slice %arg2[%add3A, %dma_wait3A, %dma_wait3A_62] : memref<32x80x128xi32, #tpu.memory_space<hbm>> -> memref<1x80x128xi32, #tpu.memory_space<hbm>>
      %dma_wait3A_64 = tpu.memref_squeeze %dma_wait3A_63 : memref<1x80x128xi32, #tpu.memory_space<hbm>> -> memref<80x128xi32, #tpu.memory_space<hbm>>
      %dma_wait3A_65 = arith.constant 0 : i32
      %dma_wait3A_66 = arith.constant 0 : i32
      %dma_wait3A_67 = tpu.memref_slice %arg2[%add3A, %dma_wait3A_65, %dma_wait3A_66] : memref<32x80x128xi32, #tpu.memory_space<hbm>> -> memref<1x80x128xi32, #tpu.memory_space<hbm>>
      %dma_wait3A_68 = tpu.memref_squeeze %dma_wait3A_67 : memref<1x80x128xi32, #tpu.memory_space<hbm>> -> memref<80x128xi32, #tpu.memory_space<hbm>>
      tpu.wait_dma2 semaphore(%run_scoped3A : memref<!tpu.dma_semaphore, #tpu.memory_space<semaphore_mem>>) src(%dma_wait3A_68 : memref<80x128xi32, #tpu.memory_space<hbm>>) dst(%arg4 : memref<80x128xi32, #tpu.memory_space<vmem>>)
      tpu.yield
    }) : () -> ()
    %mul3A_41 = arith.constant 640 : i32
    %mul3A_42 = arith.muli %arg1, %mul3A_41 : i32
    "tpu.region"() ({
      %run_scoped3A = tpu.sem_alloc : memref<!tpu.dma_semaphore, #tpu.memory_space<semaphore_mem>>
      %dma_start3A = tpu.memref_slice %arg7[%mul3A_42] : memref<10240xf32, #tpu.memory_space<vmem_shared>> -> memref<640xf32, #tpu.memory_space<vmem_shared>>
      %dma_start3A_55 = tpu.memref_slice %arg7[%mul3A_42] : memref<10240xf32, #tpu.memory_space<vmem_shared>> -> memref<640xf32, #tpu.memory_space<vmem_shared>>
      tpu.enqueue_dma source(%arg6 : memref<640xf32, #tpu.memory_space<vmem>>) target(%dma_start3A_55 : memref<640xf32, #tpu.memory_space<vmem_shared>>) target_semaphore(%run_scoped3A : memref<!tpu.dma_semaphore, #tpu.memory_space<semaphore_mem>>)
      %dma_wait3A = tpu.memref_slice %arg7[%mul3A_42] : memref<10240xf32, #tpu.memory_space<vmem_shared>> -> memref<640xf32, #tpu.memory_space<vmem_shared>>
      %dma_wait3A_56 = tpu.memref_slice %arg7[%mul3A_42] : memref<10240xf32, #tpu.memory_space<vmem_shared>> -> memref<640xf32, #tpu.memory_space<vmem_shared>>
      tpu.wait_dma2 semaphore(%run_scoped3A : memref<!tpu.dma_semaphore, #tpu.memory_space<semaphore_mem>>) src(%arg6 : memref<640xf32, #tpu.memory_space<vmem>>) dst(%dma_wait3A_56 : memref<640xf32, #tpu.memory_space<vmem_shared>>)
      tpu.yield
    }) : () -> ()
    %barrier3A = arith.constant 0 : index
    tpu.barrier barrier_id(%barrier3A)
    %scan3A_43 = arith.constant 0 : i32
    %scan3A_44 = arith.constant 0 : i32
    %scan3A_45 = arith.constant 80 : i32
    %scan3A_46 = arith.addi %scan3A_44, %scan3A_45 : i32
    %scan3A_47 = arith.constant 1 : i32
    %scan3A_48 = scf.for %scan3A_55 = %scan3A_44 to %scan3A_46 step %scan3A_47 iter_args(%scan3A_56 = %scan3A_43) -> (i32)  : i32 {
      "tpu.region"() ({
        %run_scoped3A = tpu.sem_alloc : memref<!tpu.dma_semaphore, #tpu.memory_space<semaphore_mem>>
        %dma_start3A = arith.constant 0 : i32
        %dma_start3A_58 = tpu.memref_slice %arg4[%scan3A_55, %dma_start3A] : memref<80x128xi32, #tpu.memory_space<vmem>> -> memref<1x128xi32, #tpu.memory_space<vmem>>
        %dma_start3A_59 = tpu.memref_squeeze %dma_start3A_58 : memref<1x128xi32, #tpu.memory_space<vmem>> -> memref<128xi32, #tpu.memory_space<vmem>>
        %dma_start3A_60 = arith.constant 0 : i32
        %dma_start3A_61 = tpu.memref_slice %arg7[%dma_start3A_60] : memref<10240xf32, #tpu.memory_space<vmem_shared>> -> memref<10240xf32, #tpu.memory_space<vmem_shared>>
        tpu.enqueue_indirect_dma source(%arg5 : memref<128xf32, #tpu.memory_space<vmem>>) target(%dma_start3A_61 : memref<10240xf32, #tpu.memory_space<vmem_shared>>) offsets(%dma_start3A_59 : memref<128xi32, #tpu.memory_space<vmem>>) semaphore(%run_scoped3A : memref<!tpu.dma_semaphore, #tpu.memory_space<semaphore_mem>>) {add = true}
        %dma_wait3A = arith.constant 0 : i32
        %dma_wait3A_62 = tpu.memref_slice %arg4[%scan3A_55, %dma_wait3A] : memref<80x128xi32, #tpu.memory_space<vmem>> -> memref<1x128xi32, #tpu.memory_space<vmem>>
        %dma_wait3A_63 = tpu.memref_squeeze %dma_wait3A_62 : memref<1x128xi32, #tpu.memory_space<vmem>> -> memref<128xi32, #tpu.memory_space<vmem>>
        %dma_wait3A_64 = arith.constant 0 : i32
        %dma_wait3A_65 = tpu.memref_slice %arg7[%dma_wait3A_64] : memref<10240xf32, #tpu.memory_space<vmem_shared>> -> memref<10240xf32, #tpu.memory_space<vmem_shared>>
        tpu.wait_indirect_dma semaphore(%run_scoped3A : memref<!tpu.dma_semaphore, #tpu.memory_space<semaphore_mem>>) src(%arg5 : memref<128xf32, #tpu.memory_space<vmem>>) dst(%dma_wait3A_65 : memref<10240xf32, #tpu.memory_space<vmem_shared>>)
        tpu.yield
      }) : () -> ()
      %scan3A_57 = arith.constant 0 : i32
      scf.yield %scan3A_57 : i32
    }
    %scan3A_49 = arith.constant 80 : i32
    %barrier3A_50 = arith.constant 0 : index
    tpu.barrier barrier_id(%barrier3A_50)
    %mul3A_51 = arith.constant 640 : i32
    %mul3A_52 = arith.muli %arg1, %mul3A_51 : i32
    %mul3A_53 = arith.constant 640 : i32
    %mul3A_54 = arith.muli %arg1, %mul3A_53 : i32
    "tpu.region"() ({
      %run_scoped3A = tpu.sem_alloc : memref<!tpu.dma_semaphore, #tpu.memory_space<semaphore_mem>>
      %dma_start3A = tpu.memref_slice %arg3[%arg0, %mul3A_54] : memref<2x10240xf32, #tpu.memory_space<hbm>> -> memref<1x640xf32, #tpu.memory_space<hbm>>
      %dma_start3A_55 = tpu.memref_squeeze %dma_start3A : memref<1x640xf32, #tpu.memory_space<hbm>> -> memref<640xf32, #tpu.memory_space<hbm>>
      %dma_start3A_56 = tpu.memref_slice %arg7[%mul3A_52] : memref<10240xf32, #tpu.memory_space<vmem_shared>> -> memref<640xf32, #tpu.memory_space<vmem_shared>>
      tpu.enqueue_dma source(%dma_start3A_56 : memref<640xf32, #tpu.memory_space<vmem_shared>>) target(%dma_start3A_55 : memref<640xf32, #tpu.memory_space<hbm>>) target_semaphore(%run_scoped3A : memref<!tpu.dma_semaphore, #tpu.memory_space<semaphore_mem>>)
      %dma_wait3A = tpu.memref_slice %arg3[%arg0, %mul3A_54] : memref<2x10240xf32, #tpu.memory_space<hbm>> -> memref<1x640xf32, #tpu.memory_space<hbm>>
      %dma_wait3A_57 = tpu.memref_squeeze %dma_wait3A : memref<1x640xf32, #tpu.memory_space<hbm>> -> memref<640xf32, #tpu.memory_space<hbm>>
      %dma_wait3A_58 = tpu.memref_slice %arg7[%mul3A_52] : memref<10240xf32, #tpu.memory_space<vmem_shared>> -> memref<640xf32, #tpu.memory_space<vmem_shared>>
      tpu.wait_dma2 semaphore(%run_scoped3A : memref<!tpu.dma_semaphore, #tpu.memory_space<semaphore_mem>>) src(%dma_wait3A_58 : memref<640xf32, #tpu.memory_space<vmem_shared>>) dst(%dma_wait3A_57 : memref<640xf32, #tpu.memory_space<hbm>>)
      tpu.yield
    }) : () -> ()
    return
  }
}

#map = affine_map<(d0, d1) -> (0, 0)>
#map1 = affine_map<(d0, d1) -> (0, 0, 0)>
module attributes {stable_mosaic.version = 14 : i64} {
  func.func @_prop_kernel(%arg0: i32, %arg1: i32, %arg2: memref<10240x128xf32, #tpu.memory_space<hbm>>, %arg3: memref<32x80x128xi32, #tpu.memory_space<hbm>>, %arg4: memref<32x80x128xi32, #tpu.memory_space<hbm>>, %arg5: memref<2x10240x128xf32, #tpu.memory_space<hbm>>, %arg6: memref<40x128xi32, #tpu.memory_space<vmem>>, %arg7: memref<40x128xi32, #tpu.memory_space<vmem>>, %arg8: memref<128x128xf32, #tpu.memory_space<vmem>>, %arg9: memref<128x128xf32, #tpu.memory_space<vmem>>, %arg10: memref<10240x128xf32, #tpu.memory_space<vmem_shared>>, %arg11: memref<!tpu.dma_semaphore, #tpu.memory_space<semaphore_mem>>, %arg12: memref<!tpu.dma_semaphore, #tpu.memory_space<semaphore_mem>>) attributes {dimension_semantics = [#tpu.dimension_semantics<core_parallel>, #tpu.dimension_semantics<subcore_parallel>], iteration_bounds = array<i64: 2, 16>, scalar_prefetch = 0 : i64, scratch_operands = 7 : i64, tpu.core_type = #tpu.core_type<sc_vector_subcore>, window_params = [{transform_indices = #map}, {transform_indices = #map1}, {transform_indices = #map1}, {transform_indices = #map1}]} {
    %mul3A = arith.constant 2 : i32
    %mul3A_0 = arith.muli %arg1, %mul3A : i32
    %add3A = arith.addi %mul3A_0, %arg0 : i32
    %broadcast_in_dim3A = arith.constant 0.000000e+00 : f32
    %broadcast_in_dim3A_1 = vector.broadcast %broadcast_in_dim3A : f32 to vector<16xf32>
    %scan3A = arith.constant 0 : i32
    %scan3A_2 = arith.constant 0 : i32
    %scan3A_3 = arith.constant 1024 : i32
    %scan3A_4 = arith.addi %scan3A_2, %scan3A_3 : i32
    %scan3A_5 = arith.constant 8 : i32
    %scan3A_6 = scf.for %scan3A_47 = %scan3A_2 to %scan3A_4 step %scan3A_5 iter_args(%scan3A_48 = %scan3A) -> (i32)  : i32 {
      %jit3A = arith.constant 8 : i32
      %div3A = arith.divsi %scan3A_47, %jit3A : i32
      %sign3A = arith.constant 0 : i32
      %sign3A_49 = arith.cmpi sgt, %scan3A_47, %sign3A : i32
      %sign3A_50 = arith.extui %sign3A_49 : i1 to i32
      %sign3A_51 = arith.constant 0 : i32
      %sign3A_52 = arith.cmpi slt, %scan3A_47, %sign3A_51 : i32
      %sign3A_53 = arith.extui %sign3A_52 : i1 to i32
      %sign3A_54 = arith.subi %sign3A_50, %sign3A_53 : i32
      %sign3A_55 = arith.constant 0 : i32
      %sign3A_56 = arith.cmpi sgt, %jit3A, %sign3A_55 : i32
      %sign3A_57 = arith.extui %sign3A_56 : i1 to i32
      %sign3A_58 = arith.constant 0 : i32
      %sign3A_59 = arith.cmpi slt, %jit3A, %sign3A_58 : i32
      %sign3A_60 = arith.extui %sign3A_59 : i1 to i32
      %sign3A_61 = arith.subi %sign3A_57, %sign3A_60 : i32
      %ne3A = arith.cmpi ne, %sign3A_54, %sign3A_61 : i32
      %rem3A = arith.remsi %scan3A_47, %jit3A : i32
      %ne3A_62 = arith.constant 0 : i32
      %ne3A_63 = arith.cmpi ne, %rem3A, %ne3A_62 : i32
      %and3A = arith.andi %ne3A, %ne3A_63 : i1
      %sub3A = arith.constant 1 : i32
      %sub3A_64 = arith.subi %div3A, %sub3A : i32
      %select_n3A = arith.select %and3A, %sub3A_64, %div3A : i32
      %jit3A_65 = arith.constant 8 : i32
      %eq3A = arith.constant 0 : i32
      %eq3A_66 = arith.cmpi eq, %jit3A_65, %eq3A : i32
      %jit3A_67 = arith.constant 1 : i32
      %select_n3A_68 = arith.select %eq3A_66, %jit3A_67, %jit3A_65 : i32
      %rem3A_69 = arith.remsi %scan3A_47, %select_n3A_68 : i32
      %ne3A_70 = arith.constant 0 : i32
      %ne3A_71 = arith.cmpi ne, %rem3A_69, %ne3A_70 : i32
      %lt3A = arith.constant 0 : i32
      %lt3A_72 = arith.cmpi slt, %rem3A_69, %lt3A : i32
      %lt3A_73 = arith.constant 0 : i32
      %lt3A_74 = arith.cmpi slt, %select_n3A_68, %lt3A_73 : i32
      %ne3A_75 = arith.xori %lt3A_72, %lt3A_74 : i1
      %and3A_76 = arith.andi %ne3A_75, %ne3A_71 : i1
      %add3A_77 = arith.addi %rem3A_69, %select_n3A_68 : i32
      %select_n3A_78 = arith.select %and3A_76, %add3A_77, %rem3A_69 : i32
      %mul3A_79 = arith.constant 16 : i32
      %mul3A_80 = arith.muli %select_n3A_78, %mul3A_79 : i32
      %swap3A = arith.index_cast %select_n3A : i32 to index
      %swap3A_81 = arith.index_cast %mul3A_80 : i32 to index
      %swap3A_82 = tpu.vector_load %arg8[%swap3A, %swap3A_81] {strides = array<i32>} : memref<128x128xf32, #tpu.memory_space<vmem>>, vector<1x16xf32>,
      %swap3A_83 = vector.shape_cast %swap3A_82 : vector<1x16xf32> to vector<16xf32>
      %swap3A_84 = vector.shape_cast %broadcast_in_dim3A_1 : vector<16xf32> to vector<1x16xf32>
      tpu.vector_store %arg8[%swap3A, %swap3A_81], %swap3A_84 {strides = array<i32>} : memref<128x128xf32, #tpu.memory_space<vmem>>, vector<1x16xf32>,
      %scan3A_85 = arith.constant 0 : i32
      %scan3A_86 = arith.constant 1 : i32
      %scan3A_87 = arith.addi %scan3A_47, %scan3A_86 : i32
      %jit3A_88 = arith.constant 8 : i32
      %div3A_89 = arith.divsi %scan3A_87, %jit3A_88 : i32
      %sign3A_90 = arith.constant 0 : i32
      %sign3A_91 = arith.cmpi sgt, %scan3A_87, %sign3A_90 : i32
      %sign3A_92 = arith.extui %sign3A_91 : i1 to i32
      %sign3A_93 = arith.constant 0 : i32
      %sign3A_94 = arith.cmpi slt, %scan3A_87, %sign3A_93 : i32
      %sign3A_95 = arith.extui %sign3A_94 : i1 to i32
      %sign3A_96 = arith.subi %sign3A_92, %sign3A_95 : i32
      %sign3A_97 = arith.constant 0 : i32
      %sign3A_98 = arith.cmpi sgt, %jit3A_88, %sign3A_97 : i32
      %sign3A_99 = arith.extui %sign3A_98 : i1 to i32
      %sign3A_100 = arith.constant 0 : i32
      %sign3A_101 = arith.cmpi slt, %jit3A_88, %sign3A_100 : i32
      %sign3A_102 = arith.extui %sign3A_101 : i1 to i32
      %sign3A_103 = arith.subi %sign3A_99, %sign3A_102 : i32
      %ne3A_104 = arith.cmpi ne, %sign3A_96, %sign3A_103 : i32
      %rem3A_105 = arith.remsi %scan3A_87, %jit3A_88 : i32
      %ne3A_106 = arith.constant 0 : i32
      %ne3A_107 = arith.cmpi ne, %rem3A_105, %ne3A_106 : i32
      %and3A_108 = arith.andi %ne3A_104, %ne3A_107 : i1
      %sub3A_109 = arith.constant 1 : i32
      %sub3A_110 = arith.subi %div3A_89, %sub3A_109 : i32
      %select_n3A_111 = arith.select %and3A_108, %sub3A_110, %div3A_89 : i32
      %jit3A_112 = arith.constant 8 : i32
      %eq3A_113 = arith.constant 0 : i32
      %eq3A_114 = arith.cmpi eq, %jit3A_112, %eq3A_113 : i32
      %jit3A_115 = arith.constant 1 : i32
      %select_n3A_116 = arith.select %eq3A_114, %jit3A_115, %jit3A_112 : i32
      %rem3A_117 = arith.remsi %scan3A_87, %select_n3A_116 : i32
      %ne3A_118 = arith.constant 0 : i32
      %ne3A_119 = arith.cmpi ne, %rem3A_117, %ne3A_118 : i32
      %lt3A_120 = arith.constant 0 : i32
      %lt3A_121 = arith.cmpi slt, %rem3A_117, %lt3A_120 : i32
      %lt3A_122 = arith.constant 0 : i32
      %lt3A_123 = arith.cmpi slt, %select_n3A_116, %lt3A_122 : i32
      %ne3A_124 = arith.xori %lt3A_121, %lt3A_123 : i1
      %and3A_125 = arith.andi %ne3A_124, %ne3A_119 : i1
      %add3A_126 = arith.addi %rem3A_117, %select_n3A_116 : i32
      %select_n3A_127 = arith.select %and3A_125, %add3A_126, %rem3A_117 : i32
      %mul3A_128 = arith.constant 16 : i32
      %mul3A_129 = arith.muli %select_n3A_127, %mul3A_128 : i32
      %swap3A_130 = arith.index_cast %select_n3A_111 : i32 to index
      %swap3A_131 = arith.index_cast %mul3A_129 : i32 to index
      %swap3A_132 = tpu.vector_load %arg8[%swap3A_130, %swap3A_131] {strides = array<i32>} : memref<128x128xf32, #tpu.memory_space<vmem>>, vector<1x16xf32>,
      %swap3A_133 = vector.shape_cast %swap3A_132 : vector<1x16xf32> to vector<16xf32>
      %swap3A_134 = vector.shape_cast %broadcast_in_dim3A_1 : vector<16xf32> to vector<1x16xf32>
      tpu.vector_store %arg8[%swap3A_130, %swap3A_131], %swap3A_134 {strides = array<i32>} : memref<128x128xf32, #tpu.memory_space<vmem>>, vector<1x16xf32>,
      %scan3A_135 = arith.constant 0 : i32
      %scan3A_136 = arith.constant 2 : i32
      %scan3A_137 = arith.addi %scan3A_47, %scan3A_136 : i32
      %jit3A_138 = arith.constant 8 : i32
      %div3A_139 = arith.divsi %scan3A_137, %jit3A_138 : i32
      %sign3A_140 = arith.constant 0 : i32
      %sign3A_141 = arith.cmpi sgt, %scan3A_137, %sign3A_140 : i32
      %sign3A_142 = arith.extui %sign3A_141 : i1 to i32
      %sign3A_143 = arith.constant 0 : i32
      %sign3A_144 = arith.cmpi slt, %scan3A_137, %sign3A_143 : i32
      %sign3A_145 = arith.extui %sign3A_144 : i1 to i32
      %sign3A_146 = arith.subi %sign3A_142, %sign3A_145 : i32
      %sign3A_147 = arith.constant 0 : i32
      %sign3A_148 = arith.cmpi sgt, %jit3A_138, %sign3A_147 : i32
      %sign3A_149 = arith.extui %sign3A_148 : i1 to i32
      %sign3A_150 = arith.constant 0 : i32
      %sign3A_151 = arith.cmpi slt, %jit3A_138, %sign3A_150 : i32
      %sign3A_152 = arith.extui %sign3A_151 : i1 to i32
      %sign3A_153 = arith.subi %sign3A_149, %sign3A_152 : i32
      %ne3A_154 = arith.cmpi ne, %sign3A_146, %sign3A_153 : i32
      %rem3A_155 = arith.remsi %scan3A_137, %jit3A_138 : i32
      %ne3A_156 = arith.constant 0 : i32
      %ne3A_157 = arith.cmpi ne, %rem3A_155, %ne3A_156 : i32
      %and3A_158 = arith.andi %ne3A_154, %ne3A_157 : i1
      %sub3A_159 = arith.constant 1 : i32
      %sub3A_160 = arith.subi %div3A_139, %sub3A_159 : i32
      %select_n3A_161 = arith.select %and3A_158, %sub3A_160, %div3A_139 : i32
      %jit3A_162 = arith.constant 8 : i32
      %eq3A_163 = arith.constant 0 : i32
      %eq3A_164 = arith.cmpi eq, %jit3A_162, %eq3A_163 : i32
      %jit3A_165 = arith.constant 1 : i32
      %select_n3A_166 = arith.select %eq3A_164, %jit3A_165, %jit3A_162 : i32
      %rem3A_167 = arith.remsi %scan3A_137, %select_n3A_166 : i32
      %ne3A_168 = arith.constant 0 : i32
      %ne3A_169 = arith.cmpi ne, %rem3A_167, %ne3A_168 : i32
      %lt3A_170 = arith.constant 0 : i32
      %lt3A_171 = arith.cmpi slt, %rem3A_167, %lt3A_170 : i32
      %lt3A_172 = arith.constant 0 : i32
      %lt3A_173 = arith.cmpi slt, %select_n3A_166, %lt3A_172 : i32
      %ne3A_174 = arith.xori %lt3A_171, %lt3A_173 : i1
      %and3A_175 = arith.andi %ne3A_174, %ne3A_169 : i1
      %add3A_176 = arith.addi %rem3A_167, %select_n3A_166 : i32
      %select_n3A_177 = arith.select %and3A_175, %add3A_176, %rem3A_167 : i32
      %mul3A_178 = arith.constant 16 : i32
      %mul3A_179 = arith.muli %select_n3A_177, %mul3A_178 : i32
      %swap3A_180 = arith.index_cast %select_n3A_161 : i32 to index
      %swap3A_181 = arith.index_cast %mul3A_179 : i32 to index
      %swap3A_182 = tpu.vector_load %arg8[%swap3A_180, %swap3A_181] {strides = array<i32>} : memref<128x128xf32, #tpu.memory_space<vmem>>, vector<1x16xf32>,
      %swap3A_183 = vector.shape_cast %swap3A_182 : vector<1x16xf32> to vector<16xf32>
      %swap3A_184 = vector.shape_cast %broadcast_in_dim3A_1 : vector<16xf32> to vector<1x16xf32>
      tpu.vector_store %arg8[%swap3A_180, %swap3A_181], %swap3A_184 {strides = array<i32>} : memref<128x128xf32, #tpu.memory_space<vmem>>, vector<1x16xf32>,
      %scan3A_185 = arith.constant 0 : i32
      %scan3A_186 = arith.constant 3 : i32
      %scan3A_187 = arith.addi %scan3A_47, %scan3A_186 : i32
      %jit3A_188 = arith.constant 8 : i32
      %div3A_189 = arith.divsi %scan3A_187, %jit3A_188 : i32
      %sign3A_190 = arith.constant 0 : i32
      %sign3A_191 = arith.cmpi sgt, %scan3A_187, %sign3A_190 : i32
      %sign3A_192 = arith.extui %sign3A_191 : i1 to i32
      %sign3A_193 = arith.constant 0 : i32
      %sign3A_194 = arith.cmpi slt, %scan3A_187, %sign3A_193 : i32
      %sign3A_195 = arith.extui %sign3A_194 : i1 to i32
      %sign3A_196 = arith.subi %sign3A_192, %sign3A_195 : i32
      %sign3A_197 = arith.constant 0 : i32
      %sign3A_198 = arith.cmpi sgt, %jit3A_188, %sign3A_197 : i32
      %sign3A_199 = arith.extui %sign3A_198 : i1 to i32
      %sign3A_200 = arith.constant 0 : i32
      %sign3A_201 = arith.cmpi slt, %jit3A_188, %sign3A_200 : i32
      %sign3A_202 = arith.extui %sign3A_201 : i1 to i32
      %sign3A_203 = arith.subi %sign3A_199, %sign3A_202 : i32
      %ne3A_204 = arith.cmpi ne, %sign3A_196, %sign3A_203 : i32
      %rem3A_205 = arith.remsi %scan3A_187, %jit3A_188 : i32
      %ne3A_206 = arith.constant 0 : i32
      %ne3A_207 = arith.cmpi ne, %rem3A_205, %ne3A_206 : i32
      %and3A_208 = arith.andi %ne3A_204, %ne3A_207 : i1
      %sub3A_209 = arith.constant 1 : i32
      %sub3A_210 = arith.subi %div3A_189, %sub3A_209 : i32
      %select_n3A_211 = arith.select %and3A_208, %sub3A_210, %div3A_189 : i32
      %jit3A_212 = arith.constant 8 : i32
      %eq3A_213 = arith.constant 0 : i32
      %eq3A_214 = arith.cmpi eq, %jit3A_212, %eq3A_213 : i32
      %jit3A_215 = arith.constant 1 : i32
      %select_n3A_216 = arith.select %eq3A_214, %jit3A_215, %jit3A_212 : i32
      %rem3A_217 = arith.remsi %scan3A_187, %select_n3A_216 : i32
      %ne3A_218 = arith.constant 0 : i32
      %ne3A_219 = arith.cmpi ne, %rem3A_217, %ne3A_218 : i32
      %lt3A_220 = arith.constant 0 : i32
      %lt3A_221 = arith.cmpi slt, %rem3A_217, %lt3A_220 : i32
      %lt3A_222 = arith.constant 0 : i32
      %lt3A_223 = arith.cmpi slt, %select_n3A_216, %lt3A_222 : i32
      %ne3A_224 = arith.xori %lt3A_221, %lt3A_223 : i1
      %and3A_225 = arith.andi %ne3A_224, %ne3A_219 : i1
      %add3A_226 = arith.addi %rem3A_217, %select_n3A_216 : i32
      %select_n3A_227 = arith.select %and3A_225, %add3A_226, %rem3A_217 : i32
      %mul3A_228 = arith.constant 16 : i32
      %mul3A_229 = arith.muli %select_n3A_227, %mul3A_228 : i32
      %swap3A_230 = arith.index_cast %select_n3A_211 : i32 to index
      %swap3A_231 = arith.index_cast %mul3A_229 : i32 to index
      %swap3A_232 = tpu.vector_load %arg8[%swap3A_230, %swap3A_231] {strides = array<i32>} : memref<128x128xf32, #tpu.memory_space<vmem>>, vector<1x16xf32>,
      %swap3A_233 = vector.shape_cast %swap3A_232 : vector<1x16xf32> to vector<16xf32>
      %swap3A_234 = vector.shape_cast %broadcast_in_dim3A_1 : vector<16xf32> to vector<1x16xf32>
      tpu.vector_store %arg8[%swap3A_230, %swap3A_231], %swap3A_234 {strides = array<i32>} : memref<128x128xf32, #tpu.memory_space<vmem>>, vector<1x16xf32>,
      %scan3A_235 = arith.constant 0 : i32
      %scan3A_236 = arith.constant 4 : i32
      %scan3A_237 = arith.addi %scan3A_47, %scan3A_236 : i32
      %jit3A_238 = arith.constant 8 : i32
      %div3A_239 = arith.divsi %scan3A_237, %jit3A_238 : i32
      %sign3A_240 = arith.constant 0 : i32
      %sign3A_241 = arith.cmpi sgt, %scan3A_237, %sign3A_240 : i32
      %sign3A_242 = arith.extui %sign3A_241 : i1 to i32
      %sign3A_243 = arith.constant 0 : i32
      %sign3A_244 = arith.cmpi slt, %scan3A_237, %sign3A_243 : i32
      %sign3A_245 = arith.extui %sign3A_244 : i1 to i32
      %sign3A_246 = arith.subi %sign3A_242, %sign3A_245 : i32
      %sign3A_247 = arith.constant 0 : i32
      %sign3A_248 = arith.cmpi sgt, %jit3A_238, %sign3A_247 : i32
      %sign3A_249 = arith.extui %sign3A_248 : i1 to i32
      %sign3A_250 = arith.constant 0 : i32
      %sign3A_251 = arith.cmpi slt, %jit3A_238, %sign3A_250 : i32
      %sign3A_252 = arith.extui %sign3A_251 : i1 to i32
      %sign3A_253 = arith.subi %sign3A_249, %sign3A_252 : i32
      %ne3A_254 = arith.cmpi ne, %sign3A_246, %sign3A_253 : i32
      %rem3A_255 = arith.remsi %scan3A_237, %jit3A_238 : i32
      %ne3A_256 = arith.constant 0 : i32
      %ne3A_257 = arith.cmpi ne, %rem3A_255, %ne3A_256 : i32
      %and3A_258 = arith.andi %ne3A_254, %ne3A_257 : i1
      %sub3A_259 = arith.constant 1 : i32
      %sub3A_260 = arith.subi %div3A_239, %sub3A_259 : i32
      %select_n3A_261 = arith.select %and3A_258, %sub3A_260, %div3A_239 : i32
      %jit3A_262 = arith.constant 8 : i32
      %eq3A_263 = arith.constant 0 : i32
      %eq3A_264 = arith.cmpi eq, %jit3A_262, %eq3A_263 : i32
      %jit3A_265 = arith.constant 1 : i32
      %select_n3A_266 = arith.select %eq3A_264, %jit3A_265, %jit3A_262 : i32
      %rem3A_267 = arith.remsi %scan3A_237, %select_n3A_266 : i32
      %ne3A_268 = arith.constant 0 : i32
      %ne3A_269 = arith.cmpi ne, %rem3A_267, %ne3A_268 : i32
      %lt3A_270 = arith.constant 0 : i32
      %lt3A_271 = arith.cmpi slt, %rem3A_267, %lt3A_270 : i32
      %lt3A_272 = arith.constant 0 : i32
      %lt3A_273 = arith.cmpi slt, %select_n3A_266, %lt3A_272 : i32
      %ne3A_274 = arith.xori %lt3A_271, %lt3A_273 : i1
      %and3A_275 = arith.andi %ne3A_274, %ne3A_269 : i1
      %add3A_276 = arith.addi %rem3A_267, %select_n3A_266 : i32
      %select_n3A_277 = arith.select %and3A_275, %add3A_276, %rem3A_267 : i32
      %mul3A_278 = arith.constant 16 : i32
      %mul3A_279 = arith.muli %select_n3A_277, %mul3A_278 : i32
      %swap3A_280 = arith.index_cast %select_n3A_261 : i32 to index
      %swap3A_281 = arith.index_cast %mul3A_279 : i32 to index
      %swap3A_282 = tpu.vector_load %arg8[%swap3A_280, %swap3A_281] {strides = array<i32>} : memref<128x128xf32, #tpu.memory_space<vmem>>, vector<1x16xf32>,
      %swap3A_283 = vector.shape_cast %swap3A_282 : vector<1x16xf32> to vector<16xf32>
      %swap3A_284 = vector.shape_cast %broadcast_in_dim3A_1 : vector<16xf32> to vector<1x16xf32>
      tpu.vector_store %arg8[%swap3A_280, %swap3A_281], %swap3A_284 {strides = array<i32>} : memref<128x128xf32, #tpu.memory_space<vmem>>, vector<1x16xf32>,
      %scan3A_285 = arith.constant 0 : i32
      %scan3A_286 = arith.constant 5 : i32
      %scan3A_287 = arith.addi %scan3A_47, %scan3A_286 : i32
      %jit3A_288 = arith.constant 8 : i32
      %div3A_289 = arith.divsi %scan3A_287, %jit3A_288 : i32
      %sign3A_290 = arith.constant 0 : i32
      %sign3A_291 = arith.cmpi sgt, %scan3A_287, %sign3A_290 : i32
      %sign3A_292 = arith.extui %sign3A_291 : i1 to i32
      %sign3A_293 = arith.constant 0 : i32
      %sign3A_294 = arith.cmpi slt, %scan3A_287, %sign3A_293 : i32
      %sign3A_295 = arith.extui %sign3A_294 : i1 to i32
      %sign3A_296 = arith.subi %sign3A_292, %sign3A_295 : i32
      %sign3A_297 = arith.constant 0 : i32
      %sign3A_298 = arith.cmpi sgt, %jit3A_288, %sign3A_297 : i32
      %sign3A_299 = arith.extui %sign3A_298 : i1 to i32
      %sign3A_300 = arith.constant 0 : i32
      %sign3A_301 = arith.cmpi slt, %jit3A_288, %sign3A_300 : i32
      %sign3A_302 = arith.extui %sign3A_301 : i1 to i32
      %sign3A_303 = arith.subi %sign3A_299, %sign3A_302 : i32
      %ne3A_304 = arith.cmpi ne, %sign3A_296, %sign3A_303 : i32
      %rem3A_305 = arith.remsi %scan3A_287, %jit3A_288 : i32
      %ne3A_306 = arith.constant 0 : i32
      %ne3A_307 = arith.cmpi ne, %rem3A_305, %ne3A_306 : i32
      %and3A_308 = arith.andi %ne3A_304, %ne3A_307 : i1
      %sub3A_309 = arith.constant 1 : i32
      %sub3A_310 = arith.subi %div3A_289, %sub3A_309 : i32
      %select_n3A_311 = arith.select %and3A_308, %sub3A_310, %div3A_289 : i32
      %jit3A_312 = arith.constant 8 : i32
      %eq3A_313 = arith.constant 0 : i32
      %eq3A_314 = arith.cmpi eq, %jit3A_312, %eq3A_313 : i32
      %jit3A_315 = arith.constant 1 : i32
      %select_n3A_316 = arith.select %eq3A_314, %jit3A_315, %jit3A_312 : i32
      %rem3A_317 = arith.remsi %scan3A_287, %select_n3A_316 : i32
      %ne3A_318 = arith.constant 0 : i32
      %ne3A_319 = arith.cmpi ne, %rem3A_317, %ne3A_318 : i32
      %lt3A_320 = arith.constant 0 : i32
      %lt3A_321 = arith.cmpi slt, %rem3A_317, %lt3A_320 : i32
      %lt3A_322 = arith.constant 0 : i32
      %lt3A_323 = arith.cmpi slt, %select_n3A_316, %lt3A_322 : i32
      %ne3A_324 = arith.xori %lt3A_321, %lt3A_323 : i1
      %and3A_325 = arith.andi %ne3A_324, %ne3A_319 : i1
      %add3A_326 = arith.addi %rem3A_317, %select_n3A_316 : i32
      %select_n3A_327 = arith.select %and3A_325, %add3A_326, %rem3A_317 : i32
      %mul3A_328 = arith.constant 16 : i32
      %mul3A_329 = arith.muli %select_n3A_327, %mul3A_328 : i32
      %swap3A_330 = arith.index_cast %select_n3A_311 : i32 to index
      %swap3A_331 = arith.index_cast %mul3A_329 : i32 to index
      %swap3A_332 = tpu.vector_load %arg8[%swap3A_330, %swap3A_331] {strides = array<i32>} : memref<128x128xf32, #tpu.memory_space<vmem>>, vector<1x16xf32>,
      %swap3A_333 = vector.shape_cast %swap3A_332 : vector<1x16xf32> to vector<16xf32>
      %swap3A_334 = vector.shape_cast %broadcast_in_dim3A_1 : vector<16xf32> to vector<1x16xf32>
      tpu.vector_store %arg8[%swap3A_330, %swap3A_331], %swap3A_334 {strides = array<i32>} : memref<128x128xf32, #tpu.memory_space<vmem>>, vector<1x16xf32>,
      %scan3A_335 = arith.constant 0 : i32
      %scan3A_336 = arith.constant 6 : i32
      %scan3A_337 = arith.addi %scan3A_47, %scan3A_336 : i32
      %jit3A_338 = arith.constant 8 : i32
      %div3A_339 = arith.divsi %scan3A_337, %jit3A_338 : i32
      %sign3A_340 = arith.constant 0 : i32
      %sign3A_341 = arith.cmpi sgt, %scan3A_337, %sign3A_340 : i32
      %sign3A_342 = arith.extui %sign3A_341 : i1 to i32
      %sign3A_343 = arith.constant 0 : i32
      %sign3A_344 = arith.cmpi slt, %scan3A_337, %sign3A_343 : i32
      %sign3A_345 = arith.extui %sign3A_344 : i1 to i32
      %sign3A_346 = arith.subi %sign3A_342, %sign3A_345 : i32
      %sign3A_347 = arith.constant 0 : i32
      %sign3A_348 = arith.cmpi sgt, %jit3A_338, %sign3A_347 : i32
      %sign3A_349 = arith.extui %sign3A_348 : i1 to i32
      %sign3A_350 = arith.constant 0 : i32
      %sign3A_351 = arith.cmpi slt, %jit3A_338, %sign3A_350 : i32
      %sign3A_352 = arith.extui %sign3A_351 : i1 to i32
      %sign3A_353 = arith.subi %sign3A_349, %sign3A_352 : i32
      %ne3A_354 = arith.cmpi ne, %sign3A_346, %sign3A_353 : i32
      %rem3A_355 = arith.remsi %scan3A_337, %jit3A_338 : i32
      %ne3A_356 = arith.constant 0 : i32
      %ne3A_357 = arith.cmpi ne, %rem3A_355, %ne3A_356 : i32
      %and3A_358 = arith.andi %ne3A_354, %ne3A_357 : i1
      %sub3A_359 = arith.constant 1 : i32
      %sub3A_360 = arith.subi %div3A_339, %sub3A_359 : i32
      %select_n3A_361 = arith.select %and3A_358, %sub3A_360, %div3A_339 : i32
      %jit3A_362 = arith.constant 8 : i32
      %eq3A_363 = arith.constant 0 : i32
      %eq3A_364 = arith.cmpi eq, %jit3A_362, %eq3A_363 : i32
      %jit3A_365 = arith.constant 1 : i32
      %select_n3A_366 = arith.select %eq3A_364, %jit3A_365, %jit3A_362 : i32
      %rem3A_367 = arith.remsi %scan3A_337, %select_n3A_366 : i32
      %ne3A_368 = arith.constant 0 : i32
      %ne3A_369 = arith.cmpi ne, %rem3A_367, %ne3A_368 : i32
      %lt3A_370 = arith.constant 0 : i32
      %lt3A_371 = arith.cmpi slt, %rem3A_367, %lt3A_370 : i32
      %lt3A_372 = arith.constant 0 : i32
      %lt3A_373 = arith.cmpi slt, %select_n3A_366, %lt3A_372 : i32
      %ne3A_374 = arith.xori %lt3A_371, %lt3A_373 : i1
      %and3A_375 = arith.andi %ne3A_374, %ne3A_369 : i1
      %add3A_376 = arith.addi %rem3A_367, %select_n3A_366 : i32
      %select_n3A_377 = arith.select %and3A_375, %add3A_376, %rem3A_367 : i32
      %mul3A_378 = arith.constant 16 : i32
      %mul3A_379 = arith.muli %select_n3A_377, %mul3A_378 : i32
      %swap3A_380 = arith.index_cast %select_n3A_361 : i32 to index
      %swap3A_381 = arith.index_cast %mul3A_379 : i32 to index
      %swap3A_382 = tpu.vector_load %arg8[%swap3A_380, %swap3A_381] {strides = array<i32>} : memref<128x128xf32, #tpu.memory_space<vmem>>, vector<1x16xf32>,
      %swap3A_383 = vector.shape_cast %swap3A_382 : vector<1x16xf32> to vector<16xf32>
      %swap3A_384 = vector.shape_cast %broadcast_in_dim3A_1 : vector<16xf32> to vector<1x16xf32>
      tpu.vector_store %arg8[%swap3A_380, %swap3A_381], %swap3A_384 {strides = array<i32>} : memref<128x128xf32, #tpu.memory_space<vmem>>, vector<1x16xf32>,
      %scan3A_385 = arith.constant 0 : i32
      %scan3A_386 = arith.constant 7 : i32
      %scan3A_387 = arith.addi %scan3A_47, %scan3A_386 : i32
      %jit3A_388 = arith.constant 8 : i32
      %div3A_389 = arith.divsi %scan3A_387, %jit3A_388 : i32
      %sign3A_390 = arith.constant 0 : i32
      %sign3A_391 = arith.cmpi sgt, %scan3A_387, %sign3A_390 : i32
      %sign3A_392 = arith.extui %sign3A_391 : i1 to i32
      %sign3A_393 = arith.constant 0 : i32
      %sign3A_394 = arith.cmpi slt, %scan3A_387, %sign3A_393 : i32
      %sign3A_395 = arith.extui %sign3A_394 : i1 to i32
      %sign3A_396 = arith.subi %sign3A_392, %sign3A_395 : i32
      %sign3A_397 = arith.constant 0 : i32
      %sign3A_398 = arith.cmpi sgt, %jit3A_388, %sign3A_397 : i32
      %sign3A_399 = arith.extui %sign3A_398 : i1 to i32
      %sign3A_400 = arith.constant 0 : i32
      %sign3A_401 = arith.cmpi slt, %jit3A_388, %sign3A_400 : i32
      %sign3A_402 = arith.extui %sign3A_401 : i1 to i32
      %sign3A_403 = arith.subi %sign3A_399, %sign3A_402 : i32
      %ne3A_404 = arith.cmpi ne, %sign3A_396, %sign3A_403 : i32
      %rem3A_405 = arith.remsi %scan3A_387, %jit3A_388 : i32
      %ne3A_406 = arith.constant 0 : i32
      %ne3A_407 = arith.cmpi ne, %rem3A_405, %ne3A_406 : i32
      %and3A_408 = arith.andi %ne3A_404, %ne3A_407 : i1
      %sub3A_409 = arith.constant 1 : i32
      %sub3A_410 = arith.subi %div3A_389, %sub3A_409 : i32
      %select_n3A_411 = arith.select %and3A_408, %sub3A_410, %div3A_389 : i32
      %jit3A_412 = arith.constant 8 : i32
      %eq3A_413 = arith.constant 0 : i32
      %eq3A_414 = arith.cmpi eq, %jit3A_412, %eq3A_413 : i32
      %jit3A_415 = arith.constant 1 : i32
      %select_n3A_416 = arith.select %eq3A_414, %jit3A_415, %jit3A_412 : i32
      %rem3A_417 = arith.remsi %scan3A_387, %select_n3A_416 : i32
      %ne3A_418 = arith.constant 0 : i32
      %ne3A_419 = arith.cmpi ne, %rem3A_417, %ne3A_418 : i32
      %lt3A_420 = arith.constant 0 : i32
      %lt3A_421 = arith.cmpi slt, %rem3A_417, %lt3A_420 : i32
      %lt3A_422 = arith.constant 0 : i32
      %lt3A_423 = arith.cmpi slt, %select_n3A_416, %lt3A_422 : i32
      %ne3A_424 = arith.xori %lt3A_421, %lt3A_423 : i1
      %and3A_425 = arith.andi %ne3A_424, %ne3A_419 : i1
      %add3A_426 = arith.addi %rem3A_417, %select_n3A_416 : i32
      %select_n3A_427 = arith.select %and3A_425, %add3A_426, %rem3A_417 : i32
      %mul3A_428 = arith.constant 16 : i32
      %mul3A_429 = arith.muli %select_n3A_427, %mul3A_428 : i32
      %swap3A_430 = arith.index_cast %select_n3A_411 : i32 to index
      %swap3A_431 = arith.index_cast %mul3A_429 : i32 to index
      %swap3A_432 = tpu.vector_load %arg8[%swap3A_430, %swap3A_431] {strides = array<i32>} : memref<128x128xf32, #tpu.memory_space<vmem>>, vector<1x16xf32>,
      %swap3A_433 = vector.shape_cast %swap3A_432 : vector<1x16xf32> to vector<16xf32>
      %swap3A_434 = vector.shape_cast %broadcast_in_dim3A_1 : vector<16xf32> to vector<1x16xf32>
      tpu.vector_store %arg8[%swap3A_430, %swap3A_431], %swap3A_434 {strides = array<i32>} : memref<128x128xf32, #tpu.memory_space<vmem>>, vector<1x16xf32>,
      %scan3A_435 = arith.constant 0 : i32
      scf.yield %scan3A_435 : i32
    }
    %scan3A_7 = arith.constant 1024 : i32
    %scan3A_8 = arith.constant 0 : i32
    %scan3A_9 = arith.constant 0 : i32
    %scan3A_10 = arith.constant 5 : i32
    %scan3A_11 = arith.addi %scan3A_9, %scan3A_10 : i32
    %scan3A_12 = arith.constant 1 : i32
    %scan3A_13 = scf.for %scan3A_47 = %scan3A_9 to %scan3A_11 step %scan3A_12 iter_args(%scan3A_48 = %scan3A_8) -> (i32)  : i32 {
      %mul3A_49 = arith.constant 640 : i32
      %mul3A_50 = arith.muli %arg1, %mul3A_49 : i32
      %mul3A_51 = arith.constant 128 : i32
      %mul3A_52 = arith.muli %scan3A_47, %mul3A_51 : i32
      %add3A_53 = arith.addi %mul3A_50, %mul3A_52 : i32
      "tpu.region"() ({
        %run_scoped3A = tpu.sem_alloc : memref<!tpu.dma_semaphore, #tpu.memory_space<semaphore_mem>>
        %dma_start3A_55 = arith.constant 0 : i32
        %dma_start3A_56 = tpu.memref_slice %arg10[%add3A_53, %dma_start3A_55] : memref<10240x128xf32, #tpu.memory_space<vmem_shared>> -> memref<128x128xf32, #tpu.memory_space<vmem_shared>>
        %dma_start3A_57 = arith.constant 0 : i32
        %dma_start3A_58 = tpu.memref_slice %arg10[%add3A_53, %dma_start3A_57] : memref<10240x128xf32, #tpu.memory_space<vmem_shared>> -> memref<128x128xf32, #tpu.memory_space<vmem_shared>>
        tpu.enqueue_dma source(%arg8 : memref<128x128xf32, #tpu.memory_space<vmem>>) target(%dma_start3A_58 : memref<128x128xf32, #tpu.memory_space<vmem_shared>>) target_semaphore(%run_scoped3A : memref<!tpu.dma_semaphore, #tpu.memory_space<semaphore_mem>>)
        %dma_wait3A = arith.constant 0 : i32
        %dma_wait3A_59 = tpu.memref_slice %arg10[%add3A_53, %dma_wait3A] : memref<10240x128xf32, #tpu.memory_space<vmem_shared>> -> memref<128x128xf32, #tpu.memory_space<vmem_shared>>
        %dma_wait3A_60 = arith.constant 0 : i32
        %dma_wait3A_61 = tpu.memref_slice %arg10[%add3A_53, %dma_wait3A_60] : memref<10240x128xf32, #tpu.memory_space<vmem_shared>> -> memref<128x128xf32, #tpu.memory_space<vmem_shared>>
        tpu.wait_dma2 semaphore(%run_scoped3A : memref<!tpu.dma_semaphore, #tpu.memory_space<semaphore_mem>>) src(%arg8 : memref<128x128xf32, #tpu.memory_space<vmem>>) dst(%dma_wait3A_61 : memref<128x128xf32, #tpu.memory_space<vmem_shared>>)
        tpu.yield
      }) : () -> ()
      %scan3A_54 = arith.constant 0 : i32
      scf.yield %scan3A_54 : i32
    }
    %scan3A_14 = arith.constant 5 : i32
    %barrier3A = arith.constant 0 : index
    tpu.barrier barrier_id(%barrier3A)
    "tpu.region"() ({
      %run_scoped3A = tpu.sem_alloc : memref<!tpu.dma_semaphore, #tpu.memory_space<semaphore_mem>>
      %dma_start3A_47 = arith.constant 0 : i32
      %dma_start3A_48 = arith.constant 0 : i32
      %dma_start3A_49 = tpu.memref_slice %arg3[%add3A, %dma_start3A_47, %dma_start3A_48] : memref<32x80x128xi32, #tpu.memory_space<hbm>> -> memref<1x40x128xi32, #tpu.memory_space<hbm>>
      %dma_start3A_50 = tpu.memref_squeeze %dma_start3A_49 : memref<1x40x128xi32, #tpu.memory_space<hbm>> -> memref<40x128xi32, #tpu.memory_space<hbm>>
      %dma_start3A_51 = arith.constant 0 : i32
      %dma_start3A_52 = arith.constant 0 : i32
      %dma_start3A_53 = tpu.memref_slice %arg3[%add3A, %dma_start3A_51, %dma_start3A_52] : memref<32x80x128xi32, #tpu.memory_space<hbm>> -> memref<1x40x128xi32, #tpu.memory_space<hbm>>
      %dma_start3A_54 = tpu.memref_squeeze %dma_start3A_53 : memref<1x40x128xi32, #tpu.memory_space<hbm>> -> memref<40x128xi32, #tpu.memory_space<hbm>>
      tpu.enqueue_dma source(%dma_start3A_54 : memref<40x128xi32, #tpu.memory_space<hbm>>) target(%arg6 : memref<40x128xi32, #tpu.memory_space<vmem>>) target_semaphore(%run_scoped3A : memref<!tpu.dma_semaphore, #tpu.memory_space<semaphore_mem>>)
      %dma_wait3A = arith.constant 0 : i32
      %dma_wait3A_55 = arith.constant 0 : i32
      %dma_wait3A_56 = tpu.memref_slice %arg3[%add3A, %dma_wait3A, %dma_wait3A_55] : memref<32x80x128xi32, #tpu.memory_space<hbm>> -> memref<1x40x128xi32, #tpu.memory_space<hbm>>
      %dma_wait3A_57 = tpu.memref_squeeze %dma_wait3A_56 : memref<1x40x128xi32, #tpu.memory_space<hbm>> -> memref<40x128xi32, #tpu.memory_space<hbm>>
      %dma_wait3A_58 = arith.constant 0 : i32
      %dma_wait3A_59 = arith.constant 0 : i32
      %dma_wait3A_60 = tpu.memref_slice %arg3[%add3A, %dma_wait3A_58, %dma_wait3A_59] : memref<32x80x128xi32, #tpu.memory_space<hbm>> -> memref<1x40x128xi32, #tpu.memory_space<hbm>>
      %dma_wait3A_61 = tpu.memref_squeeze %dma_wait3A_60 : memref<1x40x128xi32, #tpu.memory_space<hbm>> -> memref<40x128xi32, #tpu.memory_space<hbm>>
      tpu.wait_dma2 semaphore(%run_scoped3A : memref<!tpu.dma_semaphore, #tpu.memory_space<semaphore_mem>>) src(%dma_wait3A_61 : memref<40x128xi32, #tpu.memory_space<hbm>>) dst(%arg6 : memref<40x128xi32, #tpu.memory_space<vmem>>)
      tpu.yield
    }) : () -> ()
    "tpu.region"() ({
      %run_scoped3A = tpu.sem_alloc : memref<!tpu.dma_semaphore, #tpu.memory_space<semaphore_mem>>
      %dma_start3A_47 = arith.constant 0 : i32
      %dma_start3A_48 = arith.constant 0 : i32
      %dma_start3A_49 = tpu.memref_slice %arg4[%add3A, %dma_start3A_47, %dma_start3A_48] : memref<32x80x128xi32, #tpu.memory_space<hbm>> -> memref<1x40x128xi32, #tpu.memory_space<hbm>>
      %dma_start3A_50 = tpu.memref_squeeze %dma_start3A_49 : memref<1x40x128xi32, #tpu.memory_space<hbm>> -> memref<40x128xi32, #tpu.memory_space<hbm>>
      %dma_start3A_51 = arith.constant 0 : i32
      %dma_start3A_52 = arith.constant 0 : i32
      %dma_start3A_53 = tpu.memref_slice %arg4[%add3A, %dma_start3A_51, %dma_start3A_52] : memref<32x80x128xi32, #tpu.memory_space<hbm>> -> memref<1x40x128xi32, #tpu.memory_space<hbm>>
      %dma_start3A_54 = tpu.memref_squeeze %dma_start3A_53 : memref<1x40x128xi32, #tpu.memory_space<hbm>> -> memref<40x128xi32, #tpu.memory_space<hbm>>
      tpu.enqueue_dma source(%dma_start3A_54 : memref<40x128xi32, #tpu.memory_space<hbm>>) target(%arg7 : memref<40x128xi32, #tpu.memory_space<vmem>>) target_semaphore(%run_scoped3A : memref<!tpu.dma_semaphore, #tpu.memory_space<semaphore_mem>>)
      %dma_wait3A = arith.constant 0 : i32
      %dma_wait3A_55 = arith.constant 0 : i32
      %dma_wait3A_56 = tpu.memref_slice %arg4[%add3A, %dma_wait3A, %dma_wait3A_55] : memref<32x80x128xi32, #tpu.memory_space<hbm>> -> memref<1x40x128xi32, #tpu.memory_space<hbm>>
      %dma_wait3A_57 = tpu.memref_squeeze %dma_wait3A_56 : memref<1x40x128xi32, #tpu.memory_space<hbm>> -> memref<40x128xi32, #tpu.memory_space<hbm>>
      %dma_wait3A_58 = arith.constant 0 : i32
      %dma_wait3A_59 = arith.constant 0 : i32
      %dma_wait3A_60 = tpu.memref_slice %arg4[%add3A, %dma_wait3A_58, %dma_wait3A_59] : memref<32x80x128xi32, #tpu.memory_space<hbm>> -> memref<1x40x128xi32, #tpu.memory_space<hbm>>
      %dma_wait3A_61 = tpu.memref_squeeze %dma_wait3A_60 : memref<1x40x128xi32, #tpu.memory_space<hbm>> -> memref<40x128xi32, #tpu.memory_space<hbm>>
      tpu.wait_dma2 semaphore(%run_scoped3A : memref<!tpu.dma_semaphore, #tpu.memory_space<semaphore_mem>>) src(%dma_wait3A_61 : memref<40x128xi32, #tpu.memory_space<hbm>>) dst(%arg7 : memref<40x128xi32, #tpu.memory_space<vmem>>)
      tpu.yield
    }) : () -> ()
    %dma_start3A = arith.constant 0 : i32
    %dma_start3A_15 = arith.constant 0 : i32
    %dma_start3A_16 = tpu.memref_slice %arg6[%dma_start3A, %dma_start3A_15] : memref<40x128xi32, #tpu.memory_space<vmem>> -> memref<1x128xi32, #tpu.memory_space<vmem>>
    %dma_start3A_17 = tpu.memref_squeeze %dma_start3A_16 : memref<1x128xi32, #tpu.memory_space<vmem>> -> memref<128xi32, #tpu.memory_space<vmem>>
    %dma_start3A_18 = arith.constant 0 : i32
    %dma_start3A_19 = arith.constant 0 : i32
    %dma_start3A_20 = tpu.memref_slice %arg2[%dma_start3A_18, %dma_start3A_19] : memref<10240x128xf32, #tpu.memory_space<hbm>> -> memref<10240x128xf32, #tpu.memory_space<hbm>>
    tpu.enqueue_indirect_dma source(%dma_start3A_20 : memref<10240x128xf32, #tpu.memory_space<hbm>>) target(%arg8 : memref<128x128xf32, #tpu.memory_space<vmem>>) offsets(%dma_start3A_17 : memref<128xi32, #tpu.memory_space<vmem>>) semaphore(%arg11 : memref<!tpu.dma_semaphore, #tpu.memory_space<semaphore_mem>>)
    %scan3A_21 = arith.constant 0 : i32
    %scan3A_22 = arith.constant 0 : i32
    %scan3A_23 = arith.constant 20 : i32
    %scan3A_24 = arith.addi %scan3A_22, %scan3A_23 : i32
    %scan3A_25 = arith.constant 1 : i32
    %scan3A_26 = scf.for %scan3A_47 = %scan3A_22 to %scan3A_24 step %scan3A_25 iter_args(%scan3A_48 = %scan3A_21) -> (i32)  : i32 {
      %mul3A_49 = arith.constant 2 : i32
      %mul3A_50 = arith.muli %mul3A_49, %scan3A_47 : i32
      %add3A_51 = arith.constant 1 : i32
      %add3A_52 = arith.addi %mul3A_50, %add3A_51 : i32
      %dma_start3A_53 = arith.constant 0 : i32
      %dma_start3A_54 = tpu.memref_slice %arg6[%add3A_52, %dma_start3A_53] : memref<40x128xi32, #tpu.memory_space<vmem>> -> memref<1x128xi32, #tpu.memory_space<vmem>>
      %dma_start3A_55 = tpu.memref_squeeze %dma_start3A_54 : memref<1x128xi32, #tpu.memory_space<vmem>> -> memref<128xi32, #tpu.memory_space<vmem>>
      %dma_start3A_56 = arith.constant 0 : i32
      %dma_start3A_57 = arith.constant 0 : i32
      %dma_start3A_58 = tpu.memref_slice %arg2[%dma_start3A_56, %dma_start3A_57] : memref<10240x128xf32, #tpu.memory_space<hbm>> -> memref<10240x128xf32, #tpu.memory_space<hbm>>
      tpu.enqueue_indirect_dma source(%dma_start3A_58 : memref<10240x128xf32, #tpu.memory_space<hbm>>) target(%arg9 : memref<128x128xf32, #tpu.memory_space<vmem>>) offsets(%dma_start3A_55 : memref<128xi32, #tpu.memory_space<vmem>>) semaphore(%arg12 : memref<!tpu.dma_semaphore, #tpu.memory_space<semaphore_mem>>)
      %dma_wait3A = arith.constant 0 : i32
      %dma_wait3A_59 = tpu.memref_slice %arg6[%mul3A_50, %dma_wait3A] : memref<40x128xi32, #tpu.memory_space<vmem>> -> memref<1x128xi32, #tpu.memory_space<vmem>>
      %dma_wait3A_60 = tpu.memref_squeeze %dma_wait3A_59 : memref<1x128xi32, #tpu.memory_space<vmem>> -> memref<128xi32, #tpu.memory_space<vmem>>
      %dma_wait3A_61 = arith.constant 0 : i32
      %dma_wait3A_62 = arith.constant 0 : i32
      %dma_wait3A_63 = tpu.memref_slice %arg2[%dma_wait3A_61, %dma_wait3A_62] : memref<10240x128xf32, #tpu.memory_space<hbm>> -> memref<10240x128xf32, #tpu.memory_space<hbm>>
      tpu.wait_indirect_dma semaphore(%arg11 : memref<!tpu.dma_semaphore, #tpu.memory_space<semaphore_mem>>) src(%dma_wait3A_63 : memref<10240x128xf32, #tpu.memory_space<hbm>>) dst(%arg8 : memref<128x128xf32, #tpu.memory_space<vmem>>)
      "tpu.region"() ({
        %run_scoped3A = tpu.sem_alloc : memref<!tpu.dma_semaphore, #tpu.memory_space<semaphore_mem>>
        %dma_start3A_79 = arith.constant 0 : i32
        %dma_start3A_80 = tpu.memref_slice %arg7[%mul3A_50, %dma_start3A_79] : memref<40x128xi32, #tpu.memory_space<vmem>> -> memref<1x128xi32, #tpu.memory_space<vmem>>
        %dma_start3A_81 = tpu.memref_squeeze %dma_start3A_80 : memref<1x128xi32, #tpu.memory_space<vmem>> -> memref<128xi32, #tpu.memory_space<vmem>>
        %dma_start3A_82 = arith.constant 0 : i32
        %dma_start3A_83 = arith.constant 0 : i32
        %dma_start3A_84 = tpu.memref_slice %arg10[%dma_start3A_82, %dma_start3A_83] : memref<10240x128xf32, #tpu.memory_space<vmem_shared>> -> memref<10240x128xf32, #tpu.memory_space<vmem_shared>>
        tpu.enqueue_indirect_dma source(%arg8 : memref<128x128xf32, #tpu.memory_space<vmem>>) target(%dma_start3A_84 : memref<10240x128xf32, #tpu.memory_space<vmem_shared>>) offsets(%dma_start3A_81 : memref<128xi32, #tpu.memory_space<vmem>>) semaphore(%run_scoped3A : memref<!tpu.dma_semaphore, #tpu.memory_space<semaphore_mem>>) {add = true}
        %dma_wait3A_85 = arith.constant 0 : i32
        %dma_wait3A_86 = tpu.memref_slice %arg7[%mul3A_50, %dma_wait3A_85] : memref<40x128xi32, #tpu.memory_space<vmem>> -> memref<1x128xi32, #tpu.memory_space<vmem>>
        %dma_wait3A_87 = tpu.memref_squeeze %dma_wait3A_86 : memref<1x128xi32, #tpu.memory_space<vmem>> -> memref<128xi32, #tpu.memory_space<vmem>>
        %dma_wait3A_88 = arith.constant 0 : i32
        %dma_wait3A_89 = arith.constant 0 : i32
        %dma_wait3A_90 = tpu.memref_slice %arg10[%dma_wait3A_88, %dma_wait3A_89] : memref<10240x128xf32, #tpu.memory_space<vmem_shared>> -> memref<10240x128xf32, #tpu.memory_space<vmem_shared>>
        tpu.wait_indirect_dma semaphore(%run_scoped3A : memref<!tpu.dma_semaphore, #tpu.memory_space<semaphore_mem>>) src(%arg8 : memref<128x128xf32, #tpu.memory_space<vmem>>) dst(%dma_wait3A_90 : memref<10240x128xf32, #tpu.memory_space<vmem_shared>>)
        tpu.yield
      }) : () -> ()
      %add3A_64 = arith.constant 2 : i32
      %add3A_65 = arith.addi %mul3A_50, %add3A_64 : i32
      %lt3A = arith.constant 40 : i32
      %lt3A_66 = arith.cmpi slt, %add3A_65, %lt3A : i32
      %convert_element_type3A = arith.extui %lt3A_66 : i1 to i32
      %cond3A = arith.constant 0 : i32
      %cond3A_67 = arith.cmpi ne, %convert_element_type3A, %cond3A : i32
      scf.if %cond3A_67 {
        %add3A_79 = arith.constant 2 : i32
        %add3A_80 = arith.addi %mul3A_50, %add3A_79 : i32
        %dma_start3A_81 = arith.constant 0 : i32
        %dma_start3A_82 = tpu.memref_slice %arg6[%add3A_80, %dma_start3A_81] : memref<40x128xi32, #tpu.memory_space<vmem>> -> memref<1x128xi32, #tpu.memory_space<vmem>>
        %dma_start3A_83 = tpu.memref_squeeze %dma_start3A_82 : memref<1x128xi32, #tpu.memory_space<vmem>> -> memref<128xi32, #tpu.memory_space<vmem>>
        %dma_start3A_84 = arith.constant 0 : i32
        %dma_start3A_85 = arith.constant 0 : i32
        %dma_start3A_86 = tpu.memref_slice %arg2[%dma_start3A_84, %dma_start3A_85] : memref<10240x128xf32, #tpu.memory_space<hbm>> -> memref<10240x128xf32, #tpu.memory_space<hbm>>
        tpu.enqueue_indirect_dma source(%dma_start3A_86 : memref<10240x128xf32, #tpu.memory_space<hbm>>) target(%arg8 : memref<128x128xf32, #tpu.memory_space<vmem>>) offsets(%dma_start3A_83 : memref<128xi32, #tpu.memory_space<vmem>>) semaphore(%arg11 : memref<!tpu.dma_semaphore, #tpu.memory_space<semaphore_mem>>)
      } else {
      }
      %add3A_68 = arith.constant 1 : i32
      %add3A_69 = arith.addi %mul3A_50, %add3A_68 : i32
      %dma_wait3A_70 = arith.constant 0 : i32
      %dma_wait3A_71 = tpu.memref_slice %arg6[%add3A_69, %dma_wait3A_70] : memref<40x128xi32, #tpu.memory_space<vmem>> -> memref<1x128xi32, #tpu.memory_space<vmem>>
      %dma_wait3A_72 = tpu.memref_squeeze %dma_wait3A_71 : memref<1x128xi32, #tpu.memory_space<vmem>> -> memref<128xi32, #tpu.memory_space<vmem>>
      %dma_wait3A_73 = arith.constant 0 : i32
      %dma_wait3A_74 = arith.constant 0 : i32
      %dma_wait3A_75 = tpu.memref_slice %arg2[%dma_wait3A_73, %dma_wait3A_74] : memref<10240x128xf32, #tpu.memory_space<hbm>> -> memref<10240x128xf32, #tpu.memory_space<hbm>>
      tpu.wait_indirect_dma semaphore(%arg12 : memref<!tpu.dma_semaphore, #tpu.memory_space<semaphore_mem>>) src(%dma_wait3A_75 : memref<10240x128xf32, #tpu.memory_space<hbm>>) dst(%arg9 : memref<128x128xf32, #tpu.memory_space<vmem>>)
      %add3A_76 = arith.constant 1 : i32
      %add3A_77 = arith.addi %mul3A_50, %add3A_76 : i32
      "tpu.region"() ({
        %run_scoped3A = tpu.sem_alloc : memref<!tpu.dma_semaphore, #tpu.memory_space<semaphore_mem>>
        %dma_start3A_79 = arith.constant 0 : i32
        %dma_start3A_80 = tpu.memref_slice %arg7[%add3A_77, %dma_start3A_79] : memref<40x128xi32, #tpu.memory_space<vmem>> -> memref<1x128xi32, #tpu.memory_space<vmem>>
        %dma_start3A_81 = tpu.memref_squeeze %dma_start3A_80 : memref<1x128xi32, #tpu.memory_space<vmem>> -> memref<128xi32, #tpu.memory_space<vmem>>
        %dma_start3A_82 = arith.constant 0 : i32
        %dma_start3A_83 = arith.constant 0 : i32
        %dma_start3A_84 = tpu.memref_slice %arg10[%dma_start3A_82, %dma_start3A_83] : memref<10240x128xf32, #tpu.memory_space<vmem_shared>> -> memref<10240x128xf32, #tpu.memory_space<vmem_shared>>
        tpu.enqueue_indirect_dma source(%arg9 : memref<128x128xf32, #tpu.memory_space<vmem>>) target(%dma_start3A_84 : memref<10240x128xf32, #tpu.memory_space<vmem_shared>>) offsets(%dma_start3A_81 : memref<128xi32, #tpu.memory_space<vmem>>) semaphore(%run_scoped3A : memref<!tpu.dma_semaphore, #tpu.memory_space<semaphore_mem>>) {add = true}
        %dma_wait3A_85 = arith.constant 0 : i32
        %dma_wait3A_86 = tpu.memref_slice %arg7[%add3A_77, %dma_wait3A_85] : memref<40x128xi32, #tpu.memory_space<vmem>> -> memref<1x128xi32, #tpu.memory_space<vmem>>
        %dma_wait3A_87 = tpu.memref_squeeze %dma_wait3A_86 : memref<1x128xi32, #tpu.memory_space<vmem>> -> memref<128xi32, #tpu.memory_space<vmem>>
        %dma_wait3A_88 = arith.constant 0 : i32
        %dma_wait3A_89 = arith.constant 0 : i32
        %dma_wait3A_90 = tpu.memref_slice %arg10[%dma_wait3A_88, %dma_wait3A_89] : memref<10240x128xf32, #tpu.memory_space<vmem_shared>> -> memref<10240x128xf32, #tpu.memory_space<vmem_shared>>
        tpu.wait_indirect_dma semaphore(%run_scoped3A : memref<!tpu.dma_semaphore, #tpu.memory_space<semaphore_mem>>) src(%arg9 : memref<128x128xf32, #tpu.memory_space<vmem>>) dst(%dma_wait3A_90 : memref<10240x128xf32, #tpu.memory_space<vmem_shared>>)
        tpu.yield
      }) : () -> ()
      %scan3A_78 = arith.constant 0 : i32
      scf.yield %scan3A_78 : i32
    }
    %scan3A_27 = arith.constant 20 : i32
    "tpu.region"() ({
      %run_scoped3A = tpu.sem_alloc : memref<!tpu.dma_semaphore, #tpu.memory_space<semaphore_mem>>
      %dma_start3A_47 = arith.constant 40 : i32
      %dma_start3A_48 = arith.constant 0 : i32
      %dma_start3A_49 = tpu.memref_slice %arg3[%add3A, %dma_start3A_47, %dma_start3A_48] : memref<32x80x128xi32, #tpu.memory_space<hbm>> -> memref<1x40x128xi32, #tpu.memory_space<hbm>>
      %dma_start3A_50 = tpu.memref_squeeze %dma_start3A_49 : memref<1x40x128xi32, #tpu.memory_space<hbm>> -> memref<40x128xi32, #tpu.memory_space<hbm>>
      %dma_start3A_51 = arith.constant 40 : i32
      %dma_start3A_52 = arith.constant 0 : i32
      %dma_start3A_53 = tpu.memref_slice %arg3[%add3A, %dma_start3A_51, %dma_start3A_52] : memref<32x80x128xi32, #tpu.memory_space<hbm>> -> memref<1x40x128xi32, #tpu.memory_space<hbm>>
      %dma_start3A_54 = tpu.memref_squeeze %dma_start3A_53 : memref<1x40x128xi32, #tpu.memory_space<hbm>> -> memref<40x128xi32, #tpu.memory_space<hbm>>
      tpu.enqueue_dma source(%dma_start3A_54 : memref<40x128xi32, #tpu.memory_space<hbm>>) target(%arg6 : memref<40x128xi32, #tpu.memory_space<vmem>>) target_semaphore(%run_scoped3A : memref<!tpu.dma_semaphore, #tpu.memory_space<semaphore_mem>>)
      %dma_wait3A = arith.constant 40 : i32
      %dma_wait3A_55 = arith.constant 0 : i32
      %dma_wait3A_56 = tpu.memref_slice %arg3[%add3A, %dma_wait3A, %dma_wait3A_55] : memref<32x80x128xi32, #tpu.memory_space<hbm>> -> memref<1x40x128xi32, #tpu.memory_space<hbm>>
      %dma_wait3A_57 = tpu.memref_squeeze %dma_wait3A_56 : memref<1x40x128xi32, #tpu.memory_space<hbm>> -> memref<40x128xi32, #tpu.memory_space<hbm>>
      %dma_wait3A_58 = arith.constant 40 : i32
      %dma_wait3A_59 = arith.constant 0 : i32
      %dma_wait3A_60 = tpu.memref_slice %arg3[%add3A, %dma_wait3A_58, %dma_wait3A_59] : memref<32x80x128xi32, #tpu.memory_space<hbm>> -> memref<1x40x128xi32, #tpu.memory_space<hbm>>
      %dma_wait3A_61 = tpu.memref_squeeze %dma_wait3A_60 : memref<1x40x128xi32, #tpu.memory_space<hbm>> -> memref<40x128xi32, #tpu.memory_space<hbm>>
      tpu.wait_dma2 semaphore(%run_scoped3A : memref<!tpu.dma_semaphore, #tpu.memory_space<semaphore_mem>>) src(%dma_wait3A_61 : memref<40x128xi32, #tpu.memory_space<hbm>>) dst(%arg6 : memref<40x128xi32, #tpu.memory_space<vmem>>)
      tpu.yield
    }) : () -> ()
    "tpu.region"() ({
      %run_scoped3A = tpu.sem_alloc : memref<!tpu.dma_semaphore, #tpu.memory_space<semaphore_mem>>
      %dma_start3A_47 = arith.constant 40 : i32
      %dma_start3A_48 = arith.constant 0 : i32
      %dma_start3A_49 = tpu.memref_slice %arg4[%add3A, %dma_start3A_47, %dma_start3A_48] : memref<32x80x128xi32, #tpu.memory_space<hbm>> -> memref<1x40x128xi32, #tpu.memory_space<hbm>>
      %dma_start3A_50 = tpu.memref_squeeze %dma_start3A_49 : memref<1x40x128xi32, #tpu.memory_space<hbm>> -> memref<40x128xi32, #tpu.memory_space<hbm>>
      %dma_start3A_51 = arith.constant 40 : i32
      %dma_start3A_52 = arith.constant 0 : i32
      %dma_start3A_53 = tpu.memref_slice %arg4[%add3A, %dma_start3A_51, %dma_start3A_52] : memref<32x80x128xi32, #tpu.memory_space<hbm>> -> memref<1x40x128xi32, #tpu.memory_space<hbm>>
      %dma_start3A_54 = tpu.memref_squeeze %dma_start3A_53 : memref<1x40x128xi32, #tpu.memory_space<hbm>> -> memref<40x128xi32, #tpu.memory_space<hbm>>
      tpu.enqueue_dma source(%dma_start3A_54 : memref<40x128xi32, #tpu.memory_space<hbm>>) target(%arg7 : memref<40x128xi32, #tpu.memory_space<vmem>>) target_semaphore(%run_scoped3A : memref<!tpu.dma_semaphore, #tpu.memory_space<semaphore_mem>>)
      %dma_wait3A = arith.constant 40 : i32
      %dma_wait3A_55 = arith.constant 0 : i32
      %dma_wait3A_56 = tpu.memref_slice %arg4[%add3A, %dma_wait3A, %dma_wait3A_55] : memref<32x80x128xi32, #tpu.memory_space<hbm>> -> memref<1x40x128xi32, #tpu.memory_space<hbm>>
      %dma_wait3A_57 = tpu.memref_squeeze %dma_wait3A_56 : memref<1x40x128xi32, #tpu.memory_space<hbm>> -> memref<40x128xi32, #tpu.memory_space<hbm>>
      %dma_wait3A_58 = arith.constant 40 : i32
      %dma_wait3A_59 = arith.constant 0 : i32
      %dma_wait3A_60 = tpu.memref_slice %arg4[%add3A, %dma_wait3A_58, %dma_wait3A_59] : memref<32x80x128xi32, #tpu.memory_space<hbm>> -> memref<1x40x128xi32, #tpu.memory_space<hbm>>
      %dma_wait3A_61 = tpu.memref_squeeze %dma_wait3A_60 : memref<1x40x128xi32, #tpu.memory_space<hbm>> -> memref<40x128xi32, #tpu.memory_space<hbm>>
      tpu.wait_dma2 semaphore(%run_scoped3A : memref<!tpu.dma_semaphore, #tpu.memory_space<semaphore_mem>>) src(%dma_wait3A_61 : memref<40x128xi32, #tpu.memory_space<hbm>>) dst(%arg7 : memref<40x128xi32, #tpu.memory_space<vmem>>)
      tpu.yield
    }) : () -> ()
    %dma_start3A_28 = arith.constant 0 : i32
    %dma_start3A_29 = arith.constant 0 : i32
    %dma_start3A_30 = tpu.memref_slice %arg6[%dma_start3A_28, %dma_start3A_29] : memref<40x128xi32, #tpu.memory_space<vmem>> -> memref<1x128xi32, #tpu.memory_space<vmem>>
    %dma_start3A_31 = tpu.memref_squeeze %dma_start3A_30 : memref<1x128xi32, #tpu.memory_space<vmem>> -> memref<128xi32, #tpu.memory_space<vmem>>
    %dma_start3A_32 = arith.constant 0 : i32
    %dma_start3A_33 = arith.constant 0 : i32
    %dma_start3A_34 = tpu.memref_slice %arg2[%dma_start3A_32, %dma_start3A_33] : memref<10240x128xf32, #tpu.memory_space<hbm>> -> memref<10240x128xf32, #tpu.memory_space<hbm>>
    tpu.enqueue_indirect_dma source(%dma_start3A_34 : memref<10240x128xf32, #tpu.memory_space<hbm>>) target(%arg8 : memref<128x128xf32, #tpu.memory_space<vmem>>) offsets(%dma_start3A_31 : memref<128xi32, #tpu.memory_space<vmem>>) semaphore(%arg11 : memref<!tpu.dma_semaphore, #tpu.memory_space<semaphore_mem>>)
    %scan3A_35 = arith.constant 0 : i32
    %scan3A_36 = arith.constant 0 : i32
    %scan3A_37 = arith.constant 20 : i32
    %scan3A_38 = arith.addi %scan3A_36, %scan3A_37 : i32
    %scan3A_39 = arith.constant 1 : i32
    %scan3A_40 = scf.for %scan3A_47 = %scan3A_36 to %scan3A_38 step %scan3A_39 iter_args(%scan3A_48 = %scan3A_35) -> (i32)  : i32 {
      %mul3A_49 = arith.constant 2 : i32
      %mul3A_50 = arith.muli %mul3A_49, %scan3A_47 : i32
      %add3A_51 = arith.constant 1 : i32
      %add3A_52 = arith.addi %mul3A_50, %add3A_51 : i32
      %dma_start3A_53 = arith.constant 0 : i32
      %dma_start3A_54 = tpu.memref_slice %arg6[%add3A_52, %dma_start3A_53] : memref<40x128xi32, #tpu.memory_space<vmem>> -> memref<1x128xi32, #tpu.memory_space<vmem>>
      %dma_start3A_55 = tpu.memref_squeeze %dma_start3A_54 : memref<1x128xi32, #tpu.memory_space<vmem>> -> memref<128xi32, #tpu.memory_space<vmem>>
      %dma_start3A_56 = arith.constant 0 : i32
      %dma_start3A_57 = arith.constant 0 : i32
      %dma_start3A_58 = tpu.memref_slice %arg2[%dma_start3A_56, %dma_start3A_57] : memref<10240x128xf32, #tpu.memory_space<hbm>> -> memref<10240x128xf32, #tpu.memory_space<hbm>>
      tpu.enqueue_indirect_dma source(%dma_start3A_58 : memref<10240x128xf32, #tpu.memory_space<hbm>>) target(%arg9 : memref<128x128xf32, #tpu.memory_space<vmem>>) offsets(%dma_start3A_55 : memref<128xi32, #tpu.memory_space<vmem>>) semaphore(%arg12 : memref<!tpu.dma_semaphore, #tpu.memory_space<semaphore_mem>>)
      %dma_wait3A = arith.constant 0 : i32
      %dma_wait3A_59 = tpu.memref_slice %arg6[%mul3A_50, %dma_wait3A] : memref<40x128xi32, #tpu.memory_space<vmem>> -> memref<1x128xi32, #tpu.memory_space<vmem>>
      %dma_wait3A_60 = tpu.memref_squeeze %dma_wait3A_59 : memref<1x128xi32, #tpu.memory_space<vmem>> -> memref<128xi32, #tpu.memory_space<vmem>>
      %dma_wait3A_61 = arith.constant 0 : i32
      %dma_wait3A_62 = arith.constant 0 : i32
      %dma_wait3A_63 = tpu.memref_slice %arg2[%dma_wait3A_61, %dma_wait3A_62] : memref<10240x128xf32, #tpu.memory_space<hbm>> -> memref<10240x128xf32, #tpu.memory_space<hbm>>
      tpu.wait_indirect_dma semaphore(%arg11 : memref<!tpu.dma_semaphore, #tpu.memory_space<semaphore_mem>>) src(%dma_wait3A_63 : memref<10240x128xf32, #tpu.memory_space<hbm>>) dst(%arg8 : memref<128x128xf32, #tpu.memory_space<vmem>>)
      "tpu.region"() ({
        %run_scoped3A = tpu.sem_alloc : memref<!tpu.dma_semaphore, #tpu.memory_space<semaphore_mem>>
        %dma_start3A_79 = arith.constant 0 : i32
        %dma_start3A_80 = tpu.memref_slice %arg7[%mul3A_50, %dma_start3A_79] : memref<40x128xi32, #tpu.memory_space<vmem>> -> memref<1x128xi32, #tpu.memory_space<vmem>>
        %dma_start3A_81 = tpu.memref_squeeze %dma_start3A_80 : memref<1x128xi32, #tpu.memory_space<vmem>> -> memref<128xi32, #tpu.memory_space<vmem>>
        %dma_start3A_82 = arith.constant 0 : i32
        %dma_start3A_83 = arith.constant 0 : i32
        %dma_start3A_84 = tpu.memref_slice %arg10[%dma_start3A_82, %dma_start3A_83] : memref<10240x128xf32, #tpu.memory_space<vmem_shared>> -> memref<10240x128xf32, #tpu.memory_space<vmem_shared>>
        tpu.enqueue_indirect_dma source(%arg8 : memref<128x128xf32, #tpu.memory_space<vmem>>) target(%dma_start3A_84 : memref<10240x128xf32, #tpu.memory_space<vmem_shared>>) offsets(%dma_start3A_81 : memref<128xi32, #tpu.memory_space<vmem>>) semaphore(%run_scoped3A : memref<!tpu.dma_semaphore, #tpu.memory_space<semaphore_mem>>) {add = true}
        %dma_wait3A_85 = arith.constant 0 : i32
        %dma_wait3A_86 = tpu.memref_slice %arg7[%mul3A_50, %dma_wait3A_85] : memref<40x128xi32, #tpu.memory_space<vmem>> -> memref<1x128xi32, #tpu.memory_space<vmem>>
        %dma_wait3A_87 = tpu.memref_squeeze %dma_wait3A_86 : memref<1x128xi32, #tpu.memory_space<vmem>> -> memref<128xi32, #tpu.memory_space<vmem>>
        %dma_wait3A_88 = arith.constant 0 : i32
        %dma_wait3A_89 = arith.constant 0 : i32
        %dma_wait3A_90 = tpu.memref_slice %arg10[%dma_wait3A_88, %dma_wait3A_89] : memref<10240x128xf32, #tpu.memory_space<vmem_shared>> -> memref<10240x128xf32, #tpu.memory_space<vmem_shared>>
        tpu.wait_indirect_dma semaphore(%run_scoped3A : memref<!tpu.dma_semaphore, #tpu.memory_space<semaphore_mem>>) src(%arg8 : memref<128x128xf32, #tpu.memory_space<vmem>>) dst(%dma_wait3A_90 : memref<10240x128xf32, #tpu.memory_space<vmem_shared>>)
        tpu.yield
      }) : () -> ()
      %add3A_64 = arith.constant 2 : i32
      %add3A_65 = arith.addi %mul3A_50, %add3A_64 : i32
      %lt3A = arith.constant 40 : i32
      %lt3A_66 = arith.cmpi slt, %add3A_65, %lt3A : i32
      %convert_element_type3A = arith.extui %lt3A_66 : i1 to i32
      %cond3A = arith.constant 0 : i32
      %cond3A_67 = arith.cmpi ne, %convert_element_type3A, %cond3A : i32
      scf.if %cond3A_67 {
        %add3A_79 = arith.constant 2 : i32
        %add3A_80 = arith.addi %mul3A_50, %add3A_79 : i32
        %dma_start3A_81 = arith.constant 0 : i32
        %dma_start3A_82 = tpu.memref_slice %arg6[%add3A_80, %dma_start3A_81] : memref<40x128xi32, #tpu.memory_space<vmem>> -> memref<1x128xi32, #tpu.memory_space<vmem>>
        %dma_start3A_83 = tpu.memref_squeeze %dma_start3A_82 : memref<1x128xi32, #tpu.memory_space<vmem>> -> memref<128xi32, #tpu.memory_space<vmem>>
        %dma_start3A_84 = arith.constant 0 : i32
        %dma_start3A_85 = arith.constant 0 : i32
        %dma_start3A_86 = tpu.memref_slice %arg2[%dma_start3A_84, %dma_start3A_85] : memref<10240x128xf32, #tpu.memory_space<hbm>> -> memref<10240x128xf32, #tpu.memory_space<hbm>>
        tpu.enqueue_indirect_dma source(%dma_start3A_86 : memref<10240x128xf32, #tpu.memory_space<hbm>>) target(%arg8 : memref<128x128xf32, #tpu.memory_space<vmem>>) offsets(%dma_start3A_83 : memref<128xi32, #tpu.memory_space<vmem>>) semaphore(%arg11 : memref<!tpu.dma_semaphore, #tpu.memory_space<semaphore_mem>>)
      } else {
      }
      %add3A_68 = arith.constant 1 : i32
      %add3A_69 = arith.addi %mul3A_50, %add3A_68 : i32
      %dma_wait3A_70 = arith.constant 0 : i32
      %dma_wait3A_71 = tpu.memref_slice %arg6[%add3A_69, %dma_wait3A_70] : memref<40x128xi32, #tpu.memory_space<vmem>> -> memref<1x128xi32, #tpu.memory_space<vmem>>
      %dma_wait3A_72 = tpu.memref_squeeze %dma_wait3A_71 : memref<1x128xi32, #tpu.memory_space<vmem>> -> memref<128xi32, #tpu.memory_space<vmem>>
      %dma_wait3A_73 = arith.constant 0 : i32
      %dma_wait3A_74 = arith.constant 0 : i32
      %dma_wait3A_75 = tpu.memref_slice %arg2[%dma_wait3A_73, %dma_wait3A_74] : memref<10240x128xf32, #tpu.memory_space<hbm>> -> memref<10240x128xf32, #tpu.memory_space<hbm>>
      tpu.wait_indirect_dma semaphore(%arg12 : memref<!tpu.dma_semaphore, #tpu.memory_space<semaphore_mem>>) src(%dma_wait3A_75 : memref<10240x128xf32, #tpu.memory_space<hbm>>) dst(%arg9 : memref<128x128xf32, #tpu.memory_space<vmem>>)
      %add3A_76 = arith.constant 1 : i32
      %add3A_77 = arith.addi %mul3A_50, %add3A_76 : i32
      "tpu.region"() ({
        %run_scoped3A = tpu.sem_alloc : memref<!tpu.dma_semaphore, #tpu.memory_space<semaphore_mem>>
        %dma_start3A_79 = arith.constant 0 : i32
        %dma_start3A_80 = tpu.memref_slice %arg7[%add3A_77, %dma_start3A_79] : memref<40x128xi32, #tpu.memory_space<vmem>> -> memref<1x128xi32, #tpu.memory_space<vmem>>
        %dma_start3A_81 = tpu.memref_squeeze %dma_start3A_80 : memref<1x128xi32, #tpu.memory_space<vmem>> -> memref<128xi32, #tpu.memory_space<vmem>>
        %dma_start3A_82 = arith.constant 0 : i32
        %dma_start3A_83 = arith.constant 0 : i32
        %dma_start3A_84 = tpu.memref_slice %arg10[%dma_start3A_82, %dma_start3A_83] : memref<10240x128xf32, #tpu.memory_space<vmem_shared>> -> memref<10240x128xf32, #tpu.memory_space<vmem_shared>>
        tpu.enqueue_indirect_dma source(%arg9 : memref<128x128xf32, #tpu.memory_space<vmem>>) target(%dma_start3A_84 : memref<10240x128xf32, #tpu.memory_space<vmem_shared>>) offsets(%dma_start3A_81 : memref<128xi32, #tpu.memory_space<vmem>>) semaphore(%run_scoped3A : memref<!tpu.dma_semaphore, #tpu.memory_space<semaphore_mem>>) {add = true}
        %dma_wait3A_85 = arith.constant 0 : i32
        %dma_wait3A_86 = tpu.memref_slice %arg7[%add3A_77, %dma_wait3A_85] : memref<40x128xi32, #tpu.memory_space<vmem>> -> memref<1x128xi32, #tpu.memory_space<vmem>>
        %dma_wait3A_87 = tpu.memref_squeeze %dma_wait3A_86 : memref<1x128xi32, #tpu.memory_space<vmem>> -> memref<128xi32, #tpu.memory_space<vmem>>
        %dma_wait3A_88 = arith.constant 0 : i32
        %dma_wait3A_89 = arith.constant 0 : i32
        %dma_wait3A_90 = tpu.memref_slice %arg10[%dma_wait3A_88, %dma_wait3A_89] : memref<10240x128xf32, #tpu.memory_space<vmem_shared>> -> memref<10240x128xf32, #tpu.memory_space<vmem_shared>>
        tpu.wait_indirect_dma semaphore(%run_scoped3A : memref<!tpu.dma_semaphore, #tpu.memory_space<semaphore_mem>>) src(%arg9 : memref<128x128xf32, #tpu.memory_space<vmem>>) dst(%dma_wait3A_90 : memref<10240x128xf32, #tpu.memory_space<vmem_shared>>)
        tpu.yield
      }) : () -> ()
      %scan3A_78 = arith.constant 0 : i32
      scf.yield %scan3A_78 : i32
    }
    %scan3A_41 = arith.constant 20 : i32
    %barrier3A_42 = arith.constant 0 : index
    tpu.barrier barrier_id(%barrier3A_42)
    %mul3A_43 = arith.constant 640 : i32
    %mul3A_44 = arith.muli %arg1, %mul3A_43 : i32
    %mul3A_45 = arith.constant 640 : i32
    %mul3A_46 = arith.muli %arg1, %mul3A_45 : i32
    "tpu.region"() ({
      %run_scoped3A = tpu.sem_alloc : memref<!tpu.dma_semaphore, #tpu.memory_space<semaphore_mem>>
      %dma_start3A_47 = arith.constant 0 : i32
      %dma_start3A_48 = tpu.memref_slice %arg5[%arg0, %mul3A_46, %dma_start3A_47] : memref<2x10240x128xf32, #tpu.memory_space<hbm>> -> memref<1x640x128xf32, #tpu.memory_space<hbm>>
      %dma_start3A_49 = tpu.memref_squeeze %dma_start3A_48 : memref<1x640x128xf32, #tpu.memory_space<hbm>> -> memref<640x128xf32, #tpu.memory_space<hbm>>
      %dma_start3A_50 = arith.constant 0 : i32
      %dma_start3A_51 = tpu.memref_slice %arg10[%mul3A_44, %dma_start3A_50] : memref<10240x128xf32, #tpu.memory_space<vmem_shared>> -> memref<640x128xf32, #tpu.memory_space<vmem_shared>>
      tpu.enqueue_dma source(%dma_start3A_51 : memref<640x128xf32, #tpu.memory_space<vmem_shared>>) target(%dma_start3A_49 : memref<640x128xf32, #tpu.memory_space<hbm>>) target_semaphore(%run_scoped3A : memref<!tpu.dma_semaphore, #tpu.memory_space<semaphore_mem>>)
      %dma_wait3A = arith.constant 0 : i32
      %dma_wait3A_52 = tpu.memref_slice %arg5[%arg0, %mul3A_46, %dma_wait3A] : memref<2x10240x128xf32, #tpu.memory_space<hbm>> -> memref<1x640x128xf32, #tpu.memory_space<hbm>>
      %dma_wait3A_53 = tpu.memref_squeeze %dma_wait3A_52 : memref<1x640x128xf32, #tpu.memory_space<hbm>> -> memref<640x128xf32, #tpu.memory_space<hbm>>
      %dma_wait3A_54 = arith.constant 0 : i32
      %dma_wait3A_55 = tpu.memref_slice %arg10[%mul3A_44, %dma_wait3A_54] : memref<10240x128xf32, #tpu.memory_space<vmem_shared>> -> memref<640x128xf32, #tpu.memory_space<vmem_shared>>
      tpu.wait_dma2 semaphore(%run_scoped3A : memref<!tpu.dma_semaphore, #tpu.memory_space<semaphore_mem>>) src(%dma_wait3A_55 : memref<640x128xf32, #tpu.memory_space<vmem_shared>>) dst(%dma_wait3A_53 : memref<640x128xf32, #tpu.memory_space<hbm>>)
      tpu.yield
    }) : () -> ()
    return
  }
}

#map = affine_map<(d0, d1) -> (0)>
#map1 = affine_map<(d0, d1) -> (0, 0, 0)>
module attributes {stable_mosaic.version = 14 : i64} {
  func.func @_dec_kernel(%arg0: i32, %arg1: i32, %arg2: memref<10240xf32, #tpu.memory_space<hbm>>, %arg3: memref<10240xf32, #tpu.memory_space<hbm>>, %arg4: memref<32x50x128xi32, #tpu.memory_space<hbm>>, %arg5: memref<32x50x128xi32, #tpu.memory_space<hbm>>, %arg6: memref<204800xf32, #tpu.memory_space<hbm>>, %arg7: memref<50x128xi32, #tpu.memory_space<vmem>>, %arg8: memref<50x128xi32, #tpu.memory_space<vmem>>, %arg9: memref<128xf32, #tpu.memory_space<vmem>>, %arg10: memref<128xf32, #tpu.memory_space<vmem>>, %arg11: memref<128xf32, #tpu.memory_space<vmem>>, %arg12: memref<128xf32, #tpu.memory_space<vmem>>, %arg13: memref<6400xf32, #tpu.memory_space<vmem>>, %arg14: memref<!tpu.dma_semaphore, #tpu.memory_space<semaphore_mem>>, %arg15: memref<!tpu.dma_semaphore, #tpu.memory_space<semaphore_mem>>) attributes {dimension_semantics = [#tpu.dimension_semantics<core_parallel>, #tpu.dimension_semantics<subcore_parallel>], iteration_bounds = array<i64: 2, 16>, scalar_prefetch = 0 : i64, scratch_operands = 9 : i64, tpu.core_type = #tpu.core_type<sc_vector_subcore>, window_params = [{transform_indices = #map}, {transform_indices = #map}, {transform_indices = #map1}, {transform_indices = #map1}, {transform_indices = #map}]} {
    %mul3A = arith.constant 2 : i32
    %mul3A_0 = arith.muli %arg1, %mul3A : i32
    %add3A = arith.addi %mul3A_0, %arg0 : i32
    "tpu.region"() ({
      %run_scoped3A = tpu.sem_alloc : memref<!tpu.dma_semaphore, #tpu.memory_space<semaphore_mem>>
      %dma_start3A_20 = arith.constant 0 : i32
      %dma_start3A_21 = arith.constant 0 : i32
      %dma_start3A_22 = tpu.memref_slice %arg4[%add3A, %dma_start3A_20, %dma_start3A_21] : memref<32x50x128xi32, #tpu.memory_space<hbm>> -> memref<1x50x128xi32, #tpu.memory_space<hbm>>
      %dma_start3A_23 = tpu.memref_squeeze %dma_start3A_22 : memref<1x50x128xi32, #tpu.memory_space<hbm>> -> memref<50x128xi32, #tpu.memory_space<hbm>>
      %dma_start3A_24 = arith.constant 0 : i32
      %dma_start3A_25 = arith.constant 0 : i32
      %dma_start3A_26 = tpu.memref_slice %arg4[%add3A, %dma_start3A_24, %dma_start3A_25] : memref<32x50x128xi32, #tpu.memory_space<hbm>> -> memref<1x50x128xi32, #tpu.memory_space<hbm>>
      %dma_start3A_27 = tpu.memref_squeeze %dma_start3A_26 : memref<1x50x128xi32, #tpu.memory_space<hbm>> -> memref<50x128xi32, #tpu.memory_space<hbm>>
      tpu.enqueue_dma source(%dma_start3A_27 : memref<50x128xi32, #tpu.memory_space<hbm>>) target(%arg7 : memref<50x128xi32, #tpu.memory_space<vmem>>) target_semaphore(%run_scoped3A : memref<!tpu.dma_semaphore, #tpu.memory_space<semaphore_mem>>)
      %dma_wait3A = arith.constant 0 : i32
      %dma_wait3A_28 = arith.constant 0 : i32
      %dma_wait3A_29 = tpu.memref_slice %arg4[%add3A, %dma_wait3A, %dma_wait3A_28] : memref<32x50x128xi32, #tpu.memory_space<hbm>> -> memref<1x50x128xi32, #tpu.memory_space<hbm>>
      %dma_wait3A_30 = tpu.memref_squeeze %dma_wait3A_29 : memref<1x50x128xi32, #tpu.memory_space<hbm>> -> memref<50x128xi32, #tpu.memory_space<hbm>>
      %dma_wait3A_31 = arith.constant 0 : i32
      %dma_wait3A_32 = arith.constant 0 : i32
      %dma_wait3A_33 = tpu.memref_slice %arg4[%add3A, %dma_wait3A_31, %dma_wait3A_32] : memref<32x50x128xi32, #tpu.memory_space<hbm>> -> memref<1x50x128xi32, #tpu.memory_space<hbm>>
      %dma_wait3A_34 = tpu.memref_squeeze %dma_wait3A_33 : memref<1x50x128xi32, #tpu.memory_space<hbm>> -> memref<50x128xi32, #tpu.memory_space<hbm>>
      tpu.wait_dma2 semaphore(%run_scoped3A : memref<!tpu.dma_semaphore, #tpu.memory_space<semaphore_mem>>) src(%dma_wait3A_34 : memref<50x128xi32, #tpu.memory_space<hbm>>) dst(%arg7 : memref<50x128xi32, #tpu.memory_space<vmem>>)
      tpu.yield
    }) : () -> ()
    "tpu.region"() ({
      %run_scoped3A = tpu.sem_alloc : memref<!tpu.dma_semaphore, #tpu.memory_space<semaphore_mem>>
      %dma_start3A_20 = arith.constant 0 : i32
      %dma_start3A_21 = arith.constant 0 : i32
      %dma_start3A_22 = tpu.memref_slice %arg5[%add3A, %dma_start3A_20, %dma_start3A_21] : memref<32x50x128xi32, #tpu.memory_space<hbm>> -> memref<1x50x128xi32, #tpu.memory_space<hbm>>
      %dma_start3A_23 = tpu.memref_squeeze %dma_start3A_22 : memref<1x50x128xi32, #tpu.memory_space<hbm>> -> memref<50x128xi32, #tpu.memory_space<hbm>>
      %dma_start3A_24 = arith.constant 0 : i32
      %dma_start3A_25 = arith.constant 0 : i32
      %dma_start3A_26 = tpu.memref_slice %arg5[%add3A, %dma_start3A_24, %dma_start3A_25] : memref<32x50x128xi32, #tpu.memory_space<hbm>> -> memref<1x50x128xi32, #tpu.memory_space<hbm>>
      %dma_start3A_27 = tpu.memref_squeeze %dma_start3A_26 : memref<1x50x128xi32, #tpu.memory_space<hbm>> -> memref<50x128xi32, #tpu.memory_space<hbm>>
      tpu.enqueue_dma source(%dma_start3A_27 : memref<50x128xi32, #tpu.memory_space<hbm>>) target(%arg8 : memref<50x128xi32, #tpu.memory_space<vmem>>) target_semaphore(%run_scoped3A : memref<!tpu.dma_semaphore, #tpu.memory_space<semaphore_mem>>)
      %dma_wait3A = arith.constant 0 : i32
      %dma_wait3A_28 = arith.constant 0 : i32
      %dma_wait3A_29 = tpu.memref_slice %arg5[%add3A, %dma_wait3A, %dma_wait3A_28] : memref<32x50x128xi32, #tpu.memory_space<hbm>> -> memref<1x50x128xi32, #tpu.memory_space<hbm>>
      %dma_wait3A_30 = tpu.memref_squeeze %dma_wait3A_29 : memref<1x50x128xi32, #tpu.memory_space<hbm>> -> memref<50x128xi32, #tpu.memory_space<hbm>>
      %dma_wait3A_31 = arith.constant 0 : i32
      %dma_wait3A_32 = arith.constant 0 : i32
      %dma_wait3A_33 = tpu.memref_slice %arg5[%add3A, %dma_wait3A_31, %dma_wait3A_32] : memref<32x50x128xi32, #tpu.memory_space<hbm>> -> memref<1x50x128xi32, #tpu.memory_space<hbm>>
      %dma_wait3A_34 = tpu.memref_squeeze %dma_wait3A_33 : memref<1x50x128xi32, #tpu.memory_space<hbm>> -> memref<50x128xi32, #tpu.memory_space<hbm>>
      tpu.wait_dma2 semaphore(%run_scoped3A : memref<!tpu.dma_semaphore, #tpu.memory_space<semaphore_mem>>) src(%dma_wait3A_34 : memref<50x128xi32, #tpu.memory_space<hbm>>) dst(%arg8 : memref<50x128xi32, #tpu.memory_space<vmem>>)
      tpu.yield
    }) : () -> ()
    %dma_start3A = arith.constant 0 : i32
    %dma_start3A_1 = arith.constant 0 : i32
    %dma_start3A_2 = tpu.memref_slice %arg7[%dma_start3A, %dma_start3A_1] : memref<50x128xi32, #tpu.memory_space<vmem>> -> memref<1x128xi32, #tpu.memory_space<vmem>>
    %dma_start3A_3 = tpu.memref_squeeze %dma_start3A_2 : memref<1x128xi32, #tpu.memory_space<vmem>> -> memref<128xi32, #tpu.memory_space<vmem>>
    %dma_start3A_4 = arith.constant 0 : i32
    %dma_start3A_5 = tpu.memref_slice %arg2[%dma_start3A_4] : memref<10240xf32, #tpu.memory_space<hbm>> -> memref<10240xf32, #tpu.memory_space<hbm>>
    tpu.enqueue_indirect_dma source(%dma_start3A_5 : memref<10240xf32, #tpu.memory_space<hbm>>) target(%arg9 : memref<128xf32, #tpu.memory_space<vmem>>) offsets(%dma_start3A_3 : memref<128xi32, #tpu.memory_space<vmem>>) semaphore(%arg14 : memref<!tpu.dma_semaphore, #tpu.memory_space<semaphore_mem>>)
    %dma_start3A_6 = arith.constant 0 : i32
    %dma_start3A_7 = arith.constant 0 : i32
    %dma_start3A_8 = tpu.memref_slice %arg8[%dma_start3A_6, %dma_start3A_7] : memref<50x128xi32, #tpu.memory_space<vmem>> -> memref<1x128xi32, #tpu.memory_space<vmem>>
    %dma_start3A_9 = tpu.memref_squeeze %dma_start3A_8 : memref<1x128xi32, #tpu.memory_space<vmem>> -> memref<128xi32, #tpu.memory_space<vmem>>
    %dma_start3A_10 = arith.constant 0 : i32
    %dma_start3A_11 = tpu.memref_slice %arg3[%dma_start3A_10] : memref<10240xf32, #tpu.memory_space<hbm>> -> memref<10240xf32, #tpu.memory_space<hbm>>
    tpu.enqueue_indirect_dma source(%dma_start3A_11 : memref<10240xf32, #tpu.memory_space<hbm>>) target(%arg10 : memref<128xf32, #tpu.memory_space<vmem>>) offsets(%dma_start3A_9 : memref<128xi32, #tpu.memory_space<vmem>>) semaphore(%arg14 : memref<!tpu.dma_semaphore, #tpu.memory_space<semaphore_mem>>)
    %scan3A = arith.constant 0 : i32
    %scan3A_12 = arith.constant 0 : i32
    %scan3A_13 = arith.constant 25 : i32
    %scan3A_14 = arith.addi %scan3A_12, %scan3A_13 : i32
    %scan3A_15 = arith.constant 1 : i32
    %scan3A_16 = scf.for %scan3A_20 = %scan3A_12 to %scan3A_14 step %scan3A_15 iter_args(%scan3A_21 = %scan3A) -> (i32)  : i32 {
      %mul3A_22 = arith.constant 2 : i32
      %mul3A_23 = arith.muli %mul3A_22, %scan3A_20 : i32
      %add3A_24 = arith.constant 1 : i32
      %add3A_25 = arith.addi %mul3A_23, %add3A_24 : i32
      %dma_start3A_26 = arith.constant 0 : i32
      %dma_start3A_27 = tpu.memref_slice %arg7[%add3A_25, %dma_start3A_26] : memref<50x128xi32, #tpu.memory_space<vmem>> -> memref<1x128xi32, #tpu.memory_space<vmem>>
      %dma_start3A_28 = tpu.memref_squeeze %dma_start3A_27 : memref<1x128xi32, #tpu.memory_space<vmem>> -> memref<128xi32, #tpu.memory_space<vmem>>
      %dma_start3A_29 = arith.constant 0 : i32
      %dma_start3A_30 = tpu.memref_slice %arg2[%dma_start3A_29] : memref<10240xf32, #tpu.memory_space<hbm>> -> memref<10240xf32, #tpu.memory_space<hbm>>
      tpu.enqueue_indirect_dma source(%dma_start3A_30 : memref<10240xf32, #tpu.memory_space<hbm>>) target(%arg11 : memref<128xf32, #tpu.memory_space<vmem>>) offsets(%dma_start3A_28 : memref<128xi32, #tpu.memory_space<vmem>>) semaphore(%arg15 : memref<!tpu.dma_semaphore, #tpu.memory_space<semaphore_mem>>)
      %dma_start3A_31 = arith.constant 0 : i32
      %dma_start3A_32 = tpu.memref_slice %arg8[%add3A_25, %dma_start3A_31] : memref<50x128xi32, #tpu.memory_space<vmem>> -> memref<1x128xi32, #tpu.memory_space<vmem>>
      %dma_start3A_33 = tpu.memref_squeeze %dma_start3A_32 : memref<1x128xi32, #tpu.memory_space<vmem>> -> memref<128xi32, #tpu.memory_space<vmem>>
      %dma_start3A_34 = arith.constant 0 : i32
      %dma_start3A_35 = tpu.memref_slice %arg3[%dma_start3A_34] : memref<10240xf32, #tpu.memory_space<hbm>> -> memref<10240xf32, #tpu.memory_space<hbm>>
      tpu.enqueue_indirect_dma source(%dma_start3A_35 : memref<10240xf32, #tpu.memory_space<hbm>>) target(%arg12 : memref<128xf32, #tpu.memory_space<vmem>>) offsets(%dma_start3A_33 : memref<128xi32, #tpu.memory_space<vmem>>) semaphore(%arg15 : memref<!tpu.dma_semaphore, #tpu.memory_space<semaphore_mem>>)
      %dma_wait3A = arith.constant 0 : i32
      %dma_wait3A_36 = tpu.memref_slice %arg7[%mul3A_23, %dma_wait3A] : memref<50x128xi32, #tpu.memory_space<vmem>> -> memref<1x128xi32, #tpu.memory_space<vmem>>
      %dma_wait3A_37 = tpu.memref_squeeze %dma_wait3A_36 : memref<1x128xi32, #tpu.memory_space<vmem>> -> memref<128xi32, #tpu.memory_space<vmem>>
      %dma_wait3A_38 = arith.constant 0 : i32
      %dma_wait3A_39 = tpu.memref_slice %arg2[%dma_wait3A_38] : memref<10240xf32, #tpu.memory_space<hbm>> -> memref<10240xf32, #tpu.memory_space<hbm>>
      tpu.wait_indirect_dma semaphore(%arg14 : memref<!tpu.dma_semaphore, #tpu.memory_space<semaphore_mem>>) src(%dma_wait3A_39 : memref<10240xf32, #tpu.memory_space<hbm>>) dst(%arg9 : memref<128xf32, #tpu.memory_space<vmem>>)
      %dma_wait3A_40 = arith.constant 0 : i32
      %dma_wait3A_41 = tpu.memref_slice %arg8[%mul3A_23, %dma_wait3A_40] : memref<50x128xi32, #tpu.memory_space<vmem>> -> memref<1x128xi32, #tpu.memory_space<vmem>>
      %dma_wait3A_42 = tpu.memref_squeeze %dma_wait3A_41 : memref<1x128xi32, #tpu.memory_space<vmem>> -> memref<128xi32, #tpu.memory_space<vmem>>
      %dma_wait3A_43 = arith.constant 0 : i32
      %dma_wait3A_44 = tpu.memref_slice %arg3[%dma_wait3A_43] : memref<10240xf32, #tpu.memory_space<hbm>> -> memref<10240xf32, #tpu.memory_space<hbm>>
      tpu.wait_indirect_dma semaphore(%arg14 : memref<!tpu.dma_semaphore, #tpu.memory_space<semaphore_mem>>) src(%dma_wait3A_44 : memref<10240xf32, #tpu.memory_space<hbm>>) dst(%arg10 : memref<128xf32, #tpu.memory_space<vmem>>)
      %get3A = arith.constant 0 : index
      %get3A_45 = tpu.vector_load %arg9[%get3A] {strides = array<i32>} : memref<128xf32, #tpu.memory_space<vmem>>, vector<16xf32>,
      %get3A_46 = vector.shape_cast %get3A_45 : vector<16xf32> to vector<16xf32>
      %get3A_47 = arith.constant 0 : index
      %get3A_48 = tpu.vector_load %arg10[%get3A_47] {strides = array<i32>} : memref<128xf32, #tpu.memory_space<vmem>>, vector<16xf32>,
      %get3A_49 = vector.shape_cast %get3A_48 : vector<16xf32> to vector<16xf32>
      %add3A_50 = arith.addf %get3A_46, %get3A_49 : vector<16xf32>
      %mul3A_51 = arith.constant 128 : i32
      %mul3A_52 = arith.muli %mul3A_23, %mul3A_51 : i32
      %add3A_53 = arith.constant 0 : i32
      %add3A_54 = arith.addi %mul3A_52, %add3A_53 : i32
      %swap3A = arith.index_cast %add3A_54 : i32 to index
      %swap3A_55 = tpu.vector_load %arg13[%swap3A] {strides = array<i32>} : memref<6400xf32, #tpu.memory_space<vmem>>, vector<16xf32>,
      %swap3A_56 = vector.shape_cast %swap3A_55 : vector<16xf32> to vector<16xf32>
      %swap3A_57 = vector.shape_cast %add3A_50 : vector<16xf32> to vector<16xf32>
      tpu.vector_store %arg13[%swap3A], %swap3A_57 {strides = array<i32>} : memref<6400xf32, #tpu.memory_space<vmem>>, vector<16xf32>,
      %get3A_58 = arith.constant 16 : index
      %get3A_59 = tpu.vector_load %arg9[%get3A_58] {strides = array<i32>} : memref<128xf32, #tpu.memory_space<vmem>>, vector<16xf32>,
      %get3A_60 = vector.shape_cast %get3A_59 : vector<16xf32> to vector<16xf32>
      %get3A_61 = arith.constant 16 : index
      %get3A_62 = tpu.vector_load %arg10[%get3A_61] {strides = array<i32>} : memref<128xf32, #tpu.memory_space<vmem>>, vector<16xf32>,
      %get3A_63 = vector.shape_cast %get3A_62 : vector<16xf32> to vector<16xf32>
      %add3A_64 = arith.addf %get3A_60, %get3A_63 : vector<16xf32>
      %mul3A_65 = arith.constant 128 : i32
      %mul3A_66 = arith.muli %mul3A_23, %mul3A_65 : i32
      %add3A_67 = arith.constant 16 : i32
      %add3A_68 = arith.addi %mul3A_66, %add3A_67 : i32
      %swap3A_69 = arith.index_cast %add3A_68 : i32 to index
      %swap3A_70 = tpu.vector_load %arg13[%swap3A_69] {strides = array<i32>} : memref<6400xf32, #tpu.memory_space<vmem>>, vector<16xf32>,
      %swap3A_71 = vector.shape_cast %swap3A_70 : vector<16xf32> to vector<16xf32>
      %swap3A_72 = vector.shape_cast %add3A_64 : vector<16xf32> to vector<16xf32>
      tpu.vector_store %arg13[%swap3A_69], %swap3A_72 {strides = array<i32>} : memref<6400xf32, #tpu.memory_space<vmem>>, vector<16xf32>,
      %get3A_73 = arith.constant 32 : index
      %get3A_74 = tpu.vector_load %arg9[%get3A_73] {strides = array<i32>} : memref<128xf32, #tpu.memory_space<vmem>>, vector<16xf32>,
      %get3A_75 = vector.shape_cast %get3A_74 : vector<16xf32> to vector<16xf32>
      %get3A_76 = arith.constant 32 : index
      %get3A_77 = tpu.vector_load %arg10[%get3A_76] {strides = array<i32>} : memref<128xf32, #tpu.memory_space<vmem>>, vector<16xf32>,
      %get3A_78 = vector.shape_cast %get3A_77 : vector<16xf32> to vector<16xf32>
      %add3A_79 = arith.addf %get3A_75, %get3A_78 : vector<16xf32>
      %mul3A_80 = arith.constant 128 : i32
      %mul3A_81 = arith.muli %mul3A_23, %mul3A_80 : i32
      %add3A_82 = arith.constant 32 : i32
      %add3A_83 = arith.addi %mul3A_81, %add3A_82 : i32
      %swap3A_84 = arith.index_cast %add3A_83 : i32 to index
      %swap3A_85 = tpu.vector_load %arg13[%swap3A_84] {strides = array<i32>} : memref<6400xf32, #tpu.memory_space<vmem>>, vector<16xf32>,
      %swap3A_86 = vector.shape_cast %swap3A_85 : vector<16xf32> to vector<16xf32>
      %swap3A_87 = vector.shape_cast %add3A_79 : vector<16xf32> to vector<16xf32>
      tpu.vector_store %arg13[%swap3A_84], %swap3A_87 {strides = array<i32>} : memref<6400xf32, #tpu.memory_space<vmem>>, vector<16xf32>,
      %get3A_88 = arith.constant 48 : index
      %get3A_89 = tpu.vector_load %arg9[%get3A_88] {strides = array<i32>} : memref<128xf32, #tpu.memory_space<vmem>>, vector<16xf32>,
      %get3A_90 = vector.shape_cast %get3A_89 : vector<16xf32> to vector<16xf32>
      %get3A_91 = arith.constant 48 : index
      %get3A_92 = tpu.vector_load %arg10[%get3A_91] {strides = array<i32>} : memref<128xf32, #tpu.memory_space<vmem>>, vector<16xf32>,
      %get3A_93 = vector.shape_cast %get3A_92 : vector<16xf32> to vector<16xf32>
      %add3A_94 = arith.addf %get3A_90, %get3A_93 : vector<16xf32>
      %mul3A_95 = arith.constant 128 : i32
      %mul3A_96 = arith.muli %mul3A_23, %mul3A_95 : i32
      %add3A_97 = arith.constant 48 : i32
      %add3A_98 = arith.addi %mul3A_96, %add3A_97 : i32
      %swap3A_99 = arith.index_cast %add3A_98 : i32 to index
      %swap3A_100 = tpu.vector_load %arg13[%swap3A_99] {strides = array<i32>} : memref<6400xf32, #tpu.memory_space<vmem>>, vector<16xf32>,
      %swap3A_101 = vector.shape_cast %swap3A_100 : vector<16xf32> to vector<16xf32>
      %swap3A_102 = vector.shape_cast %add3A_94 : vector<16xf32> to vector<16xf32>
      tpu.vector_store %arg13[%swap3A_99], %swap3A_102 {strides = array<i32>} : memref<6400xf32, #tpu.memory_space<vmem>>, vector<16xf32>,
      %get3A_103 = arith.constant 64 : index
      %get3A_104 = tpu.vector_load %arg9[%get3A_103] {strides = array<i32>} : memref<128xf32, #tpu.memory_space<vmem>>, vector<16xf32>,
      %get3A_105 = vector.shape_cast %get3A_104 : vector<16xf32> to vector<16xf32>
      %get3A_106 = arith.constant 64 : index
      %get3A_107 = tpu.vector_load %arg10[%get3A_106] {strides = array<i32>} : memref<128xf32, #tpu.memory_space<vmem>>, vector<16xf32>,
      %get3A_108 = vector.shape_cast %get3A_107 : vector<16xf32> to vector<16xf32>
      %add3A_109 = arith.addf %get3A_105, %get3A_108 : vector<16xf32>
      %mul3A_110 = arith.constant 128 : i32
      %mul3A_111 = arith.muli %mul3A_23, %mul3A_110 : i32
      %add3A_112 = arith.constant 64 : i32
      %add3A_113 = arith.addi %mul3A_111, %add3A_112 : i32
      %swap3A_114 = arith.index_cast %add3A_113 : i32 to index
      %swap3A_115 = tpu.vector_load %arg13[%swap3A_114] {strides = array<i32>} : memref<6400xf32, #tpu.memory_space<vmem>>, vector<16xf32>,
      %swap3A_116 = vector.shape_cast %swap3A_115 : vector<16xf32> to vector<16xf32>
      %swap3A_117 = vector.shape_cast %add3A_109 : vector<16xf32> to vector<16xf32>
      tpu.vector_store %arg13[%swap3A_114], %swap3A_117 {strides = array<i32>} : memref<6400xf32, #tpu.memory_space<vmem>>, vector<16xf32>,
      %get3A_118 = arith.constant 80 : index
      %get3A_119 = tpu.vector_load %arg9[%get3A_118] {strides = array<i32>} : memref<128xf32, #tpu.memory_space<vmem>>, vector<16xf32>,
      %get3A_120 = vector.shape_cast %get3A_119 : vector<16xf32> to vector<16xf32>
      %get3A_121 = arith.constant 80 : index
      %get3A_122 = tpu.vector_load %arg10[%get3A_121] {strides = array<i32>} : memref<128xf32, #tpu.memory_space<vmem>>, vector<16xf32>,
      %get3A_123 = vector.shape_cast %get3A_122 : vector<16xf32> to vector<16xf32>
      %add3A_124 = arith.addf %get3A_120, %get3A_123 : vector<16xf32>
      %mul3A_125 = arith.constant 128 : i32
      %mul3A_126 = arith.muli %mul3A_23, %mul3A_125 : i32
      %add3A_127 = arith.constant 80 : i32
      %add3A_128 = arith.addi %mul3A_126, %add3A_127 : i32
      %swap3A_129 = arith.index_cast %add3A_128 : i32 to index
      %swap3A_130 = tpu.vector_load %arg13[%swap3A_129] {strides = array<i32>} : memref<6400xf32, #tpu.memory_space<vmem>>, vector<16xf32>,
      %swap3A_131 = vector.shape_cast %swap3A_130 : vector<16xf32> to vector<16xf32>
      %swap3A_132 = vector.shape_cast %add3A_124 : vector<16xf32> to vector<16xf32>
      tpu.vector_store %arg13[%swap3A_129], %swap3A_132 {strides = array<i32>} : memref<6400xf32, #tpu.memory_space<vmem>>, vector<16xf32>,
      %get3A_133 = arith.constant 96 : index
      %get3A_134 = tpu.vector_load %arg9[%get3A_133] {strides = array<i32>} : memref<128xf32, #tpu.memory_space<vmem>>, vector<16xf32>,
      %get3A_135 = vector.shape_cast %get3A_134 : vector<16xf32> to vector<16xf32>
      %get3A_136 = arith.constant 96 : index
      %get3A_137 = tpu.vector_load %arg10[%get3A_136] {strides = array<i32>} : memref<128xf32, #tpu.memory_space<vmem>>, vector<16xf32>,
      %get3A_138 = vector.shape_cast %get3A_137 : vector<16xf32> to vector<16xf32>
      %add3A_139 = arith.addf %get3A_135, %get3A_138 : vector<16xf32>
      %mul3A_140 = arith.constant 128 : i32
      %mul3A_141 = arith.muli %mul3A_23, %mul3A_140 : i32
      %add3A_142 = arith.constant 96 : i32
      %add3A_143 = arith.addi %mul3A_141, %add3A_142 : i32
      %swap3A_144 = arith.index_cast %add3A_143 : i32 to index
      %swap3A_145 = tpu.vector_load %arg13[%swap3A_144] {strides = array<i32>} : memref<6400xf32, #tpu.memory_space<vmem>>, vector<16xf32>,
      %swap3A_146 = vector.shape_cast %swap3A_145 : vector<16xf32> to vector<16xf32>
      %swap3A_147 = vector.shape_cast %add3A_139 : vector<16xf32> to vector<16xf32>
      tpu.vector_store %arg13[%swap3A_144], %swap3A_147 {strides = array<i32>} : memref<6400xf32, #tpu.memory_space<vmem>>, vector<16xf32>,
      %get3A_148 = arith.constant 112 : index
      %get3A_149 = tpu.vector_load %arg9[%get3A_148] {strides = array<i32>} : memref<128xf32, #tpu.memory_space<vmem>>, vector<16xf32>,
      %get3A_150 = vector.shape_cast %get3A_149 : vector<16xf32> to vector<16xf32>
      %get3A_151 = arith.constant 112 : index
      %get3A_152 = tpu.vector_load %arg10[%get3A_151] {strides = array<i32>} : memref<128xf32, #tpu.memory_space<vmem>>, vector<16xf32>,
      %get3A_153 = vector.shape_cast %get3A_152 : vector<16xf32> to vector<16xf32>
      %add3A_154 = arith.addf %get3A_150, %get3A_153 : vector<16xf32>
      %mul3A_155 = arith.constant 128 : i32
      %mul3A_156 = arith.muli %mul3A_23, %mul3A_155 : i32
      %add3A_157 = arith.constant 112 : i32
      %add3A_158 = arith.addi %mul3A_156, %add3A_157 : i32
      %swap3A_159 = arith.index_cast %add3A_158 : i32 to index
      %swap3A_160 = tpu.vector_load %arg13[%swap3A_159] {strides = array<i32>} : memref<6400xf32, #tpu.memory_space<vmem>>, vector<16xf32>,
      %swap3A_161 = vector.shape_cast %swap3A_160 : vector<16xf32> to vector<16xf32>
      %swap3A_162 = vector.shape_cast %add3A_154 : vector<16xf32> to vector<16xf32>
      tpu.vector_store %arg13[%swap3A_159], %swap3A_162 {strides = array<i32>} : memref<6400xf32, #tpu.memory_space<vmem>>, vector<16xf32>,
      %add3A_163 = arith.constant 2 : i32
      %add3A_164 = arith.addi %mul3A_23, %add3A_163 : i32
      %lt3A = arith.constant 50 : i32
      %lt3A_165 = arith.cmpi slt, %add3A_164, %lt3A : i32
      %convert_element_type3A = arith.extui %lt3A_165 : i1 to i32
      %cond3A = arith.constant 0 : i32
      %cond3A_166 = arith.cmpi ne, %convert_element_type3A, %cond3A : i32
      scf.if %cond3A_166 {
        %add3A_300 = arith.constant 2 : i32
        %add3A_301 = arith.addi %mul3A_23, %add3A_300 : i32
        %dma_start3A_302 = arith.constant 0 : i32
        %dma_start3A_303 = tpu.memref_slice %arg7[%add3A_301, %dma_start3A_302] : memref<50x128xi32, #tpu.memory_space<vmem>> -> memref<1x128xi32, #tpu.memory_space<vmem>>
        %dma_start3A_304 = tpu.memref_squeeze %dma_start3A_303 : memref<1x128xi32, #tpu.memory_space<vmem>> -> memref<128xi32, #tpu.memory_space<vmem>>
        %dma_start3A_305 = arith.constant 0 : i32
        %dma_start3A_306 = tpu.memref_slice %arg2[%dma_start3A_305] : memref<10240xf32, #tpu.memory_space<hbm>> -> memref<10240xf32, #tpu.memory_space<hbm>>
        tpu.enqueue_indirect_dma source(%dma_start3A_306 : memref<10240xf32, #tpu.memory_space<hbm>>) target(%arg9 : memref<128xf32, #tpu.memory_space<vmem>>) offsets(%dma_start3A_304 : memref<128xi32, #tpu.memory_space<vmem>>) semaphore(%arg14 : memref<!tpu.dma_semaphore, #tpu.memory_space<semaphore_mem>>)
        %dma_start3A_307 = arith.constant 0 : i32
        %dma_start3A_308 = tpu.memref_slice %arg8[%add3A_301, %dma_start3A_307] : memref<50x128xi32, #tpu.memory_space<vmem>> -> memref<1x128xi32, #tpu.memory_space<vmem>>
        %dma_start3A_309 = tpu.memref_squeeze %dma_start3A_308 : memref<1x128xi32, #tpu.memory_space<vmem>> -> memref<128xi32, #tpu.memory_space<vmem>>
        %dma_start3A_310 = arith.constant 0 : i32
        %dma_start3A_311 = tpu.memref_slice %arg3[%dma_start3A_310] : memref<10240xf32, #tpu.memory_space<hbm>> -> memref<10240xf32, #tpu.memory_space<hbm>>
        tpu.enqueue_indirect_dma source(%dma_start3A_311 : memref<10240xf32, #tpu.memory_space<hbm>>) target(%arg10 : memref<128xf32, #tpu.memory_space<vmem>>) offsets(%dma_start3A_309 : memref<128xi32, #tpu.memory_space<vmem>>) semaphore(%arg14 : memref<!tpu.dma_semaphore, #tpu.memory_space<semaphore_mem>>)
      } else {
      }
      %add3A_167 = arith.constant 1 : i32
      %add3A_168 = arith.addi %mul3A_23, %add3A_167 : i32
      %dma_wait3A_169 = arith.constant 0 : i32
      %dma_wait3A_170 = tpu.memref_slice %arg7[%add3A_168, %dma_wait3A_169] : memref<50x128xi32, #tpu.memory_space<vmem>> -> memref<1x128xi32, #tpu.memory_space<vmem>>
      %dma_wait3A_171 = tpu.memref_squeeze %dma_wait3A_170 : memref<1x128xi32, #tpu.memory_space<vmem>> -> memref<128xi32, #tpu.memory_space<vmem>>
      %dma_wait3A_172 = arith.constant 0 : i32
      %dma_wait3A_173 = tpu.memref_slice %arg2[%dma_wait3A_172] : memref<10240xf32, #tpu.memory_space<hbm>> -> memref<10240xf32, #tpu.memory_space<hbm>>
      tpu.wait_indirect_dma semaphore(%arg15 : memref<!tpu.dma_semaphore, #tpu.memory_space<semaphore_mem>>) src(%dma_wait3A_173 : memref<10240xf32, #tpu.memory_space<hbm>>) dst(%arg11 : memref<128xf32, #tpu.memory_space<vmem>>)
      %dma_wait3A_174 = arith.constant 0 : i32
      %dma_wait3A_175 = tpu.memref_slice %arg8[%add3A_168, %dma_wait3A_174] : memref<50x128xi32, #tpu.memory_space<vmem>> -> memref<1x128xi32, #tpu.memory_space<vmem>>
      %dma_wait3A_176 = tpu.memref_squeeze %dma_wait3A_175 : memref<1x128xi32, #tpu.memory_space<vmem>> -> memref<128xi32, #tpu.memory_space<vmem>>
      %dma_wait3A_177 = arith.constant 0 : i32
      %dma_wait3A_178 = tpu.memref_slice %arg3[%dma_wait3A_177] : memref<10240xf32, #tpu.memory_space<hbm>> -> memref<10240xf32, #tpu.memory_space<hbm>>
      tpu.wait_indirect_dma semaphore(%arg15 : memref<!tpu.dma_semaphore, #tpu.memory_space<semaphore_mem>>) src(%dma_wait3A_178 : memref<10240xf32, #tpu.memory_space<hbm>>) dst(%arg12 : memref<128xf32, #tpu.memory_space<vmem>>)
      %get3A_179 = arith.constant 0 : index
      %get3A_180 = tpu.vector_load %arg11[%get3A_179] {strides = array<i32>} : memref<128xf32, #tpu.memory_space<vmem>>, vector<16xf32>,
      %get3A_181 = vector.shape_cast %get3A_180 : vector<16xf32> to vector<16xf32>
      %get3A_182 = arith.constant 0 : index
      %get3A_183 = tpu.vector_load %arg12[%get3A_182] {strides = array<i32>} : memref<128xf32, #tpu.memory_space<vmem>>, vector<16xf32>,
      %get3A_184 = vector.shape_cast %get3A_183 : vector<16xf32> to vector<16xf32>
      %add3A_185 = arith.addf %get3A_181, %get3A_184 : vector<16xf32>
      %mul3A_186 = arith.constant 128 : i32
      %mul3A_187 = arith.muli %add3A_168, %mul3A_186 : i32
      %add3A_188 = arith.constant 0 : i32
      %add3A_189 = arith.addi %mul3A_187, %add3A_188 : i32
      %swap3A_190 = arith.index_cast %add3A_189 : i32 to index
      %swap3A_191 = tpu.vector_load %arg13[%swap3A_190] {strides = array<i32>} : memref<6400xf32, #tpu.memory_space<vmem>>, vector<16xf32>,
      %swap3A_192 = vector.shape_cast %swap3A_191 : vector<16xf32> to vector<16xf32>
      %swap3A_193 = vector.shape_cast %add3A_185 : vector<16xf32> to vector<16xf32>
      tpu.vector_store %arg13[%swap3A_190], %swap3A_193 {strides = array<i32>} : memref<6400xf32, #tpu.memory_space<vmem>>, vector<16xf32>,
      %get3A_194 = arith.constant 16 : index
      %get3A_195 = tpu.vector_load %arg11[%get3A_194] {strides = array<i32>} : memref<128xf32, #tpu.memory_space<vmem>>, vector<16xf32>,
      %get3A_196 = vector.shape_cast %get3A_195 : vector<16xf32> to vector<16xf32>
      %get3A_197 = arith.constant 16 : index
      %get3A_198 = tpu.vector_load %arg12[%get3A_197] {strides = array<i32>} : memref<128xf32, #tpu.memory_space<vmem>>, vector<16xf32>,
      %get3A_199 = vector.shape_cast %get3A_198 : vector<16xf32> to vector<16xf32>
      %add3A_200 = arith.addf %get3A_196, %get3A_199 : vector<16xf32>
      %mul3A_201 = arith.constant 128 : i32
      %mul3A_202 = arith.muli %add3A_168, %mul3A_201 : i32
      %add3A_203 = arith.constant 16 : i32
      %add3A_204 = arith.addi %mul3A_202, %add3A_203 : i32
      %swap3A_205 = arith.index_cast %add3A_204 : i32 to index
      %swap3A_206 = tpu.vector_load %arg13[%swap3A_205] {strides = array<i32>} : memref<6400xf32, #tpu.memory_space<vmem>>, vector<16xf32>,
      %swap3A_207 = vector.shape_cast %swap3A_206 : vector<16xf32> to vector<16xf32>
      %swap3A_208 = vector.shape_cast %add3A_200 : vector<16xf32> to vector<16xf32>
      tpu.vector_store %arg13[%swap3A_205], %swap3A_208 {strides = array<i32>} : memref<6400xf32, #tpu.memory_space<vmem>>, vector<16xf32>,
      %get3A_209 = arith.constant 32 : index
      %get3A_210 = tpu.vector_load %arg11[%get3A_209] {strides = array<i32>} : memref<128xf32, #tpu.memory_space<vmem>>, vector<16xf32>,
      %get3A_211 = vector.shape_cast %get3A_210 : vector<16xf32> to vector<16xf32>
      %get3A_212 = arith.constant 32 : index
      %get3A_213 = tpu.vector_load %arg12[%get3A_212] {strides = array<i32>} : memref<128xf32, #tpu.memory_space<vmem>>, vector<16xf32>,
      %get3A_214 = vector.shape_cast %get3A_213 : vector<16xf32> to vector<16xf32>
      %add3A_215 = arith.addf %get3A_211, %get3A_214 : vector<16xf32>
      %mul3A_216 = arith.constant 128 : i32
      %mul3A_217 = arith.muli %add3A_168, %mul3A_216 : i32
      %add3A_218 = arith.constant 32 : i32
      %add3A_219 = arith.addi %mul3A_217, %add3A_218 : i32
      %swap3A_220 = arith.index_cast %add3A_219 : i32 to index
      %swap3A_221 = tpu.vector_load %arg13[%swap3A_220] {strides = array<i32>} : memref<6400xf32, #tpu.memory_space<vmem>>, vector<16xf32>,
      %swap3A_222 = vector.shape_cast %swap3A_221 : vector<16xf32> to vector<16xf32>
      %swap3A_223 = vector.shape_cast %add3A_215 : vector<16xf32> to vector<16xf32>
      tpu.vector_store %arg13[%swap3A_220], %swap3A_223 {strides = array<i32>} : memref<6400xf32, #tpu.memory_space<vmem>>, vector<16xf32>,
      %get3A_224 = arith.constant 48 : index
      %get3A_225 = tpu.vector_load %arg11[%get3A_224] {strides = array<i32>} : memref<128xf32, #tpu.memory_space<vmem>>, vector<16xf32>,
      %get3A_226 = vector.shape_cast %get3A_225 : vector<16xf32> to vector<16xf32>
      %get3A_227 = arith.constant 48 : index
      %get3A_228 = tpu.vector_load %arg12[%get3A_227] {strides = array<i32>} : memref<128xf32, #tpu.memory_space<vmem>>, vector<16xf32>,
      %get3A_229 = vector.shape_cast %get3A_228 : vector<16xf32> to vector<16xf32>
      %add3A_230 = arith.addf %get3A_226, %get3A_229 : vector<16xf32>
      %mul3A_231 = arith.constant 128 : i32
      %mul3A_232 = arith.muli %add3A_168, %mul3A_231 : i32
      %add3A_233 = arith.constant 48 : i32
      %add3A_234 = arith.addi %mul3A_232, %add3A_233 : i32
      %swap3A_235 = arith.index_cast %add3A_234 : i32 to index
      %swap3A_236 = tpu.vector_load %arg13[%swap3A_235] {strides = array<i32>} : memref<6400xf32, #tpu.memory_space<vmem>>, vector<16xf32>,
      %swap3A_237 = vector.shape_cast %swap3A_236 : vector<16xf32> to vector<16xf32>
      %swap3A_238 = vector.shape_cast %add3A_230 : vector<16xf32> to vector<16xf32>
      tpu.vector_store %arg13[%swap3A_235], %swap3A_238 {strides = array<i32>} : memref<6400xf32, #tpu.memory_space<vmem>>, vector<16xf32>,
      %get3A_239 = arith.constant 64 : index
      %get3A_240 = tpu.vector_load %arg11[%get3A_239] {strides = array<i32>} : memref<128xf32, #tpu.memory_space<vmem>>, vector<16xf32>,
      %get3A_241 = vector.shape_cast %get3A_240 : vector<16xf32> to vector<16xf32>
      %get3A_242 = arith.constant 64 : index
      %get3A_243 = tpu.vector_load %arg12[%get3A_242] {strides = array<i32>} : memref<128xf32, #tpu.memory_space<vmem>>, vector<16xf32>,
      %get3A_244 = vector.shape_cast %get3A_243 : vector<16xf32> to vector<16xf32>
      %add3A_245 = arith.addf %get3A_241, %get3A_244 : vector<16xf32>
      %mul3A_246 = arith.constant 128 : i32
      %mul3A_247 = arith.muli %add3A_168, %mul3A_246 : i32
      %add3A_248 = arith.constant 64 : i32
      %add3A_249 = arith.addi %mul3A_247, %add3A_248 : i32
      %swap3A_250 = arith.index_cast %add3A_249 : i32 to index
      %swap3A_251 = tpu.vector_load %arg13[%swap3A_250] {strides = array<i32>} : memref<6400xf32, #tpu.memory_space<vmem>>, vector<16xf32>,
      %swap3A_252 = vector.shape_cast %swap3A_251 : vector<16xf32> to vector<16xf32>
      %swap3A_253 = vector.shape_cast %add3A_245 : vector<16xf32> to vector<16xf32>
      tpu.vector_store %arg13[%swap3A_250], %swap3A_253 {strides = array<i32>} : memref<6400xf32, #tpu.memory_space<vmem>>, vector<16xf32>,
      %get3A_254 = arith.constant 80 : index
      %get3A_255 = tpu.vector_load %arg11[%get3A_254] {strides = array<i32>} : memref<128xf32, #tpu.memory_space<vmem>>, vector<16xf32>,
      %get3A_256 = vector.shape_cast %get3A_255 : vector<16xf32> to vector<16xf32>
      %get3A_257 = arith.constant 80 : index
      %get3A_258 = tpu.vector_load %arg12[%get3A_257] {strides = array<i32>} : memref<128xf32, #tpu.memory_space<vmem>>, vector<16xf32>,
      %get3A_259 = vector.shape_cast %get3A_258 : vector<16xf32> to vector<16xf32>
      %add3A_260 = arith.addf %get3A_256, %get3A_259 : vector<16xf32>
      %mul3A_261 = arith.constant 128 : i32
      %mul3A_262 = arith.muli %add3A_168, %mul3A_261 : i32
      %add3A_263 = arith.constant 80 : i32
      %add3A_264 = arith.addi %mul3A_262, %add3A_263 : i32
      %swap3A_265 = arith.index_cast %add3A_264 : i32 to index
      %swap3A_266 = tpu.vector_load %arg13[%swap3A_265] {strides = array<i32>} : memref<6400xf32, #tpu.memory_space<vmem>>, vector<16xf32>,
      %swap3A_267 = vector.shape_cast %swap3A_266 : vector<16xf32> to vector<16xf32>
      %swap3A_268 = vector.shape_cast %add3A_260 : vector<16xf32> to vector<16xf32>
      tpu.vector_store %arg13[%swap3A_265], %swap3A_268 {strides = array<i32>} : memref<6400xf32, #tpu.memory_space<vmem>>, vector<16xf32>,
      %get3A_269 = arith.constant 96 : index
      %get3A_270 = tpu.vector_load %arg11[%get3A_269] {strides = array<i32>} : memref<128xf32, #tpu.memory_space<vmem>>, vector<16xf32>,
      %get3A_271 = vector.shape_cast %get3A_270 : vector<16xf32> to vector<16xf32>
      %get3A_272 = arith.constant 96 : index
      %get3A_273 = tpu.vector_load %arg12[%get3A_272] {strides = array<i32>} : memref<128xf32, #tpu.memory_space<vmem>>, vector<16xf32>,
      %get3A_274 = vector.shape_cast %get3A_273 : vector<16xf32> to vector<16xf32>
      %add3A_275 = arith.addf %get3A_271, %get3A_274 : vector<16xf32>
      %mul3A_276 = arith.constant 128 : i32
      %mul3A_277 = arith.muli %add3A_168, %mul3A_276 : i32
      %add3A_278 = arith.constant 96 : i32
      %add3A_279 = arith.addi %mul3A_277, %add3A_278 : i32
      %swap3A_280 = arith.index_cast %add3A_279 : i32 to index
      %swap3A_281 = tpu.vector_load %arg13[%swap3A_280] {strides = array<i32>} : memref<6400xf32, #tpu.memory_space<vmem>>, vector<16xf32>,
      %swap3A_282 = vector.shape_cast %swap3A_281 : vector<16xf32> to vector<16xf32>
      %swap3A_283 = vector.shape_cast %add3A_275 : vector<16xf32> to vector<16xf32>
      tpu.vector_store %arg13[%swap3A_280], %swap3A_283 {strides = array<i32>} : memref<6400xf32, #tpu.memory_space<vmem>>, vector<16xf32>,
      %get3A_284 = arith.constant 112 : index
      %get3A_285 = tpu.vector_load %arg11[%get3A_284] {strides = array<i32>} : memref<128xf32, #tpu.memory_space<vmem>>, vector<16xf32>,
      %get3A_286 = vector.shape_cast %get3A_285 : vector<16xf32> to vector<16xf32>
      %get3A_287 = arith.constant 112 : index
      %get3A_288 = tpu.vector_load %arg12[%get3A_287] {strides = array<i32>} : memref<128xf32, #tpu.memory_space<vmem>>, vector<16xf32>,
      %get3A_289 = vector.shape_cast %get3A_288 : vector<16xf32> to vector<16xf32>
      %add3A_290 = arith.addf %get3A_286, %get3A_289 : vector<16xf32>
      %mul3A_291 = arith.constant 128 : i32
      %mul3A_292 = arith.muli %add3A_168, %mul3A_291 : i32
      %add3A_293 = arith.constant 112 : i32
      %add3A_294 = arith.addi %mul3A_292, %add3A_293 : i32
      %swap3A_295 = arith.index_cast %add3A_294 : i32 to index
      %swap3A_296 = tpu.vector_load %arg13[%swap3A_295] {strides = array<i32>} : memref<6400xf32, #tpu.memory_space<vmem>>, vector<16xf32>,
      %swap3A_297 = vector.shape_cast %swap3A_296 : vector<16xf32> to vector<16xf32>
      %swap3A_298 = vector.shape_cast %add3A_290 : vector<16xf32> to vector<16xf32>
      tpu.vector_store %arg13[%swap3A_295], %swap3A_298 {strides = array<i32>} : memref<6400xf32, #tpu.memory_space<vmem>>, vector<16xf32>,
      %scan3A_299 = arith.constant 0 : i32
      scf.yield %scan3A_299 : i32
    }
    %scan3A_17 = arith.constant 25 : i32
    %mul3A_18 = arith.constant 6400 : i32
    %mul3A_19 = arith.muli %add3A, %mul3A_18 : i32
    "tpu.region"() ({
      %run_scoped3A = tpu.sem_alloc : memref<!tpu.dma_semaphore, #tpu.memory_space<semaphore_mem>>
      %dma_start3A_20 = tpu.memref_slice %arg6[%mul3A_19] : memref<204800xf32, #tpu.memory_space<hbm>> -> memref<6400xf32, #tpu.memory_space<hbm>>
      %dma_start3A_21 = tpu.memref_slice %arg6[%mul3A_19] : memref<204800xf32, #tpu.memory_space<hbm>> -> memref<6400xf32, #tpu.memory_space<hbm>>
      tpu.enqueue_dma source(%arg13 : memref<6400xf32, #tpu.memory_space<vmem>>) target(%dma_start3A_21 : memref<6400xf32, #tpu.memory_space<hbm>>) target_semaphore(%run_scoped3A : memref<!tpu.dma_semaphore, #tpu.memory_space<semaphore_mem>>)
      %dma_wait3A = tpu.memref_slice %arg6[%mul3A_19] : memref<204800xf32, #tpu.memory_space<hbm>> -> memref<6400xf32, #tpu.memory_space<hbm>>
      %dma_wait3A_22 = tpu.memref_slice %arg6[%mul3A_19] : memref<204800xf32, #tpu.memory_space<hbm>> -> memref<6400xf32, #tpu.memory_space<hbm>>
      tpu.wait_dma2 semaphore(%run_scoped3A : memref<!tpu.dma_semaphore, #tpu.memory_space<semaphore_mem>>) src(%arg13 : memref<6400xf32, #tpu.memory_space<vmem>>) dst(%dma_wait3A_22 : memref<6400xf32, #tpu.memory_space<hbm>>)
      tpu.yield
    }) : () -> ()
    return
  }
}

module attributes {stable_mosaic.version = 14 : i64} {
  func.func @_ka_body(%arg0: i32, %arg1: memref<1024x128xf32, #tpu.memory_space<vmem>>, %arg2: memref<128x128xf32, #tpu.memory_space<vmem>>, %arg3: memref<1024x1xf32, #tpu.memory_space<vmem>>, %arg4: memref<1024x1xf32, #tpu.memory_space<vmem>>, %arg5: memref<1024x1xf32, #tpu.memory_space<vmem>>, %arg6: memref<1024x128xf32, #tpu.memory_space<vmem>>) attributes {dimension_semantics = [#tpu.dimension_semantics<arbitrary>], iteration_bounds = array<i64: 10>, scalar_prefetch = 0 : i64, scratch_operands = 0 : i64, tpu.core_type = #tpu.core_type<tc>, window_params = [{transform_indices = @transform_0, window_bounds = array<i64: 1024, 128>}, {pipeline_mode = #tpu.pipeline_mode<synchronous>, transform_indices = @transform_1, window_bounds = array<i64: 128, 128>}, {transform_indices = @transform_2, window_bounds = array<i64: 1024, 1>}, {transform_indices = @transform_3, window_bounds = array<i64: 1024, 1>}, {transform_indices = @transform_4, window_bounds = array<i64: 1024, 1>}, {transform_indices = @transform_5, window_bounds = array<i64: 1024, 128>}]} {
    %get3A = arith.constant 0 : index
    %get3A_0 = arith.constant 0 : index
    %get3A_1 = vector.load %arg3[%get3A, %get3A_0] : memref<1024x1xf32, #tpu.memory_space<vmem>>, vector<1024x1xf32>
    %get3A_2 = arith.constant 0 : index
    %get3A_3 = arith.constant 0 : index
    %get3A_4 = vector.load %arg4[%get3A_2, %get3A_3] : memref<1024x1xf32, #tpu.memory_space<vmem>>, vector<1024x1xf32>
    %add3A = arith.addf %get3A_1, %get3A_4 : vector<1024x1xf32>
    %add3A_5 = arith.constant 1.000000e+00 : f32
    %add3A_6 = vector.broadcast %add3A_5 : f32 to vector<1024x1xf32>
    %add3A_7 = arith.addf %add3A, %add3A_6 : vector<1024x1xf32>
    %rsqrt3A = math.rsqrt %add3A_7 : vector<1024x1xf32>
    %swap3A = arith.constant 0 : index
    %swap3A_8 = arith.constant 0 : index
    %swap3A_9 = vector.load %arg5[%swap3A, %swap3A_8] : memref<1024x1xf32, #tpu.memory_space<vmem>>, vector<1024x1xf32>
    tpu.vector_store %arg5[%swap3A, %swap3A_8], %rsqrt3A {strides = array<i32>} : memref<1024x1xf32, #tpu.memory_space<vmem>>, vector<1024x1xf32>,
    %get3A_10 = arith.constant 0 : index
    %get3A_11 = arith.constant 0 : index
    %get3A_12 = vector.load %arg1[%get3A_10, %get3A_11] : memref<1024x128xf32, #tpu.memory_space<vmem>>, vector<1024x128xf32>
    %get3A_13 = arith.constant 0 : index
    %get3A_14 = arith.constant 0 : index
    %get3A_15 = vector.load %arg2[%get3A_13, %get3A_14] : memref<128x128xf32, #tpu.memory_space<vmem>>, vector<128x128xf32>
    %dot_general3A = arith.constant dense<0.000000e+00> : vector<1024x128xf32>
    %dot_general3A_16 = tpu.matmul %get3A_12, %get3A_15, %dot_general3A {dimension_numbers = #tpu.dot_dimension_numbers<[1], [0], [0], [1], [0, 0, 1, 1], [], []>, transpose_lhs_hint = false} : vector<1024x128xf32>, vector<128x128xf32>, vector<1024x128xf32> -> vector<1024x128xf32>
    %mul3A = vector.broadcast %rsqrt3A : vector<1024x1xf32> to vector<1024x128xf32>
    %mul3A_17 = arith.mulf %dot_general3A_16, %mul3A : vector<1024x128xf32>
    %swap3A_18 = arith.constant 0 : index
    %swap3A_19 = arith.constant 0 : index
    %swap3A_20 = vector.load %arg6[%swap3A_18, %swap3A_19] : memref<1024x128xf32, #tpu.memory_space<vmem>>, vector<1024x128xf32>
    tpu.vector_store %arg6[%swap3A_18, %swap3A_19], %mul3A_17 {strides = array<i32>} : memref<1024x128xf32, #tpu.memory_space<vmem>>, vector<1024x128xf32>,
    return
  }
  func.func @transform_0(%arg0: i32) -> (i32, i32) {
    %c0_i32 = arith.constant 0 : i32
    %c0_i32_0 = arith.constant 0 : i32
    return %arg0, %c0_i32 : i32, i32
  }
  func.func @transform_1(%arg0: i32) -> (i32, i32) {
    %c0_i32 = arith.constant 0 : i32
    %c0_i32_0 = arith.constant 0 : i32
    %c0_i32_1 = arith.constant 0 : i32
    return %c0_i32, %c0_i32_0 : i32, i32
  }
  func.func @transform_2(%arg0: i32) -> (i32, i32) {
    %c0_i32 = arith.constant 0 : i32
    %c0_i32_0 = arith.constant 0 : i32
    return %arg0, %c0_i32 : i32, i32
  }
  func.func @transform_3(%arg0: i32) -> (i32, i32) {
    %c0_i32 = arith.constant 0 : i32
    %c0_i32_0 = arith.constant 0 : i32
    return %arg0, %c0_i32 : i32, i32
  }
  func.func @transform_4(%arg0: i32) -> (i32, i32) {
    %c0_i32 = arith.constant 0 : i32
    %c0_i32_0 = arith.constant 0 : i32
    return %arg0, %c0_i32 : i32, i32
  }
  func.func @transform_5(%arg0: i32) -> (i32, i32) {
    %c0_i32 = arith.constant 0 : i32
    %c0_i32_0 = arith.constant 0 : i32
    return %arg0, %c0_i32 : i32, i32
  }
}

module attributes {stable_mosaic.version = 14 : i64} {
  func.func @_kb_body(%arg0: i32, %arg1: memref<2x1024x128xf32, #tpu.memory_space<vmem>>, %arg2: memref<1024x128xf32, #tpu.memory_space<vmem>>, %arg3: memref<1024x1xf32, #tpu.memory_space<vmem>>, %arg4: memref<1x128xf32, #tpu.memory_space<vmem>>, %arg5: memref<128x128xf32, #tpu.memory_space<vmem>>, %arg6: memref<1024x128xf32, #tpu.memory_space<vmem>>) attributes {dimension_semantics = [#tpu.dimension_semantics<arbitrary>], iteration_bounds = array<i64: 10>, scalar_prefetch = 0 : i64, scratch_operands = 0 : i64, tpu.core_type = #tpu.core_type<tc>, window_params = [{transform_indices = @transform_0, window_bounds = array<i64: 2, 1024, 128>}, {transform_indices = @transform_1, window_bounds = array<i64: 1024, 128>}, {transform_indices = @transform_2, window_bounds = array<i64: 1024, 1>}, {pipeline_mode = #tpu.pipeline_mode<synchronous>, transform_indices = @transform_3, window_bounds = array<i64: 1, 128>}, {pipeline_mode = #tpu.pipeline_mode<synchronous>, transform_indices = @transform_4, window_bounds = array<i64: 128, 128>}, {transform_indices = @transform_5, window_bounds = array<i64: 1024, 128>}]} {
    %get3A = arith.constant 0 : index
    %get3A_0 = arith.constant 0 : index
    %get3A_1 = vector.load %arg3[%get3A, %get3A_0] : memref<1024x1xf32, #tpu.memory_space<vmem>>, vector<1024x1xf32>
    %get3A_2 = arith.constant 0 : index
    %get3A_3 = arith.constant 0 : index
    %get3A_4 = arith.constant 0 : index
    %get3A_5 = vector.load %arg1[%get3A_2, %get3A_3, %get3A_4] : memref<2x1024x128xf32, #tpu.memory_space<vmem>>, vector<1x1024x128xf32>
    %get3A_6 = vector.shape_cast %get3A_5 : vector<1x1024x128xf32> to vector<1024x128xf32>
    %get3A_7 = arith.constant 1 : index
    %get3A_8 = arith.constant 0 : index
    %get3A_9 = arith.constant 0 : index
    %get3A_10 = vector.load %arg1[%get3A_7, %get3A_8, %get3A_9] : memref<2x1024x128xf32, #tpu.memory_space<vmem>>, vector<1x1024x128xf32>
    %get3A_11 = vector.shape_cast %get3A_10 : vector<1x1024x128xf32> to vector<1024x128xf32>
    %add3A = arith.addf %get3A_6, %get3A_11 : vector<1024x128xf32>
    %get3A_12 = arith.constant 0 : index
    %get3A_13 = arith.constant 0 : index
    %get3A_14 = vector.load %arg2[%get3A_12, %get3A_13] : memref<1024x128xf32, #tpu.memory_space<vmem>>, vector<1024x128xf32>
    %add3A_15 = arith.addf %add3A, %get3A_14 : vector<1024x128xf32>
    %mul3A = vector.broadcast %get3A_1 : vector<1024x1xf32> to vector<1024x128xf32>
    %mul3A_16 = arith.mulf %add3A_15, %mul3A : vector<1024x128xf32>
    %get3A_17 = arith.constant 0 : index
    %get3A_18 = arith.constant 0 : index
    %get3A_19 = vector.load %arg4[%get3A_17, %get3A_18] : memref<1x128xf32, #tpu.memory_space<vmem>>, vector<1x128xf32>
    %add3A_20 = vector.broadcast %get3A_19 : vector<1x128xf32> to vector<1024x128xf32>
    %add3A_21 = arith.addf %mul3A_16, %add3A_20 : vector<1024x128xf32>
    %max3A = arith.constant 0.000000e+00 : f32
    %max3A_22 = vector.broadcast %max3A : f32 to vector<1024x128xf32>
    %max3A_23 = arith.maximumf %add3A_21, %max3A_22 : vector<1024x128xf32>
    %get3A_24 = arith.constant 0 : index
    %get3A_25 = arith.constant 0 : index
    %get3A_26 = vector.load %arg5[%get3A_24, %get3A_25] : memref<128x128xf32, #tpu.memory_space<vmem>>, vector<128x128xf32>
    %dot_general3A = arith.constant dense<0.000000e+00> : vector<1024x128xf32>
    %dot_general3A_27 = tpu.matmul %max3A_23, %get3A_26, %dot_general3A {dimension_numbers = #tpu.dot_dimension_numbers<[1], [0], [0], [1], [0, 0, 1, 1], [], []>, transpose_lhs_hint = false} : vector<1024x128xf32>, vector<128x128xf32>, vector<1024x128xf32> -> vector<1024x128xf32>
    %mul3A_28 = vector.broadcast %get3A_1 : vector<1024x1xf32> to vector<1024x128xf32>
    %mul3A_29 = arith.mulf %dot_general3A_27, %mul3A_28 : vector<1024x128xf32>
    %swap3A = arith.constant 0 : index
    %swap3A_30 = arith.constant 0 : index
    %swap3A_31 = vector.load %arg6[%swap3A, %swap3A_30] : memref<1024x128xf32, #tpu.memory_space<vmem>>, vector<1024x128xf32>
    tpu.vector_store %arg6[%swap3A, %swap3A_30], %mul3A_29 {strides = array<i32>} : memref<1024x128xf32, #tpu.memory_space<vmem>>, vector<1024x128xf32>,
    return
  }
  func.func @transform_0(%arg0: i32) -> (i32, i32, i32) {
    %c0_i32 = arith.constant 0 : i32
    %c0_i32_0 = arith.constant 0 : i32
    %c0_i32_1 = arith.constant 0 : i32
    return %c0_i32, %arg0, %c0_i32_0 : i32, i32, i32
  }
  func.func @transform_1(%arg0: i32) -> (i32, i32) {
    %c0_i32 = arith.constant 0 : i32
    %c0_i32_0 = arith.constant 0 : i32
    return %arg0, %c0_i32 : i32, i32
  }
  func.func @transform_2(%arg0: i32) -> (i32, i32) {
    %c0_i32 = arith.constant 0 : i32
    %c0_i32_0 = arith.constant 0 : i32
    return %arg0, %c0_i32 : i32, i32
  }
  func.func @transform_3(%arg0: i32) -> (i32, i32) {
    %c0_i32 = arith.constant 0 : i32
    %c0_i32_0 = arith.constant 0 : i32
    %c0_i32_1 = arith.constant 0 : i32
    return %c0_i32, %c0_i32_0 : i32, i32
  }
  func.func @transform_4(%arg0: i32) -> (i32, i32) {
    %c0_i32 = arith.constant 0 : i32
    %c0_i32_0 = arith.constant 0 : i32
    %c0_i32_1 = arith.constant 0 : i32
    return %c0_i32, %c0_i32_0 : i32, i32
  }
  func.func @transform_5(%arg0: i32) -> (i32, i32) {
    %c0_i32 = arith.constant 0 : i32
    %c0_i32_0 = arith.constant 0 : i32
    return %arg0, %c0_i32 : i32, i32
  }
}

module attributes {stable_mosaic.version = 14 : i64} {
  func.func @_kc_body(%arg0: i32, %arg1: memref<2x1024x128xf32, #tpu.memory_space<vmem>>, %arg2: memref<1024x128xf32, #tpu.memory_space<vmem>>, %arg3: memref<1024x1xf32, #tpu.memory_space<vmem>>, %arg4: memref<1x128xf32, #tpu.memory_space<vmem>>, %arg5: memref<1x128xf32, #tpu.memory_space<vmem>>, %arg6: memref<1x128xf32, #tpu.memory_space<vmem>>, %arg7: memref<1x1xf32, #tpu.memory_space<vmem>>, %arg8: memref<1024x1xf32, #tpu.memory_space<vmem>>, %arg9: memref<1024x1xf32, #tpu.memory_space<vmem>>) attributes {dimension_semantics = [#tpu.dimension_semantics<arbitrary>], iteration_bounds = array<i64: 10>, scalar_prefetch = 0 : i64, scratch_operands = 0 : i64, tpu.core_type = #tpu.core_type<tc>, window_params = [{transform_indices = @transform_0, window_bounds = array<i64: 2, 1024, 128>}, {transform_indices = @transform_1, window_bounds = array<i64: 1024, 128>}, {transform_indices = @transform_2, window_bounds = array<i64: 1024, 1>}, {pipeline_mode = #tpu.pipeline_mode<synchronous>, transform_indices = @transform_3, window_bounds = array<i64: 1, 128>}, {pipeline_mode = #tpu.pipeline_mode<synchronous>, transform_indices = @transform_4, window_bounds = array<i64: 1, 128>}, {pipeline_mode = #tpu.pipeline_mode<synchronous>, transform_indices = @transform_5, window_bounds = array<i64: 1, 128>}, {pipeline_mode = #tpu.pipeline_mode<synchronous>, transform_indices = @transform_6, window_bounds = array<i64: 1, 1>}, {transform_indices = @transform_7, window_bounds = array<i64: 1024, 1>}, {transform_indices = @transform_8, window_bounds = array<i64: 1024, 1>}]} {
    %get3A = arith.constant 0 : index
    %get3A_0 = arith.constant 0 : index
    %get3A_1 = arith.constant 0 : index
    %get3A_2 = vector.load %arg1[%get3A, %get3A_0, %get3A_1] : memref<2x1024x128xf32, #tpu.memory_space<vmem>>, vector<1x1024x128xf32>
    %get3A_3 = vector.shape_cast %get3A_2 : vector<1x1024x128xf32> to vector<1024x128xf32>
    %get3A_4 = arith.constant 1 : index
    %get3A_5 = arith.constant 0 : index
    %get3A_6 = arith.constant 0 : index
    %get3A_7 = vector.load %arg1[%get3A_4, %get3A_5, %get3A_6] : memref<2x1024x128xf32, #tpu.memory_space<vmem>>, vector<1x1024x128xf32>
    %get3A_8 = vector.shape_cast %get3A_7 : vector<1x1024x128xf32> to vector<1024x128xf32>
    %add3A = arith.addf %get3A_3, %get3A_8 : vector<1024x128xf32>
    %get3A_9 = arith.constant 0 : index
    %get3A_10 = arith.constant 0 : index
    %get3A_11 = vector.load %arg2[%get3A_9, %get3A_10] : memref<1024x128xf32, #tpu.memory_space<vmem>>, vector<1024x128xf32>
    %add3A_12 = arith.addf %add3A, %get3A_11 : vector<1024x128xf32>
    %get3A_13 = arith.constant 0 : index
    %get3A_14 = arith.constant 0 : index
    %get3A_15 = vector.load %arg3[%get3A_13, %get3A_14] : memref<1024x1xf32, #tpu.memory_space<vmem>>, vector<1024x1xf32>
    %mul3A = vector.broadcast %get3A_15 : vector<1024x1xf32> to vector<1024x128xf32>
    %mul3A_16 = arith.mulf %add3A_12, %mul3A : vector<1024x128xf32>
    %get3A_17 = arith.constant 0 : index
    %get3A_18 = arith.constant 0 : index
    %get3A_19 = vector.load %arg4[%get3A_17, %get3A_18] : memref<1x128xf32, #tpu.memory_space<vmem>>, vector<1x128xf32>
    %add3A_20 = vector.broadcast %get3A_19 : vector<1x128xf32> to vector<1024x128xf32>
    %add3A_21 = arith.addf %mul3A_16, %add3A_20 : vector<1024x128xf32>
    %get3A_22 = arith.constant 0 : index
    %get3A_23 = arith.constant 0 : index
    %get3A_24 = vector.load %arg5[%get3A_22, %get3A_23] : memref<1x128xf32, #tpu.memory_space<vmem>>, vector<1x128xf32>
    %mul3A_25 = vector.broadcast %get3A_24 : vector<1x128xf32> to vector<1024x128xf32>
    %mul3A_26 = arith.mulf %add3A_21, %mul3A_25 : vector<1024x128xf32>
    %reduce_sum3A = arith.constant dense<0.000000e+00> : vector<1024xf32>
    %reduce_sum3A_27 = vector.multi_reduction <add>, %mul3A_26, %reduce_sum3A [1] : vector<1024x128xf32> to vector<1024xf32>
    %broadcast_in_dim3A = vector.shape_cast %reduce_sum3A_27 : vector<1024xf32> to vector<1024x1xf32>
    %get3A_28 = arith.constant 0 : index
    %get3A_29 = arith.constant 0 : index
    %get3A_30 = vector.load %arg7[%get3A_28, %get3A_29] : memref<1x1xf32, #tpu.memory_space<vmem>>, vector<1x1xf32>
    %add3A_31 = vector.broadcast %get3A_30 : vector<1x1xf32> to vector<1024x1xf32>
    %add3A_32 = arith.addf %broadcast_in_dim3A, %add3A_31 : vector<1024x1xf32>
    %swap3A = arith.constant 0 : index
    %swap3A_33 = arith.constant 0 : index
    %swap3A_34 = vector.load %arg8[%swap3A, %swap3A_33] : memref<1024x1xf32, #tpu.memory_space<vmem>>, vector<1024x1xf32>
    tpu.vector_store %arg8[%swap3A, %swap3A_33], %add3A_32 {strides = array<i32>} : memref<1024x1xf32, #tpu.memory_space<vmem>>, vector<1024x1xf32>,
    %get3A_35 = arith.constant 0 : index
    %get3A_36 = arith.constant 0 : index
    %get3A_37 = vector.load %arg6[%get3A_35, %get3A_36] : memref<1x128xf32, #tpu.memory_space<vmem>>, vector<1x128xf32>
    %mul3A_38 = vector.broadcast %get3A_37 : vector<1x128xf32> to vector<1024x128xf32>
    %mul3A_39 = arith.mulf %add3A_21, %mul3A_38 : vector<1024x128xf32>
    %reduce_sum3A_40 = arith.constant dense<0.000000e+00> : vector<1024xf32>
    %reduce_sum3A_41 = vector.multi_reduction <add>, %mul3A_39, %reduce_sum3A_40 [1] : vector<1024x128xf32> to vector<1024xf32>
    %broadcast_in_dim3A_42 = vector.shape_cast %reduce_sum3A_41 : vector<1024xf32> to vector<1024x1xf32>
    %swap3A_43 = arith.constant 0 : index
    %swap3A_44 = arith.constant 0 : index
    %swap3A_45 = vector.load %arg9[%swap3A_43, %swap3A_44] : memref<1024x1xf32, #tpu.memory_space<vmem>>, vector<1024x1xf32>
    tpu.vector_store %arg9[%swap3A_43, %swap3A_44], %broadcast_in_dim3A_42 {strides = array<i32>} : memref<1024x1xf32, #tpu.memory_space<vmem>>, vector<1024x1xf32>,
    return
  }
  func.func @transform_0(%arg0: i32) -> (i32, i32, i32) {
    %c0_i32 = arith.constant 0 : i32
    %c0_i32_0 = arith.constant 0 : i32
    %c0_i32_1 = arith.constant 0 : i32
    return %c0_i32, %arg0, %c0_i32_0 : i32, i32, i32
  }
  func.func @transform_1(%arg0: i32) -> (i32, i32) {
    %c0_i32 = arith.constant 0 : i32
    %c0_i32_0 = arith.constant 0 : i32
    return %arg0, %c0_i32 : i32, i32
  }
  func.func @transform_2(%arg0: i32) -> (i32, i32) {
    %c0_i32 = arith.constant 0 : i32
    %c0_i32_0 = arith.constant 0 : i32
    return %arg0, %c0_i32 : i32, i32
  }
  func.func @transform_3(%arg0: i32) -> (i32, i32) {
    %c0_i32 = arith.constant 0 : i32
    %c0_i32_0 = arith.constant 0 : i32
    %c0_i32_1 = arith.constant 0 : i32
    return %c0_i32, %c0_i32_0 : i32, i32
  }
  func.func @transform_4(%arg0: i32) -> (i32, i32) {
    %c0_i32 = arith.constant 0 : i32
    %c0_i32_0 = arith.constant 0 : i32
    %c0_i32_1 = arith.constant 0 : i32
    return %c0_i32, %c0_i32_0 : i32, i32
  }
  func.func @transform_5(%arg0: i32) -> (i32, i32) {
    %c0_i32 = arith.constant 0 : i32
    %c0_i32_0 = arith.constant 0 : i32
    %c0_i32_1 = arith.constant 0 : i32
    return %c0_i32, %c0_i32_0 : i32, i32
  }
  func.func @transform_6(%arg0: i32) -> (i32, i32) {
    %c0_i32 = arith.constant 0 : i32
    %c0_i32_0 = arith.constant 0 : i32
    %c0_i32_1 = arith.constant 0 : i32
    return %c0_i32, %c0_i32_0 : i32, i32
  }
  func.func @transform_7(%arg0: i32) -> (i32, i32) {
    %c0_i32 = arith.constant 0 : i32
    %c0_i32_0 = arith.constant 0 : i32
    return %arg0, %c0_i32 : i32, i32
  }
  func.func @transform_8(%arg0: i32) -> (i32, i32) {
    %c0_i32 = arith.constant 0 : i32
    %c0_i32_0 = arith.constant 0 : i32
    return %arg0, %c0_i32 : i32, i32
  }
}

</mosaic_0001>

<sc_bundles>
// kernel: kernel.12.cloned.1.call-start
scs
__scs_entry_jumppad:
0x0: {  	(pc) =	sbr.rel $0x88, $3  }
0x1: {  	(tag) =	ssettag $0x0;
	lr =	simm.s32 $0x1  }
0x2: {  	[smem:$0x3F97] =	sst lr;
	_ =	strace $0xD0000000  }
0x3: {  	_ = 	snop  }
0x4: {  	_ = 	snop  }
0x5: {  	_ = 	snop  }
0x6: {  	_ = 	snop  }
0x7: {  	_ = 	snop  }
__scs_overlays_trampoline_lowered:
0x8: {  	[smem:$0x3FA6] =	sst s0  }
0x9: {  	[smem:$0x3FA7] =	sst s1  }
0xa: {  	[smem:$0x3FA8] =	sst s2  }
0xb: {  	[smem:$0x3FA9] =	sst s3  }
0xc: {  	[smem:$0x3FAA] =	sst s4  }
0xd: {  	[smem:$0x3FAB] =	sst s5  }
0xe: {  	[smem:$0x3FAC] =	sst s6  }
0xf: {  	[smem:$0x3FAD] =	sst s7  }
0x10: {  	[smem:$0x3FAE] =	sst s8  }
0x11: {  	[smem:$0x3FAF] =	sst s9;
	s0 =	simm.s32 @!p0 $0x0  }
0x12: {  	s1 =	sld [smem:$0x3F95];
	s0 =	simm.s32 @p0 $0x1  }
0x13: {  	[smem:$0x3FB0] =	sst s0;
	s0 =	simm.s32 @!p1 $0x0  }
0x14: {  	s2 =	sld [smem:$0x3F94];
	s0 =	simm.s32 @p1 $0x1  }
0x15: {  	[smem:$0x3FB1] =	sst s0;
	s0 =	simm.s32 @!p2 $0x0  }
0x16: {  	s3 =	sld [smem:$0x3FDB];
	s0 =	simm.s32 @p2 $0x1  }
0x17: {  	s4 =	simm.s32 $0x1BF5;
	[smem:$0x3FB3] =	sst s0  }
0x18: {  	s0 =	sld [smem:$0x3F96];
	_ =	swait.ge [sflag:s4], $0x0  }
0x19: {  	s7 =	sld [smem:$0x3F97]  }
0x1a: {  	s8 =	sadd.s32 $0xFFFFE003, lr  }
0x1b: {  	s9 =	sadd.s32 $0xFFFFFEF7, lr;
	s5 =	simm.s32 $0xFFFFFFFF;
	p2 =	slt.u32 s8, $0xFFFFF086  }
0x1c: {  	p1 =	slt.u32 s9, $0xF7A;
	s5 =	simm.s32 @!p2 $0x0  }
0x1d: {  	s5 =	simm.s32 @p1 $0x1;
	p0 =	seq.s32 s7, s2  }
0x1e: {  	s7 =	smul.u32 @!p0 $0xF7A, s2;
	p2 =	seq.s32 @!p0 s5, $0x0  }
0x1f: {  	s9 =	smul.u32 $0xF7A, s1;
	s8 =	simm.s32 @!p0 $0x1BF5;
	p2 =	por !p2, p0  }
0x20: {  	[sflag:s8] =	ssyncset.s32 @!p0 $0xFFFFF086;
	s6 =	sadd.s32 @!p0 s3, s7;
	s7 =	simm.s32 @!p0 $0x108  }
0x21: {  	s3 =	sadd.s32 s3, s9;
	s6 =	sadd.s32 @!p0 $0x88, s6;
	s7 =	simm.s32 @p2 $0x1082  }
0x22: {  	[simem:s7], [sflag:s8] =	dma.local @!p0 [hbm:s6], $0xF7A  }
0x23: {  	s9 =	sor.u32 $0xD0000000, s2;
	s6 =	simm.s32 $0x108;
	_ =	swait.ge @!p0 [sflag:s8], $0x0  }
0x24: {  	s3 =	sadd.s32 $0x88, s3;
	s6 =	simm.s32 @!p1 $0x1082;
	[sflag:s4] =	ssyncset.s32 $0xFFFFF086  }
0x25: {  	[simem:s6], [sflag:s4] =	dma.local [hbm:s3], $0xF7A  }
0x26: {  	[smem:$0x3F97] =	sst s1;
	(tag) =	ssettag s2;
	_ =	strace s9  }
0x27: {  	s1 =	sld [smem:$0x3FA7]  }
0x28: {  	s2 =	sld [smem:$0x3FA8]  }
0x29: {  	s4 =	sld [smem:$0x3FAA]  }
0x2a: {  	p0 =	seq.s32 s5, $0x0;
	s5 =	sld [smem:$0x3FAB]  }
0x2b: {  	s6 =	sld [smem:$0x3FAC]  }
0x2c: {  	s7 =	sld [smem:$0x3FAD]  }
0x2d: {  	s3 =	simm.s32 $0x108;
	s8 =	sld [smem:$0x3FAE]  }
0x2e: {  	s3 =	simm.s32 @!p0 $0x1082;
	s9 =	sld [smem:$0x3FAF]  }
0x2f: {  	lr =	sadd.s32 s0, s3;
	s0 =	sld [smem:$0x3FA6]  }
0x30: {  	s3 =	sld [smem:$0x3FA9]  }
0x31: {  	[smem:$0x3FB2] =	sst s10  }
0x32: {  	s10 =	sld [smem:$0x3FB0];
	_ =	sdelay $0x3  }
0x33: {  	p0 =	seq.s32 s10, $0x1;
	s10 =	sld [smem:$0x3FB2];
	_ =	sdelay $0x3  }
0x34: {  	[smem:$0x3FB2] =	sst s10  }
0x35: {  	s10 =	sld [smem:$0x3FB1];
	_ =	sdelay $0x3  }
0x36: {  	p1 =	seq.s32 s10, $0x1;
	s10 =	sld [smem:$0x3FB2];
	_ =	sdelay $0x3  }
0x37: {  	[smem:$0x3FB2] =	sst s10  }
0x38: {  	s10 =	sld [smem:$0x3FB3]  }
0x39: {  	_ = 	snop;
	(pc) =	sbr.ind lr, $3  }
0x3a: {  	_ = 	snop  }
0x3b: {  	_ = 	snop  }
0x3c: {  	p2 =	seq.s32 s10, $0x1;
	s10 =	sld [smem:$0x3FB2]  }
0x3d: {  	_ =	shalt  }
0x3e: {  	_ =	shalt  }
0x3f: {  	_ =	shalt  }
0x40: {  	_ =	shalt  }
0x41: {  	_ =	shalt  }
0x42: {  	_ =	shalt  }
0x43: {  	_ =	shalt  }
0x44: {  	_ =	shalt  }
0x45: {  	_ =	shalt  }
0x46: {  	_ =	shalt  }
0x47: {  	_ =	shalt  }
0x48: {  	_ =	shalt  }
0x49: {  	_ =	shalt  }
0x4a: {  	_ =	shalt  }
0x4b: {  	_ =	shalt  }
0x4c: {  	_ =	shalt  }
0x4d: {  	_ =	shalt  }
0x4e: {  	_ =	shalt  }
0x4f: {  	_ =	shalt  }
0x50: {  	_ =	shalt  }
0x51: {  	_ =	shalt  }
0x52: {  	_ =	shalt  }
0x53: {  	_ =	shalt  }
0x54: {  	_ =	shalt  }
0x55: {  	_ =	shalt  }
0x56: {  	_ =	shalt  }
0x57: {  	_ =	shalt  }
0x58: {  	_ =	shalt  }
0x59: {  	_ =	shalt  }
0x5a: {  	_ =	shalt  }
0x5b: {  	_ =	shalt  }
0x5c: {  	_ =	shalt  }
0x5d: {  	_ =	shalt  }
0x5e: {  	_ =	shalt  }
0x5f: {  	_ =	shalt  }
0x60: {  	_ =	shalt  }
0x61: {  	_ =	shalt  }
0x62: {  	_ =	shalt  }
0x63: {  	_ =	shalt  }
0x64: {  	_ =	shalt  }
0x65: {  	_ =	shalt  }
0x66: {  	_ =	shalt  }
0x67: {  	_ =	shalt  }
0x68: {  	_ =	shalt  }
0x69: {  	_ =	shalt  }
0x6a: {  	_ =	shalt  }
0x6b: {  	_ =	shalt  }
0x6c: {  	_ =	shalt  }
0x6d: {  	_ =	shalt  }
0x6e: {  	_ =	shalt  }
0x6f: {  	_ =	shalt  }
0x70: {  	_ =	shalt  }
0x71: {  	_ =	shalt  }
0x72: {  	_ =	shalt  }
0x73: {  	_ =	shalt  }
0x74: {  	_ =	shalt  }
0x75: {  	_ =	shalt  }
0x76: {  	_ =	shalt  }
0x77: {  	_ =	shalt  }
0x78: {  	_ =	shalt  }
0x79: {  	_ =	shalt  }
0x7a: {  	_ =	shalt  }
0x7b: {  	_ =	shalt  }
0x7c: {  	_ =	shalt  }
0x7d: {  	_ =	shalt  }
0x7e: {  	_ =	shalt  }
0x7f: {  	_ =	shalt  }
0x80: {  	_ =	shalt  }
0x81: {  	_ =	shalt  }
0x82: {  	_ =	shalt  }
0x83: {  	_ =	shalt  }
0x84: {  	_ =	shalt  }
0x85: {  	_ =	shalt  }
0x86: {  	_ =	shalt  }
0x87: {  	_ =	shalt  }
.Lfunc_end0:
.L_simem_size_0:
called_computation.1_lowered:
.L_overlay_start_0:
0x88: {  	s2 =	sld [smem:$0x3FD9]  }
0x89: {  	s3 =	sld [smem:$0x3FFE];
	_ =	sdelay $0x1  }
0x8a: {  	s1 =	srdreg.scid  }
0x8b: {  	s0 =	sand.u32 $0x1, s1  }
0x8c: {  	s16 =	sshll.u32 s0, $0xA;
	s2 =	sadd.s32 s3, s2  }
0x8d: {  	s2 =	sadd.s32 s2, s16  }
0x8e: {  	[smem:$0x3FBE] =	sst s2  }
0x8f: {  	_ = 	snop  }
0x90: {  	(tm) =	ssettm $0x1  }
0x91: {  	s17 =	sld [smem:$0x3FFB];
	_ =	sdelay $0x3  }
0x92: {  	_ =	strace s17  }
0x93: {  	s2 =	sld [smem:$0x3FFC];
	_ =	sdelay $0x3  }
0x94: {  	_ =	strace s2  }
0x95: {  	s2 =	sld [smem:$0x3FFD];
	_ =	sdelay $0x3  }
0x96: {  	_ =	strace s2  }
0x97: {  	_ =	strace $0x8FFFFFFF  }
0x98: {  	s18 =	sld [smem:$0x3FDB];
	_ =	sdelay $0x1  }
0x99: {  	s19 =	simm.s32 $_scs_section_size  }
0x9a: {  	s4 =	simm.s32 $_size__tile_overlayer_lowered;
	s5 =	simm.s32 $_tile_overlayer_lowered  }
0x9b: {  	s22 =	simm.s32 $0x1BFF;
	s21 =	sshll.u32 s5, $0x1;
	s2 =	sadd.s32 s19, s18  }
0x9c: {  	s6 =	simm.s32 $0x0;
	s20 =	sshll.u32 s4, $0x1;
	s4 =	sadd.s32 s21, s2  }
0x9d: {  	[timem:s6], [sflag:s22] =	dma.local [hbm:s4], s20  }
0x9e: {  	_ =	swait.ge [sflag:s22], s20  }
0x9f: {  	s3 =	ssub.s32 $0x0, s20;
	[sflag:s22] =	ssyncset.done $0x0  }
0xa0: {  	[sflag:s22] =	ssyncadd.s32 s3;
	_ =	sdelay $0x1  }
0xa1: {  	s23 =	simm.s32 $0x1B8B  }
0xa2: {  	_ =	swait.ge [sflag:s23], $0x1  }
0xa3: {  	[sflag:s23] =	ssyncset.done $0x0  }
0xa4: {  	s25 =	simm.s32 $0x1B8E;
	s24 =	sld [smem:$0x3FFE];
	[sflag:s23] =	ssyncadd.s32 $0xFFFFFFFF  }
0xa5: {  	s26 =	simm.s32 $execute0_lowered;
	[smem:$0x3FD2] =	sst s25  }
0xa6: {  	s4 =	sshll.u32 s26, $0x1;
	_ =	strace $0x80000049;
	[dreg:$0x1] =	wrdreg $0xFFFFFFFF  }
0xa7: {  	s28 =	simm.s32 $_size_execute0_lowered;
	s2 =	sadd.s32 s2, s4;
	[dreg:$0x0] =	wrdreg $0x0  }
0xa8: {  	s4 =	sshll.u32 s28, $0x1;
	[dreg:$0x2] =	wrdreg s2  }
0xa9: {  	[dreg:$0x3] =	wrdreg s4  }
0xaa: {  	[dreg:$0x4] =	wrdreg $0xC0  }
0xab: {  	_ =	task [dreg:s6], $0x5FFFF  }
0xac: {  	[dreg:$0x1] =	wrdreg $0xFFFFFFFF  }
0xad: {  	[dreg:$0x0] =	wrdreg $0x60  }
0xae: {  	[dreg:$0x2] =	wrdreg s24  }
0xaf: {  	[dreg:$0x3] =	wrdreg $0xA8000  }
0xb0: {  	[dreg:$0x4] =	wrdreg $0x9  }
0xb1: {  	_ =	task.clear_ibuf [dreg:s6], $0x5FFFF;
	_ =	strace $0x90000049  }
0xb2: {  	s29 =	simm.s32 $0x9;
	_ =	strace $0x8000004B  }
0xb3: {  	_ =	swait.ge [sflag:s29], $0x1  }
0xb4: {  	[sflag:s29] =	ssyncadd.s32 $0xFFFFFFFF  }
0xb5: {  	_ =	strace $0x9000004B  }
0xb6: {  	_ =	sfence  }
0xb7: {  	s30 =	sld [smem:$0x0];
	_ =	sdelay $0x2  }
0xb8: {  	s31 =	sshll.u32 s1, $0xD;
	s1 =	sshrl.u32 s1, $0x2  }
0xb9: {  	s3 =	sand.u32 $0x4000, s31;
	s1 =	sadd.s32 s1, s30  }
0xba: {  	s0 =	sor.u32 s3, s0;
	s1 =	sshll.u32 s1, $0x11  }
0xbb: {  	s0 =	sor.u32 s1, s0  }
0xbc: {  	s0 =	sadd.s32 $0x8F2B, s0  }
0xbd: {  	[sflag:s0] =	ssyncadd.remote.s32 $0x1  }
0xbe: {  	_ =	sfence.sel $0xFFFF  }
0xbf: {  	[dreg:$0x0] =	wrdreg $0xFFFFFFFF;
	(pc) =	sbr.abs _section_cstart, $3  }
0xc0: {  	[dreg:$0x1] =	wrdreg $0xFFFFFFFF  }
0xc1: {  	_ =	task.clear_ibuf [dreg:s6], $0x2FFFF;
	_ =	strace $0x9FFFFFFF  }
0xc2: {  	(tm) =	ssettm $0x7FFFFFFF  }
0xc3: {  	_ =	shalt  }
tec
execute0_lowered:
.L_overlay_start_1:
0x0: {  	(tag) =	ssettag $0x1  }
0x1: {  	s5 =	rddreg [dreg:$0x0]  }
0x2: {  	s1 =	rddreg [dreg:$0x1]  }
0x3: {  	s0 =	rddreg [dreg:$0x2]  }
0x4: {  	s3 =	simm.s32 $0x0;
	s2 =	srdreg.scid;
	s16 =	simm.s32 $0x2800  }
0x5: {  	s17 =	simm.s32 $0x3;
	s18 =	simm.s32 $0x1400;
	s19 =	simm.s32 $0x80  }
0x6: {  	s20 =	simm.s32 $0x6800;
	s21 =	simm.s32 $0x1;
	s22 =	simm.s32 $0x2  }
0x7: {  	s23 =	simm.s32 $0x1380;
	s24 =	simm.s32 $0x2700;
	s25 =	simm.s32 $0x2780  }
0x8: {  	[smem:$0x7FF] =	sst s3;
	s6 =	sand.u32 $0x1, s2;
	s2 =	stileid.u32  }
0x9: {  	s4 =	sadd.s32 $0x14800, s5;
	s9 =	sadd.s32 $0xA800, s5;
	s7 =	smul.u32 $0x140000, s6  }
0xa: {  	s10 =	sadd.s32 $0x800, s5;
	s8 =	smul.u32 $0x14000, s2;
	s11 =	sshll.u32 s2, $0x1  }
0xb: {  	_ =	strace $0x8000004A;
	s28 =	smul.u32 $0x50000, s2;
	s26 =	sor.u32 s6, s11  }
0xc: {  	s6 =	ssub.s32 $0x2, s6;
	s7 =	sadd.s32 s8, s7;
	s8 =	smul.u32 $0x2800, s26  }
0xd: {  	s29 =	sshrl.u32 s6, $0x1;
	s30 =	sshrl.u32 s28, $0x2;
	s7 =	sshrl.u32 s7, $0x3  }
0xe: {  	s31 =	ssub.s32 s6, s29;
	s12 =	sadd.s32 s7, s5;
	s8 =	sshrl.u32 s8, $0x3  }
0xf: {  	s5 =	sadd.s32 s30, s1;
	s11 =	smax.u32 s31, $0x1;
	s6 =	sadd.s32 s9, s8  }
0x10: {  	s7 =	sadd.s32 s10, s8;
	s13 =	sadd.s32 $0x280, s8;
	s14 =	sadd.s32 $0xC000, s5  }
0x11: {  	s15 =	sadd.s32 $0x10000, s5;
	s8 =	sadd.s32 s9, s13;
	s9 =	sadd.s32 s10, s13  }
0x12: {  	v0 =	vimm.f32 $0.0e+00;
	s10 =	sadd.s32 $0x3C800, s12;
	s12 =	sadd.s32 $0x4000, s5;
	s13 =	sadd.s32 $0x8000, s5  }
.LBB2_1:
0x13: {  	s26 =	simm.s32 $0x2840  }
0x14: {  	[tilespmem:s26+$0xFFFFFFC0] =	vst v0  }
0x15: {  	[tilespmem:s26+$0x30] =	vst v0  }
0x16: {  	[tilespmem:s26+$0x20] =	vst v0  }
0x17: {  	[tilespmem:s26+$0x10] =	vst v0  }
0x18: {  	[tilespmem:s26+$0x0] =	vst v0  }
0x19: {  	[tilespmem:s26+$0xFFFFFFF0] =	vst v0  }
0x1a: {  	s28 =	simm.s32 $0x0;
	[tilespmem:s26+$0xFFFFFFE0] =	vst v0  }
.LBB2_2:
0x1b: {  	s28 =	sadd.s32 $0x8, s28;
	[tilespmem:s26+$0xFFFFFFD0] =	vst v0;
	s26 =	sadd.s32 $0x80, s26  }
0x1c: {  	[tilespmem:s26+$0xFFFFFFC0] =	vst v0;
	p0 =	slt.u32 s28, $0x3F8  }
0x1d: {  	[tilespmem:s26+$0x30] =	vst v0  }
.Ltmp0:
0x1e: {  	[tilespmem:s26+$0x20] =	vst v0;
	(pc) =	sbr.rel @p0 .LBB2_2-.Ltmp0, $4  }
0x1f: {  	[tilespmem:s26+$0x10] =	vst v0  }
0x20: {  	[tilespmem:s26+$0x0] =	vst v0  }
0x21: {  	[tilespmem:s26+$0xFFFFFFF0] =	vst v0  }
0x22: {  	[tilespmem:s26+$0xFFFFFFE0] =	vst v0  }
0x23: {  	[tilespmem:s26+$0xFFFFFFD0] =	vst v0  }
0x24: {  	[spmem:s5] =	stream.linear.scatter [tilespmem:s16], [sflag:$0x3], $0x4000, $0x38;
	[tilespmem:$0x1E800] =	vst v63  }
0x25: {  	_ =	swait.ge [sflag:s17], $0x4000  }
0x26: {  	[sflag:s17] =	ssyncset.done $0x0  }
0x27: {  	[sflag:s17] =	ssyncadd.s32 $0xFFFFC000  }
0x28: {  	[spmem:s12] =	stream.linear.scatter [tilespmem:s16], [sflag:$0x3], $0x4000, $0x38;
	[tilespmem:$0x1E800] =	vst v63  }
0x29: {  	_ =	swait.ge [sflag:s17], $0x4000  }
0x2a: {  	[sflag:s17] =	ssyncset.done $0x0  }
0x2b: {  	[sflag:s17] =	ssyncadd.s32 $0xFFFFC000  }
0x2c: {  	[spmem:s13] =	stream.linear.scatter [tilespmem:s16], [sflag:$0x3], $0x4000, $0x38;
	[tilespmem:$0x1E800] =	vst v63  }
0x2d: {  	_ =	swait.ge [sflag:s17], $0x4000  }
0x2e: {  	[sflag:s17] =	ssyncset.done $0x0  }
0x2f: {  	[sflag:s17] =	ssyncadd.s32 $0xFFFFC000  }
0x30: {  	[spmem:s14] =	stream.linear.scatter [tilespmem:s16], [sflag:$0x3], $0x4000, $0x38;
	[tilespmem:$0x1E800] =	vst v63  }
0x31: {  	_ =	swait.ge [sflag:s17], $0x4000  }
0x32: {  	[sflag:s17] =	ssyncset.done $0x0  }
0x33: {  	[sflag:s17] =	ssyncadd.s32 $0xFFFFC000  }
0x34: {  	[spmem:s15] =	stream.linear.scatter [tilespmem:s16], [sflag:$0x3], $0x4000, $0x38;
	[tilespmem:$0x1E800] =	vst v63  }
0x35: {  	_ =	swait.ge [sflag:s17], $0x4000  }
0x36: {  	[sflag:s17] =	ssyncset.done $0x0  }
0x37: {  	[sflag:s17] =	ssyncadd.s32 $0xFFFFC000  }
0x38: {  	s30 =	simm.s32 $0x0;
	[bflag:$0x0] =	sbarrier.arrive $0xFFFF  }
0x39: {  	[tilespmem:s30], [sflag:$0x3] =	stream.linear.gather [hbm4b:s6+s30], $0x1400, $0x38;
	[tilespmem:$0x1E800] =	vst v63  }
0x3a: {  	_ =	swait.ge [sflag:s17], $0x1400  }
0x3b: {  	[sflag:s17] =	ssyncset.done $0x0  }
0x3c: {  	[sflag:s17] =	ssyncadd.s32 $0xFFFFEC00  }
0x3d: {  	[tilespmem:s18], [sflag:$0x3] =	stream.linear.gather [hbm4b:s7+s30], $0x1400, $0x38;
	[tilespmem:$0x1E800] =	vst v63  }
0x3e: {  	_ =	swait.ge [sflag:s17], $0x1400  }
0x3f: {  	[sflag:s17] =	ssyncset.done $0x0  }
0x40: {  	[sflag:s17] =	ssyncadd.s32 $0xFFFFEC00  }
0x41: {  	[tilespmem:s16], [sflag:$0x1] =	stream.indirect.gather [hbm4b:s4+s19], $0x80, s30, s19, $0xb8;
	[tilespmem:$0x1E800] =	vst v63  }
0x42: {  	s31 =	simm.s32 $0x80  }
0x43: {  	[tilespmem:s20], [sflag:$0x2] =	stream.indirect.gather [hbm4b:s4+s19], $0x80, s31, s19, $0xb8;
	[tilespmem:$0x1E800] =	vst v63  }
0x44: {  	_ =	swait.ge [sflag:s21], $0x4000  }
0x45: {  	[sflag:s21] =	ssyncset.done $0x0  }
0x46: {  	s29 =	simm.s32 $0x1400;
	[sflag:s21] =	ssyncadd.s32 $0xFFFFC000  }
0x47: {  	[spmem:s1] =	stream.indirect.scatter.add.f32 [tilespmem:s16], [sflag:$0x3], $0x80, s29, s19, $0xb8;
	[tilespmem:$0x1E800] =	vst v63  }
0x48: {  	_ =	swait.ge [sflag:s17], $0x4000  }
0x49: {  	[sflag:s17] =	ssyncset.done $0x0  }
0x4a: {  	s30 =	simm.s32 $0x100;
	[sflag:s17] =	ssyncadd.s32 $0xFFFFC000  }
0x4b: {  	[tilespmem:s16], [sflag:$0x1] =	stream.indirect.gather [hbm4b:s4+s19], $0x80, s30, s19, $0xb8;
	[tilespmem:$0x1E800] =	vst v63  }
0x4c: {  	_ =	swait.ge [sflag:s22], $0x4000  }
0x4d: {  	[sflag:s22] =	ssyncset.done $0x0  }
0x4e: {  	s31 =	simm.s32 $0x1480;
	[sflag:s22] =	ssyncadd.s32 $0xFFFFC000  }
0x4f: {  	[spmem:s1] =	stream.indirect.scatter.add.f32 [tilespmem:s20], [sflag:$0x3], $0x80, s31, s19, $0xb8;
	[tilespmem:$0x1E800] =	vst v63  }
0x50: {  	_ =	swait.ge [sflag:s17], $0x4000  }
0x51: {  	s28 =	simm.s32 $0x800;
	s26 =	simm.s32 $0x100;
	[sflag:s17] =	ssyncset.done $0x0  }
.LBB2_4:
0x52: {  	s29 =	sadd.s32 $0x80, s26  }
0x53: {  	[sflag:s17] =	ssyncadd.s32 $0xFFFFC000;
	s30 =	smov.u32 s28;
	s31 =	sadd.s32 $0x400, s28  }
0x54: {  	[tilespmem:s20], [sflag:$0x2] =	stream.indirect.gather [hbm4b:s4+s19], $0x80, s29, s19, $0xb8;
	[tilespmem:$0x1E800] =	vst v63  }
0x55: {  	p0 =	sne.s32 s28, $0x4800;
	_ =	swait.ge [sflag:s21], $0x4000  }
0x56: {  	[sflag:s21] =	ssyncset.done $0x0  }
0x57: {  	s28 =	sadd.s32 $0x1400, s26;
	[sflag:s21] =	ssyncadd.s32 $0xFFFFC000  }
0x58: {  	[spmem:s1] =	stream.indirect.scatter.add.f32 [tilespmem:s16], [sflag:$0x3], $0x80, s28, s19, $0xb8;
	[tilespmem:$0x1E800] =	vst v63  }
0x59: {  	_ =	swait.ge [sflag:s17], $0x4000  }
0x5a: {  	[sflag:s17] =	ssyncset.done $0x0  }
0x5b: {  	s28 =	sadd.s32 $0x100, s26;
	[sflag:s17] =	ssyncadd.s32 $0xFFFFC000  }
0x5c: {  	[tilespmem:s16], [sflag:$0x1] =	stream.indirect.gather [hbm4b:s4+s19], $0x80, s28, s19, $0xb8;
	[tilespmem:$0x1E800] =	vst v63  }
0x5d: {  	_ =	swait.ge [sflag:s22], $0x4000  }
.Ltmp1:
0x5e: {  	[sflag:s22] =	ssyncset.done $0x0;
	(pc) =	sbr.rel @p0 .LBB2_4-.Ltmp1, $4  }
0x5f: {  	s26 =	sadd.s32 $0x1480, s26;
	[sflag:s22] =	ssyncadd.s32 $0xFFFFC000  }
0x60: {  	[spmem:s1] =	stream.indirect.scatter.add.f32 [tilespmem:s20], [sflag:$0x3], $0x80, s26, s19, $0xb8;
	[tilespmem:$0x1E800] =	vst v63  }
0x61: {  	_ =	swait.ge [sflag:s17], $0x4000  }
0x62: {  	s28 =	smov.u32 s31;
	s26 =	sshra.s32 s30, $0x2;
	[sflag:s17] =	ssyncset.done $0x0  }
0x63: {  	s28 =	sadd.s32 $0x80, s26;
	[sflag:s17] =	ssyncadd.s32 $0xFFFFC000  }
0x64: {  	[tilespmem:s20], [sflag:$0x2] =	stream.indirect.gather [hbm4b:s4+s19], $0x80, s28, s19, $0xb8;
	[tilespmem:$0x1E800] =	vst v63  }
0x65: {  	_ =	swait.ge [sflag:s21], $0x4000  }
0x66: {  	[sflag:s21] =	ssyncset.done $0x0  }
0x67: {  	s28 =	sadd.s32 $0x1400, s26;
	[sflag:s21] =	ssyncadd.s32 $0xFFFFC000  }
0x68: {  	[spmem:s1] =	stream.indirect.scatter.add.f32 [tilespmem:s16], [sflag:$0x3], $0x80, s28, s19, $0xb8;
	[tilespmem:$0x1E800] =	vst v63  }
0x69: {  	_ =	swait.ge [sflag:s17], $0x4000  }
0x6a: {  	[sflag:s17] =	ssyncset.done $0x0  }
0x6b: {  	s28 =	sadd.s32 $0x100, s26;
	[sflag:s17] =	ssyncadd.s32 $0xFFFFC000  }
0x6c: {  	[tilespmem:s16], [sflag:$0x1] =	stream.indirect.gather [hbm4b:s4+s19], $0x80, s28, s19, $0xb8;
	[tilespmem:$0x1E800] =	vst v63  }
0x6d: {  	_ =	swait.ge [sflag:s22], $0x4000  }
0x6e: {  	[sflag:s22] =	ssyncset.done $0x0  }
0x6f: {  	s29 =	sadd.s32 $0x1480, s26;
	[sflag:s22] =	ssyncadd.s32 $0xFFFFC000  }
0x70: {  	[spmem:s1] =	stream.indirect.scatter.add.f32 [tilespmem:s20], [sflag:$0x3], $0x80, s29, s19, $0xb8;
	[tilespmem:$0x1E800] =	vst v63  }
0x71: {  	_ =	swait.ge [sflag:s17], $0x4000  }
0x72: {  	[sflag:s17] =	ssyncset.done $0x0  }
0x73: {  	[sflag:s17] =	ssyncadd.s32 $0xFFFFC000  }
0x74: {  	[tilespmem:s20], [sflag:$0x2] =	stream.indirect.gather [hbm4b:s4+s19], $0x80, s23, s19, $0xb8;
	[tilespmem:$0x1E800] =	vst v63  }
0x75: {  	_ =	swait.ge [sflag:s21], $0x4000  }
0x76: {  	[sflag:s21] =	ssyncset.done $0x0  }
0x77: {  	[sflag:s21] =	ssyncadd.s32 $0xFFFFC000  }
0x78: {  	[spmem:s1] =	stream.indirect.scatter.add.f32 [tilespmem:s16], [sflag:$0x3], $0x80, s24, s19, $0xb8;
	[tilespmem:$0x1E800] =	vst v63  }
0x79: {  	_ =	swait.ge [sflag:s17], $0x4000  }
0x7a: {  	[sflag:s17] =	ssyncset.done $0x0  }
0x7b: {  	[sflag:s17] =	ssyncadd.s32 $0xFFFFC000  }
0x7c: {  	_ =	swait.ge [sflag:s22], $0x4000  }
0x7d: {  	[sflag:s22] =	ssyncset.done $0x0  }
0x7e: {  	[sflag:s22] =	ssyncadd.s32 $0xFFFFC000  }
0x7f: {  	[spmem:s1] =	stream.indirect.scatter.add.f32 [tilespmem:s20], [sflag:$0x3], $0x80, s25, s19, $0xb8;
	[tilespmem:$0x1E800] =	vst v63  }
0x80: {  	_ =	swait.ge [sflag:s17], $0x4000  }
0x81: {  	[sflag:s17] =	ssyncset.done $0x0  }
0x82: {  	s30 =	simm.s32 $0x0;
	[sflag:s17] =	ssyncadd.s32 $0xFFFFC000  }
0x83: {  	[tilespmem:s30], [sflag:$0x3] =	stream.linear.gather [hbm4b:s8+s30], $0x1400, $0x38;
	[tilespmem:$0x1E800] =	vst v63  }
0x84: {  	_ =	swait.ge [sflag:s17], $0x1400  }
0x85: {  	[sflag:s17] =	ssyncset.done $0x0  }
0x86: {  	[sflag:s17] =	ssyncadd.s32 $0xFFFFEC00  }
0x87: {  	[tilespmem:s18], [sflag:$0x3] =	stream.linear.gather [hbm4b:s9+s30], $0x1400, $0x38;
	[tilespmem:$0x1E800] =	vst v63  }
0x88: {  	_ =	swait.ge [sflag:s17], $0x1400  }
0x89: {  	[sflag:s17] =	ssyncset.done $0x0  }
0x8a: {  	[sflag:s17] =	ssyncadd.s32 $0xFFFFEC00  }
0x8b: {  	[tilespmem:s16], [sflag:$0x1] =	stream.indirect.gather [hbm4b:s4+s19], $0x80, s30, s19, $0xb8;
	[tilespmem:$0x1E800] =	vst v63  }
0x8c: {  	s31 =	simm.s32 $0x80  }
0x8d: {  	[tilespmem:s20], [sflag:$0x2] =	stream.indirect.gather [hbm4b:s4+s19], $0x80, s31, s19, $0xb8;
	[tilespmem:$0x1E800] =	vst v63  }
0x8e: {  	_ =	swait.ge [sflag:s21], $0x4000  }
0x8f: {  	[sflag:s21] =	ssyncset.done $0x0  }
0x90: {  	s29 =	simm.s32 $0x1400;
	[sflag:s21] =	ssyncadd.s32 $0xFFFFC000  }
0x91: {  	[spmem:s1] =	stream.indirect.scatter.add.f32 [tilespmem:s16], [sflag:$0x3], $0x80, s29, s19, $0xb8;
	[tilespmem:$0x1E800] =	vst v63  }
0x92: {  	_ =	swait.ge [sflag:s17], $0x4000  }
0x93: {  	[sflag:s17] =	ssyncset.done $0x0  }
0x94: {  	s30 =	simm.s32 $0x100;
	[sflag:s17] =	ssyncadd.s32 $0xFFFFC000  }
0x95: {  	[tilespmem:s16], [sflag:$0x1] =	stream.indirect.gather [hbm4b:s4+s19], $0x80, s30, s19, $0xb8;
	[tilespmem:$0x1E800] =	vst v63  }
0x96: {  	_ =	swait.ge [sflag:s22], $0x4000  }
0x97: {  	[sflag:s22] =	ssyncset.done $0x0  }
0x98: {  	s31 =	simm.s32 $0x1480;
	[sflag:s22] =	ssyncadd.s32 $0xFFFFC000  }
0x99: {  	[spmem:s1] =	stream.indirect.scatter.add.f32 [tilespmem:s20], [sflag:$0x3], $0x80, s31, s19, $0xb8;
	[tilespmem:$0x1E800] =	vst v63  }
0x9a: {  	_ =	swait.ge [sflag:s17], $0x4000  }
0x9b: {  	s26 =	simm.s32 $0x100;
	s28 =	simm.s32 $0x800;
	[sflag:s17] =	ssyncset.done $0x0  }
.LBB2_6:
0x9c: {  	s29 =	sadd.s32 $0x80, s26  }
0x9d: {  	[sflag:s17] =	ssyncadd.s32 $0xFFFFC000;
	s30 =	smov.u32 s28;
	s31 =	sadd.s32 $0x400, s28  }
0x9e: {  	[tilespmem:s20], [sflag:$0x2] =	stream.indirect.gather [hbm4b:s4+s19], $0x80, s29, s19, $0xb8;
	[tilespmem:$0x1E800] =	vst v63  }
0x9f: {  	p0 =	sne.s32 s28, $0x4800;
	_ =	swait.ge [sflag:s21], $0x4000  }
0xa0: {  	[sflag:s21] =	ssyncset.done $0x0  }
0xa1: {  	s28 =	sadd.s32 $0x1400, s26;
	[sflag:s21] =	ssyncadd.s32 $0xFFFFC000  }
0xa2: {  	[spmem:s1] =	stream.indirect.scatter.add.f32 [tilespmem:s16], [sflag:$0x3], $0x80, s28, s19, $0xb8;
	[tilespmem:$0x1E800] =	vst v63  }
0xa3: {  	_ =	swait.ge [sflag:s17], $0x4000  }
0xa4: {  	[sflag:s17] =	ssyncset.done $0x0  }
0xa5: {  	s28 =	sadd.s32 $0x100, s26;
	[sflag:s17] =	ssyncadd.s32 $0xFFFFC000  }
0xa6: {  	[tilespmem:s16], [sflag:$0x1] =	stream.indirect.gather [hbm4b:s4+s19], $0x80, s28, s19, $0xb8;
	[tilespmem:$0x1E800] =	vst v63  }
0xa7: {  	_ =	swait.ge [sflag:s22], $0x4000  }
.Ltmp2:
0xa8: {  	[sflag:s22] =	ssyncset.done $0x0;
	(pc) =	sbr.rel @p0 .LBB2_6-.Ltmp2, $4  }
0xa9: {  	s26 =	sadd.s32 $0x1480, s26;
	[sflag:s22] =	ssyncadd.s32 $0xFFFFC000  }
0xaa: {  	[spmem:s1] =	stream.indirect.scatter.add.f32 [tilespmem:s20], [sflag:$0x3], $0x80, s26, s19, $0xb8;
	[tilespmem:$0x1E800] =	vst v63  }
0xab: {  	_ =	swait.ge [sflag:s17], $0x4000  }
0xac: {  	s28 =	smov.u32 s31;
	s26 =	sshra.s32 s30, $0x2;
	[sflag:s17] =	ssyncset.done $0x0  }
0xad: {  	s28 =	sadd.s32 $0x80, s26;
	[sflag:s17] =	ssyncadd.s32 $0xFFFFC000  }
0xae: {  	[tilespmem:s20], [sflag:$0x2] =	stream.indirect.gather [hbm4b:s4+s19], $0x80, s28, s19, $0xb8;
	[tilespmem:$0x1E800] =	vst v63  }
0xaf: {  	_ =	swait.ge [sflag:s21], $0x4000  }
0xb0: {  	[sflag:s21] =	ssyncset.done $0x0  }
0xb1: {  	s30 =	sadd.s32 $0x1400, s26;
	[sflag:s21] =	ssyncadd.s32 $0xFFFFC000  }
0xb2: {  	[spmem:s1] =	stream.indirect.scatter.add.f32 [tilespmem:s16], [sflag:$0x3], $0x80, s30, s19, $0xb8;
	[tilespmem:$0x1E800] =	vst v63  }
0xb3: {  	_ =	swait.ge [sflag:s17], $0x4000  }
0xb4: {  	[sflag:s17] =	ssyncset.done $0x0  }
0xb5: {  	s31 =	sadd.s32 $0x100, s26;
	[sflag:s17] =	ssyncadd.s32 $0xFFFFC000  }
0xb6: {  	[tilespmem:s16], [sflag:$0x1] =	stream.indirect.gather [hbm4b:s4+s19], $0x80, s31, s19, $0xb8;
	[tilespmem:$0x1E800] =	vst v63  }
0xb7: {  	_ =	swait.ge [sflag:s22], $0x4000  }
0xb8: {  	[sflag:s22] =	ssyncset.done $0x0  }
0xb9: {  	s29 =	sadd.s32 $0x1480, s26;
	[sflag:s22] =	ssyncadd.s32 $0xFFFFC000  }
0xba: {  	[spmem:s1] =	stream.indirect.scatter.add.f32 [tilespmem:s20], [sflag:$0x3], $0x80, s29, s19, $0xb8;
	[tilespmem:$0x1E800] =	vst v63  }
0xbb: {  	_ =	swait.ge [sflag:s17], $0x4000  }
0xbc: {  	[sflag:s17] =	ssyncset.done $0x0  }
0xbd: {  	[sflag:s17] =	ssyncadd.s32 $0xFFFFC000  }
0xbe: {  	[tilespmem:s20], [sflag:$0x2] =	stream.indirect.gather [hbm4b:s4+s19], $0x80, s23, s19, $0xb8;
	[tilespmem:$0x1E800] =	vst v63  }
0xbf: {  	_ =	swait.ge [sflag:s21], $0x4000  }
0xc0: {  	[sflag:s21] =	ssyncset.done $0x0  }
0xc1: {  	[sflag:s21] =	ssyncadd.s32 $0xFFFFC000  }
0xc2: {  	[spmem:s1] =	stream.indirect.scatter.add.f32 [tilespmem:s16], [sflag:$0x3], $0x80, s24, s19, $0xb8;
	[tilespmem:$0x1E800] =	vst v63  }
0xc3: {  	_ =	swait.ge [sflag:s17], $0x4000  }
0xc4: {  	[sflag:s17] =	ssyncset.done $0x0  }
0xc5: {  	[sflag:s17] =	ssyncadd.s32 $0xFFFFC000  }
0xc6: {  	_ =	swait.ge [sflag:s22], $0x4000  }
0xc7: {  	[sflag:s22] =	ssyncset.done $0x0  }
0xc8: {  	[sflag:s22] =	ssyncadd.s32 $0xFFFFC000  }
0xc9: {  	[spmem:s1] =	stream.indirect.scatter.add.f32 [tilespmem:s20], [sflag:$0x3], $0x80, s25, s19, $0xb8;
	[tilespmem:$0x1E800] =	vst v63  }
0xca: {  	_ =	swait.ge [sflag:s17], $0x4000  }
0xcb: {  	s3 =	sadd.s32 $0x1, s3;
	s30 =	sshll.u32 s2, $0x6;
	[sflag:s17] =	ssyncset.done $0x0  }
0xcc: {  	p0 =	sne.s32 s3, s11;
	s26 =	sor.u32 $0x1C03, s30;
	[sflag:s17] =	ssyncadd.s32 $0xFFFFC000  }
.Ltmp3:
0xcd: {  	s31 =	sshrl.u32 s5, $0x3;
	[bflag:$0x0] =	sbarrier.arrive $0xFFFF;
	(pc) =	sbr.rel @p0 .LBB2_1-.Ltmp3, $4  }
0xce: {  	[hbm:s10], [sflag:s26] =	dma.local [spmem:s31], $0x2800  }
0xcf: {  	_ =	swait.ge [sflag:s17], $0x2800  }
0xd0: {  	[sflag:s17] =	ssyncset.done $0x0  }
0xd1: {  	[sflag:s17] =	ssyncadd.s32 $0xFFFFD800  }
0xd2: {  	_ =	sfence.sel $0x180000  }
0xd3: {  	[bflag:$0x0] =	sbarrier.arrive $0xFFFF  }
0xd4: {  	p0 =	sne.s32 s2, $0x0;
	_ =	strace $0x9000004A  }
0xd5: {  	s0 =	sadd.s32 @!p0 $0x100000, s0;
	[bflag:$0x2] =	sbarrier.arrive $0xFFFF  }
0xd6: {  	[sflag:s0] =	ssyncadd.tile.s32 @!p0 $0x1;
	_ =	shalt  }
.Lfunc_end2:
_tile_overlayer_lowered:
.L_overlay_start_2:
0xd7: {  	(tag) =	ssettag $0x2  }
0xd8: {  	s0 =	rddreg [dreg:$0x0];
	s2 =	stileid.u32  }
0xd9: {  	s1 =	rddreg [dreg:$0x1];
	p0 =	sne.s32 s2, $0x0  }
0xda: {  	s3 =	rddreg [dreg:$0x2];
	[bflag:$0x3] =	sbarrier.arrive $0xFFFF;
	s2 =	simm.s32 @!p0 $0x1C03  }
0xdb: {  	[timem:s3], [sflag:s2] =	dma.local @!p0 [hbm:s0], s1  }
0xdc: {  	s0 =	simm.s32 @!p0 $0x3  }
0xdd: {  	_ =	swait.ge @!p0 [sflag:s0], s1  }
0xde: {  	s1 =	ssub.s32 @!p0 $0x0, s1;
	[sflag:s0] =	ssyncset.done @!p0 $0x0  }
0xdf: {  	[sflag:s0] =	ssyncadd.s32 @!p0 s1  }
0xe0: {  	[bflag:$0x3] =	sbarrier.arrive $0xFFFF  }
0xe1: {  	_ =	shalt  }

// kernel: kernel.15.cloned.1.call-start
scs
__scs_entry_jumppad:
0x0: {  	(pc) =	sbr.rel $0x88, $3  }
0x1: {  	(tag) =	ssettag $0x0;
	lr =	simm.s32 $0x1  }
0x2: {  	[smem:$0x3F97] =	sst lr;
	_ =	strace $0xD0000000  }
0x3: {  	_ = 	snop  }
0x4: {  	_ = 	snop  }
0x5: {  	_ = 	snop  }
0x6: {  	_ = 	snop  }
0x7: {  	_ = 	snop  }
__scs_overlays_trampoline_lowered:
0x8: {  	[smem:$0x3FA6] =	sst s0  }
0x9: {  	[smem:$0x3FA7] =	sst s1  }
0xa: {  	[smem:$0x3FA8] =	sst s2  }
0xb: {  	[smem:$0x3FA9] =	sst s3  }
0xc: {  	[smem:$0x3FAA] =	sst s4  }
0xd: {  	[smem:$0x3FAB] =	sst s5  }
0xe: {  	[smem:$0x3FAC] =	sst s6  }
0xf: {  	[smem:$0x3FAD] =	sst s7  }
0x10: {  	[smem:$0x3FAE] =	sst s8  }
0x11: {  	[smem:$0x3FAF] =	sst s9;
	s0 =	simm.s32 @!p0 $0x0  }
0x12: {  	s1 =	sld [smem:$0x3F95];
	s0 =	simm.s32 @p0 $0x1  }
0x13: {  	[smem:$0x3FB0] =	sst s0;
	s0 =	simm.s32 @!p1 $0x0  }
0x14: {  	s2 =	sld [smem:$0x3F94];
	s0 =	simm.s32 @p1 $0x1  }
0x15: {  	[smem:$0x3FB1] =	sst s0;
	s0 =	simm.s32 @!p2 $0x0  }
0x16: {  	s3 =	sld [smem:$0x3FDB];
	s0 =	simm.s32 @p2 $0x1  }
0x17: {  	s4 =	simm.s32 $0x1BF5;
	[smem:$0x3FB3] =	sst s0  }
0x18: {  	s0 =	sld [smem:$0x3F96];
	_ =	swait.ge [sflag:s4], $0x0  }
0x19: {  	s7 =	sld [smem:$0x3F97]  }
0x1a: {  	s8 =	sadd.s32 $0xFFFFE003, lr  }
0x1b: {  	s9 =	sadd.s32 $0xFFFFFEF7, lr;
	s5 =	simm.s32 $0xFFFFFFFF;
	p2 =	slt.u32 s8, $0xFFFFF086  }
0x1c: {  	p1 =	slt.u32 s9, $0xF7A;
	s5 =	simm.s32 @!p2 $0x0  }
0x1d: {  	s5 =	simm.s32 @p1 $0x1;
	p0 =	seq.s32 s7, s2  }
0x1e: {  	s7 =	smul.u32 @!p0 $0xF7A, s2;
	p2 =	seq.s32 @!p0 s5, $0x0  }
0x1f: {  	s9 =	smul.u32 $0xF7A, s1;
	s8 =	simm.s32 @!p0 $0x1BF5;
	p2 =	por !p2, p0  }
0x20: {  	[sflag:s8] =	ssyncset.s32 @!p0 $0xFFFFF086;
	s6 =	sadd.s32 @!p0 s3, s7;
	s7 =	simm.s32 @!p0 $0x108  }
0x21: {  	s3 =	sadd.s32 s3, s9;
	s6 =	sadd.s32 @!p0 $0x88, s6;
	s7 =	simm.s32 @p2 $0x1082  }
0x22: {  	[simem:s7], [sflag:s8] =	dma.local @!p0 [hbm:s6], $0xF7A  }
0x23: {  	s9 =	sor.u32 $0xD0000000, s2;
	s6 =	simm.s32 $0x108;
	_ =	swait.ge @!p0 [sflag:s8], $0x0  }
0x24: {  	s3 =	sadd.s32 $0x88, s3;
	s6 =	simm.s32 @!p1 $0x1082;
	[sflag:s4] =	ssyncset.s32 $0xFFFFF086  }
0x25: {  	[simem:s6], [sflag:s4] =	dma.local [hbm:s3], $0xF7A  }
0x26: {  	[smem:$0x3F97] =	sst s1;
	(tag) =	ssettag s2;
	_ =	strace s9  }
0x27: {  	s1 =	sld [smem:$0x3FA7]  }
0x28: {  	s2 =	sld [smem:$0x3FA8]  }
0x29: {  	s4 =	sld [smem:$0x3FAA]  }
0x2a: {  	p0 =	seq.s32 s5, $0x0;
	s5 =	sld [smem:$0x3FAB]  }
0x2b: {  	s6 =	sld [smem:$0x3FAC]  }
0x2c: {  	s7 =	sld [smem:$0x3FAD]  }
0x2d: {  	s3 =	simm.s32 $0x108;
	s8 =	sld [smem:$0x3FAE]  }
0x2e: {  	s3 =	simm.s32 @!p0 $0x1082;
	s9 =	sld [smem:$0x3FAF]  }
0x2f: {  	lr =	sadd.s32 s0, s3;
	s0 =	sld [smem:$0x3FA6]  }
0x30: {  	s3 =	sld [smem:$0x3FA9]  }
0x31: {  	[smem:$0x3FB2] =	sst s10  }
0x32: {  	s10 =	sld [smem:$0x3FB0];
	_ =	sdelay $0x3  }
0x33: {  	p0 =	seq.s32 s10, $0x1;
	s10 =	sld [smem:$0x3FB2];
	_ =	sdelay $0x3  }
0x34: {  	[smem:$0x3FB2] =	sst s10  }
0x35: {  	s10 =	sld [smem:$0x3FB1];
	_ =	sdelay $0x3  }
0x36: {  	p1 =	seq.s32 s10, $0x1;
	s10 =	sld [smem:$0x3FB2];
	_ =	sdelay $0x3  }
0x37: {  	[smem:$0x3FB2] =	sst s10  }
0x38: {  	s10 =	sld [smem:$0x3FB3]  }
0x39: {  	_ = 	snop;
	(pc) =	sbr.ind lr, $3  }
0x3a: {  	_ = 	snop  }
0x3b: {  	_ = 	snop  }
0x3c: {  	p2 =	seq.s32 s10, $0x1;
	s10 =	sld [smem:$0x3FB2]  }
0x3d: {  	_ =	shalt  }
0x3e: {  	_ =	shalt  }
0x3f: {  	_ =	shalt  }
0x40: {  	_ =	shalt  }
0x41: {  	_ =	shalt  }
0x42: {  	_ =	shalt  }
0x43: {  	_ =	shalt  }
0x44: {  	_ =	shalt  }
0x45: {  	_ =	shalt  }
0x46: {  	_ =	shalt  }
0x47: {  	_ =	shalt  }
0x48: {  	_ =	shalt  }
0x49: {  	_ =	shalt  }
0x4a: {  	_ =	shalt  }
0x4b: {  	_ =	shalt  }
0x4c: {  	_ =	shalt  }
0x4d: {  	_ =	shalt  }
0x4e: {  	_ =	shalt  }
0x4f: {  	_ =	shalt  }
0x50: {  	_ =	shalt  }
0x51: {  	_ =	shalt  }
0x52: {  	_ =	shalt  }
0x53: {  	_ =	shalt  }
0x54: {  	_ =	shalt  }
0x55: {  	_ =	shalt  }
0x56: {  	_ =	shalt  }
0x57: {  	_ =	shalt  }
0x58: {  	_ =	shalt  }
0x59: {  	_ =	shalt  }
0x5a: {  	_ =	shalt  }
0x5b: {  	_ =	shalt  }
0x5c: {  	_ =	shalt  }
0x5d: {  	_ =	shalt  }
0x5e: {  	_ =	shalt  }
0x5f: {  	_ =	shalt  }
0x60: {  	_ =	shalt  }
0x61: {  	_ =	shalt  }
0x62: {  	_ =	shalt  }
0x63: {  	_ =	shalt  }
0x64: {  	_ =	shalt  }
0x65: {  	_ =	shalt  }
0x66: {  	_ =	shalt  }
0x67: {  	_ =	shalt  }
0x68: {  	_ =	shalt  }
0x69: {  	_ =	shalt  }
0x6a: {  	_ =	shalt  }
0x6b: {  	_ =	shalt  }
0x6c: {  	_ =	shalt  }
0x6d: {  	_ =	shalt  }
0x6e: {  	_ =	shalt  }
0x6f: {  	_ =	shalt  }
0x70: {  	_ =	shalt  }
0x71: {  	_ =	shalt  }
0x72: {  	_ =	shalt  }
0x73: {  	_ =	shalt  }
0x74: {  	_ =	shalt  }
0x75: {  	_ =	shalt  }
0x76: {  	_ =	shalt  }
0x77: {  	_ =	shalt  }
0x78: {  	_ =	shalt  }
0x79: {  	_ =	shalt  }
0x7a: {  	_ =	shalt  }
0x7b: {  	_ =	shalt  }
0x7c: {  	_ =	shalt  }
0x7d: {  	_ =	shalt  }
0x7e: {  	_ =	shalt  }
0x7f: {  	_ =	shalt  }
0x80: {  	_ =	shalt  }
0x81: {  	_ =	shalt  }
0x82: {  	_ =	shalt  }
0x83: {  	_ =	shalt  }
0x84: {  	_ =	shalt  }
0x85: {  	_ =	shalt  }
0x86: {  	_ =	shalt  }
0x87: {  	_ =	shalt  }
.Lfunc_end0:
.L_simem_size_0:
called_computation.2_lowered:
.L_overlay_start_0:
0x88: {  	s2 =	sld [smem:$0x3FD9]  }
0x89: {  	s3 =	sld [smem:$0x3FFE];
	_ =	sdelay $0x1  }
0x8a: {  	s1 =	srdreg.scid  }
0x8b: {  	s0 =	sand.u32 $0x1, s1  }
0x8c: {  	s16 =	sshll.u32 s0, $0xA;
	s2 =	sadd.s32 s3, s2  }
0x8d: {  	s2 =	sadd.s32 s2, s16  }
0x8e: {  	[smem:$0x3FBE] =	sst s2  }
0x8f: {  	_ = 	snop  }
0x90: {  	(tm) =	ssettm $0x1  }
0x91: {  	s17 =	sld [smem:$0x3FFB];
	_ =	sdelay $0x3  }
0x92: {  	_ =	strace s17  }
0x93: {  	s2 =	sld [smem:$0x3FFC];
	_ =	sdelay $0x3  }
0x94: {  	_ =	strace s2  }
0x95: {  	s2 =	sld [smem:$0x3FFD];
	_ =	sdelay $0x3  }
0x96: {  	_ =	strace s2  }
0x97: {  	_ =	strace $0x8FFFFFFF  }
0x98: {  	s18 =	sld [smem:$0x3FDB];
	_ =	sdelay $0x1  }
0x99: {  	s19 =	simm.s32 $_scs_section_size  }
0x9a: {  	s4 =	simm.s32 $_size__tile_overlayer_lowered;
	s5 =	simm.s32 $_tile_overlayer_lowered  }
0x9b: {  	s22 =	simm.s32 $0x1BFF;
	s21 =	sshll.u32 s5, $0x1;
	s2 =	sadd.s32 s19, s18  }
0x9c: {  	s6 =	simm.s32 $0x0;
	s20 =	sshll.u32 s4, $0x1;
	s4 =	sadd.s32 s21, s2  }
0x9d: {  	[timem:s6], [sflag:s22] =	dma.local [hbm:s4], s20  }
0x9e: {  	_ =	swait.ge [sflag:s22], s20  }
0x9f: {  	s3 =	ssub.s32 $0x0, s20;
	[sflag:s22] =	ssyncset.done $0x0  }
0xa0: {  	[sflag:s22] =	ssyncadd.s32 s3;
	_ =	sdelay $0x1  }
0xa1: {  	s23 =	simm.s32 $0x1B8B  }
0xa2: {  	_ =	swait.ge [sflag:s23], $0x1  }
0xa3: {  	[sflag:s23] =	ssyncset.done $0x0  }
0xa4: {  	s25 =	simm.s32 $0x1B8E;
	s24 =	sld [smem:$0x3FFE];
	[sflag:s23] =	ssyncadd.s32 $0xFFFFFFFF  }
0xa5: {  	s26 =	simm.s32 $execute0_lowered;
	[smem:$0x3FD2] =	sst s25  }
0xa6: {  	s4 =	sshll.u32 s26, $0x1;
	_ =	strace $0x8000004C;
	[dreg:$0x1] =	wrdreg $0xFFFFFFFF  }
0xa7: {  	s28 =	simm.s32 $_size_execute0_lowered;
	s2 =	sadd.s32 s2, s4;
	[dreg:$0x0] =	wrdreg $0x0  }
0xa8: {  	s4 =	sshll.u32 s28, $0x1;
	[dreg:$0x2] =	wrdreg s2  }
0xa9: {  	[dreg:$0x3] =	wrdreg s4  }
0xaa: {  	[dreg:$0x4] =	wrdreg $0xC0  }
0xab: {  	_ =	task [dreg:s6], $0x5FFFF  }
0xac: {  	[dreg:$0x1] =	wrdreg $0xFFFFFFFF  }
0xad: {  	[dreg:$0x0] =	wrdreg $0x60  }
0xae: {  	[dreg:$0x2] =	wrdreg s24  }
0xaf: {  	[dreg:$0x3] =	wrdreg $0xA8000  }
0xb0: {  	[dreg:$0x4] =	wrdreg $0x9  }
0xb1: {  	_ =	task.clear_ibuf [dreg:s6], $0x5FFFF;
	_ =	strace $0x9000004C  }
0xb2: {  	s29 =	simm.s32 $0x9;
	_ =	strace $0x8000004E  }
0xb3: {  	_ =	swait.ge [sflag:s29], $0x1  }
0xb4: {  	[sflag:s29] =	ssyncadd.s32 $0xFFFFFFFF  }
0xb5: {  	_ =	strace $0x9000004E  }
0xb6: {  	_ =	sfence  }
0xb7: {  	s30 =	sld [smem:$0x0];
	_ =	sdelay $0x2  }
0xb8: {  	s31 =	sshll.u32 s1, $0xD;
	s1 =	sshrl.u32 s1, $0x2  }
0xb9: {  	s3 =	sand.u32 $0x4000, s31;
	s1 =	sadd.s32 s1, s30  }
0xba: {  	s0 =	sor.u32 s3, s0;
	s1 =	sshll.u32 s1, $0x11  }
0xbb: {  	s0 =	sor.u32 s1, s0  }
0xbc: {  	s0 =	sadd.s32 $0x8F2B, s0  }
0xbd: {  	[sflag:s0] =	ssyncadd.remote.s32 $0x1  }
0xbe: {  	_ =	sfence.sel $0xFFFF  }
0xbf: {  	[dreg:$0x0] =	wrdreg $0xFFFFFFFF;
	(pc) =	sbr.abs _section_cstart, $3  }
0xc0: {  	[dreg:$0x1] =	wrdreg $0xFFFFFFFF  }
0xc1: {  	_ =	task.clear_ibuf [dreg:s6], $0x2FFFF;
	_ =	strace $0x9FFFFFFF  }
0xc2: {  	(tm) =	ssettm $0x7FFFFFFF  }
0xc3: {  	_ =	shalt  }
tec
execute0_lowered:
.L_overlay_start_1:
0x0: {  	(tag) =	ssettag $0x1  }
0x1: {  	s5 =	rddreg [dreg:$0x0]  }
0x2: {  	s1 =	rddreg [dreg:$0x1]  }
0x3: {  	s0 =	rddreg [dreg:$0x2]  }
0x4: {  	s3 =	simm.s32 $0x0;
	s2 =	srdreg.scid;
	s16 =	simm.s32 $0x2800  }
0x5: {  	s17 =	simm.s32 $0x3;
	s18 =	simm.s32 $0x1400;
	s19 =	simm.s32 $0x80  }
0x6: {  	s20 =	simm.s32 $0x6800;
	s21 =	simm.s32 $0x1;
	s22 =	simm.s32 $0x2  }
0x7: {  	s23 =	simm.s32 $0x1380;
	s24 =	simm.s32 $0x2700;
	s25 =	simm.s32 $0x2780  }
0x8: {  	[smem:$0x7FF] =	sst s3;
	s6 =	sand.u32 $0x1, s2;
	s2 =	stileid.u32  }
0x9: {  	s4 =	sadd.s32 $0x14800, s5;
	s9 =	sadd.s32 $0xA800, s5;
	s7 =	smul.u32 $0x140000, s6  }
0xa: {  	s10 =	sadd.s32 $0x800, s5;
	s8 =	smul.u32 $0x14000, s2;
	s11 =	sshll.u32 s2, $0x1  }
0xb: {  	_ =	strace $0x8000004D;
	s28 =	smul.u32 $0x50000, s2;
	s26 =	sor.u32 s6, s11  }
0xc: {  	s6 =	ssub.s32 $0x2, s6;
	s7 =	sadd.s32 s8, s7;
	s8 =	smul.u32 $0x2800, s26  }
0xd: {  	s29 =	sshrl.u32 s6, $0x1;
	s30 =	sshrl.u32 s28, $0x2;
	s7 =	sshrl.u32 s7, $0x3  }
0xe: {  	s31 =	ssub.s32 s6, s29;
	s12 =	sadd.s32 s7, s5;
	s8 =	sshrl.u32 s8, $0x3  }
0xf: {  	s5 =	sadd.s32 s30, s1;
	s11 =	smax.u32 s31, $0x1;
	s6 =	sadd.s32 s9, s8  }
0x10: {  	s7 =	sadd.s32 s10, s8;
	s13 =	sadd.s32 $0x280, s8;
	s14 =	sadd.s32 $0xC000, s5  }
0x11: {  	s15 =	sadd.s32 $0x10000, s5;
	s8 =	sadd.s32 s9, s13;
	s9 =	sadd.s32 s10, s13  }
0x12: {  	v0 =	vimm.f32 $0.0e+00;
	s10 =	sadd.s32 $0x3C800, s12;
	s12 =	sadd.s32 $0x4000, s5;
	s13 =	sadd.s32 $0x8000, s5  }
.LBB2_1:
0x13: {  	s26 =	simm.s32 $0x2840  }
0x14: {  	[tilespmem:s26+$0xFFFFFFC0] =	vst v0  }
0x15: {  	[tilespmem:s26+$0x30] =	vst v0  }
0x16: {  	[tilespmem:s26+$0x20] =	vst v0  }
0x17: {  	[tilespmem:s26+$0x10] =	vst v0  }
0x18: {  	[tilespmem:s26+$0x0] =	vst v0  }
0x19: {  	[tilespmem:s26+$0xFFFFFFF0] =	vst v0  }
0x1a: {  	s28 =	simm.s32 $0x0;
	[tilespmem:s26+$0xFFFFFFE0] =	vst v0  }
.LBB2_2:
0x1b: {  	s28 =	sadd.s32 $0x8, s28;
	[tilespmem:s26+$0xFFFFFFD0] =	vst v0;
	s26 =	sadd.s32 $0x80, s26  }
0x1c: {  	[tilespmem:s26+$0xFFFFFFC0] =	vst v0;
	p0 =	slt.u32 s28, $0x3F8  }
0x1d: {  	[tilespmem:s26+$0x30] =	vst v0  }
.Ltmp0:
0x1e: {  	[tilespmem:s26+$0x20] =	vst v0;
	(pc) =	sbr.rel @p0 .LBB2_2-.Ltmp0, $4  }
0x1f: {  	[tilespmem:s26+$0x10] =	vst v0  }
0x20: {  	[tilespmem:s26+$0x0] =	vst v0  }
0x21: {  	[tilespmem:s26+$0xFFFFFFF0] =	vst v0  }
0x22: {  	[tilespmem:s26+$0xFFFFFFE0] =	vst v0  }
0x23: {  	[tilespmem:s26+$0xFFFFFFD0] =	vst v0  }
0x24: {  	[spmem:s5] =	stream.linear.scatter [tilespmem:s16], [sflag:$0x3], $0x4000, $0x38;
	[tilespmem:$0x1E800] =	vst v63  }
0x25: {  	_ =	swait.ge [sflag:s17], $0x4000  }
0x26: {  	[sflag:s17] =	ssyncset.done $0x0  }
0x27: {  	[sflag:s17] =	ssyncadd.s32 $0xFFFFC000  }
0x28: {  	[spmem:s12] =	stream.linear.scatter [tilespmem:s16], [sflag:$0x3], $0x4000, $0x38;
	[tilespmem:$0x1E800] =	vst v63  }
0x29: {  	_ =	swait.ge [sflag:s17], $0x4000  }
0x2a: {  	[sflag:s17] =	ssyncset.done $0x0  }
0x2b: {  	[sflag:s17] =	ssyncadd.s32 $0xFFFFC000  }
0x2c: {  	[spmem:s13] =	stream.linear.scatter [tilespmem:s16], [sflag:$0x3], $0x4000, $0x38;
	[tilespmem:$0x1E800] =	vst v63  }
0x2d: {  	_ =	swait.ge [sflag:s17], $0x4000  }
0x2e: {  	[sflag:s17] =	ssyncset.done $0x0  }
0x2f: {  	[sflag:s17] =	ssyncadd.s32 $0xFFFFC000  }
0x30: {  	[spmem:s14] =	stream.linear.scatter [tilespmem:s16], [sflag:$0x3], $0x4000, $0x38;
	[tilespmem:$0x1E800] =	vst v63  }
0x31: {  	_ =	swait.ge [sflag:s17], $0x4000  }
0x32: {  	[sflag:s17] =	ssyncset.done $0x0  }
0x33: {  	[sflag:s17] =	ssyncadd.s32 $0xFFFFC000  }
0x34: {  	[spmem:s15] =	stream.linear.scatter [tilespmem:s16], [sflag:$0x3], $0x4000, $0x38;
	[tilespmem:$0x1E800] =	vst v63  }
0x35: {  	_ =	swait.ge [sflag:s17], $0x4000  }
0x36: {  	[sflag:s17] =	ssyncset.done $0x0  }
0x37: {  	[sflag:s17] =	ssyncadd.s32 $0xFFFFC000  }
0x38: {  	s30 =	simm.s32 $0x0;
	[bflag:$0x0] =	sbarrier.arrive $0xFFFF  }
0x39: {  	[tilespmem:s30], [sflag:$0x3] =	stream.linear.gather [hbm4b:s6+s30], $0x1400, $0x38;
	[tilespmem:$0x1E800] =	vst v63  }
0x3a: {  	_ =	swait.ge [sflag:s17], $0x1400  }
0x3b: {  	[sflag:s17] =	ssyncset.done $0x0  }
0x3c: {  	[sflag:s17] =	ssyncadd.s32 $0xFFFFEC00  }
0x3d: {  	[tilespmem:s18], [sflag:$0x3] =	stream.linear.gather [hbm4b:s7+s30], $0x1400, $0x38;
	[tilespmem:$0x1E800] =	vst v63  }
0x3e: {  	_ =	swait.ge [sflag:s17], $0x1400  }
0x3f: {  	[sflag:s17] =	ssyncset.done $0x0  }
0x40: {  	[sflag:s17] =	ssyncadd.s32 $0xFFFFEC00  }
0x41: {  	[tilespmem:s16], [sflag:$0x1] =	stream.indirect.gather [hbm4b:s4+s19], $0x80, s30, s19, $0xb8;
	[tilespmem:$0x1E800] =	vst v63  }
0x42: {  	s31 =	simm.s32 $0x80  }
0x43: {  	[tilespmem:s20], [sflag:$0x2] =	stream.indirect.gather [hbm4b:s4+s19], $0x80, s31, s19, $0xb8;
	[tilespmem:$0x1E800] =	vst v63  }
0x44: {  	_ =	swait.ge [sflag:s21], $0x4000  }
0x45: {  	[sflag:s21] =	ssyncset.done $0x0  }
0x46: {  	s29 =	simm.s32 $0x1400;
	[sflag:s21] =	ssyncadd.s32 $0xFFFFC000  }
0x47: {  	[spmem:s1] =	stream.indirect.scatter.add.f32 [tilespmem:s16], [sflag:$0x3], $0x80, s29, s19, $0xb8;
	[tilespmem:$0x1E800] =	vst v63  }
0x48: {  	_ =	swait.ge [sflag:s17], $0x4000  }
0x49: {  	[sflag:s17] =	ssyncset.done $0x0  }
0x4a: {  	s30 =	simm.s32 $0x100;
	[sflag:s17] =	ssyncadd.s32 $0xFFFFC000  }
0x4b: {  	[tilespmem:s16], [sflag:$0x1] =	stream.indirect.gather [hbm4b:s4+s19], $0x80, s30, s19, $0xb8;
	[tilespmem:$0x1E800] =	vst v63  }
0x4c: {  	_ =	swait.ge [sflag:s22], $0x4000  }
0x4d: {  	[sflag:s22] =	ssyncset.done $0x0  }
0x4e: {  	s31 =	simm.s32 $0x1480;
	[sflag:s22] =	ssyncadd.s32 $0xFFFFC000  }
0x4f: {  	[spmem:s1] =	stream.indirect.scatter.add.f32 [tilespmem:s20], [sflag:$0x3], $0x80, s31, s19, $0xb8;
	[tilespmem:$0x1E800] =	vst v63  }
0x50: {  	_ =	swait.ge [sflag:s17], $0x4000  }
0x51: {  	s28 =	simm.s32 $0x800;
	s26 =	simm.s32 $0x100;
	[sflag:s17] =	ssyncset.done $0x0  }
.LBB2_4:
0x52: {  	s29 =	sadd.s32 $0x80, s26  }
0x53: {  	[sflag:s17] =	ssyncadd.s32 $0xFFFFC000;
	s30 =	smov.u32 s28;
	s31 =	sadd.s32 $0x400, s28  }
0x54: {  	[tilespmem:s20], [sflag:$0x2] =	stream.indirect.gather [hbm4b:s4+s19], $0x80, s29, s19, $0xb8;
	[tilespmem:$0x1E800] =	vst v63  }
0x55: {  	p0 =	sne.s32 s28, $0x4800;
	_ =	swait.ge [sflag:s21], $0x4000  }
0x56: {  	[sflag:s21] =	ssyncset.done $0x0  }
0x57: {  	s28 =	sadd.s32 $0x1400, s26;
	[sflag:s21] =	ssyncadd.s32 $0xFFFFC000  }
0x58: {  	[spmem:s1] =	stream.indirect.scatter.add.f32 [tilespmem:s16], [sflag:$0x3], $0x80, s28, s19, $0xb8;
	[tilespmem:$0x1E800] =	vst v63  }
0x59: {  	_ =	swait.ge [sflag:s17], $0x4000  }
0x5a: {  	[sflag:s17] =	ssyncset.done $0x0  }
0x5b: {  	s28 =	sadd.s32 $0x100, s26;
	[sflag:s17] =	ssyncadd.s32 $0xFFFFC000  }
0x5c: {  	[tilespmem:s16], [sflag:$0x1] =	stream.indirect.gather [hbm4b:s4+s19], $0x80, s28, s19, $0xb8;
	[tilespmem:$0x1E800] =	vst v63  }
0x5d: {  	_ =	swait.ge [sflag:s22], $0x4000  }
.Ltmp1:
0x5e: {  	[sflag:s22] =	ssyncset.done $0x0;
	(pc) =	sbr.rel @p0 .LBB2_4-.Ltmp1, $4  }
0x5f: {  	s26 =	sadd.s32 $0x1480, s26;
	[sflag:s22] =	ssyncadd.s32 $0xFFFFC000  }
0x60: {  	[spmem:s1] =	stream.indirect.scatter.add.f32 [tilespmem:s20], [sflag:$0x3], $0x80, s26, s19, $0xb8;
	[tilespmem:$0x1E800] =	vst v63  }
0x61: {  	_ =	swait.ge [sflag:s17], $0x4000  }
0x62: {  	s28 =	smov.u32 s31;
	s26 =	sshra.s32 s30, $0x2;
	[sflag:s17] =	ssyncset.done $0x0  }
0x63: {  	s28 =	sadd.s32 $0x80, s26;
	[sflag:s17] =	ssyncadd.s32 $0xFFFFC000  }
0x64: {  	[tilespmem:s20], [sflag:$0x2] =	stream.indirect.gather [hbm4b:s4+s19], $0x80, s28, s19, $0xb8;
	[tilespmem:$0x1E800] =	vst v63  }
0x65: {  	_ =	swait.ge [sflag:s21], $0x4000  }
0x66: {  	[sflag:s21] =	ssyncset.done $0x0  }
0x67: {  	s28 =	sadd.s32 $0x1400, s26;
	[sflag:s21] =	ssyncadd.s32 $0xFFFFC000  }
0x68: {  	[spmem:s1] =	stream.indirect.scatter.add.f32 [tilespmem:s16], [sflag:$0x3], $0x80, s28, s19, $0xb8;
	[tilespmem:$0x1E800] =	vst v63  }
0x69: {  	_ =	swait.ge [sflag:s17], $0x4000  }
0x6a: {  	[sflag:s17] =	ssyncset.done $0x0  }
0x6b: {  	s28 =	sadd.s32 $0x100, s26;
	[sflag:s17] =	ssyncadd.s32 $0xFFFFC000  }
0x6c: {  	[tilespmem:s16], [sflag:$0x1] =	stream.indirect.gather [hbm4b:s4+s19], $0x80, s28, s19, $0xb8;
	[tilespmem:$0x1E800] =	vst v63  }
0x6d: {  	_ =	swait.ge [sflag:s22], $0x4000  }
0x6e: {  	[sflag:s22] =	ssyncset.done $0x0  }
0x6f: {  	s29 =	sadd.s32 $0x1480, s26;
	[sflag:s22] =	ssyncadd.s32 $0xFFFFC000  }
0x70: {  	[spmem:s1] =	stream.indirect.scatter.add.f32 [tilespmem:s20], [sflag:$0x3], $0x80, s29, s19, $0xb8;
	[tilespmem:$0x1E800] =	vst v63  }
0x71: {  	_ =	swait.ge [sflag:s17], $0x4000  }
0x72: {  	[sflag:s17] =	ssyncset.done $0x0  }
0x73: {  	[sflag:s17] =	ssyncadd.s32 $0xFFFFC000  }
0x74: {  	[tilespmem:s20], [sflag:$0x2] =	stream.indirect.gather [hbm4b:s4+s19], $0x80, s23, s19, $0xb8;
	[tilespmem:$0x1E800] =	vst v63  }
0x75: {  	_ =	swait.ge [sflag:s21], $0x4000  }
0x76: {  	[sflag:s21] =	ssyncset.done $0x0  }
0x77: {  	[sflag:s21] =	ssyncadd.s32 $0xFFFFC000  }
0x78: {  	[spmem:s1] =	stream.indirect.scatter.add.f32 [tilespmem:s16], [sflag:$0x3], $0x80, s24, s19, $0xb8;
	[tilespmem:$0x1E800] =	vst v63  }
0x79: {  	_ =	swait.ge [sflag:s17], $0x4000  }
0x7a: {  	[sflag:s17] =	ssyncset.done $0x0  }
0x7b: {  	[sflag:s17] =	ssyncadd.s32 $0xFFFFC000  }
0x7c: {  	_ =	swait.ge [sflag:s22], $0x4000  }
0x7d: {  	[sflag:s22] =	ssyncset.done $0x0  }
0x7e: {  	[sflag:s22] =	ssyncadd.s32 $0xFFFFC000  }
0x7f: {  	[spmem:s1] =	stream.indirect.scatter.add.f32 [tilespmem:s20], [sflag:$0x3], $0x80, s25, s19, $0xb8;
	[tilespmem:$0x1E800] =	vst v63  }
0x80: {  	_ =	swait.ge [sflag:s17], $0x4000  }
0x81: {  	[sflag:s17] =	ssyncset.done $0x0  }
0x82: {  	s30 =	simm.s32 $0x0;
	[sflag:s17] =	ssyncadd.s32 $0xFFFFC000  }
0x83: {  	[tilespmem:s30], [sflag:$0x3] =	stream.linear.gather [hbm4b:s8+s30], $0x1400, $0x38;
	[tilespmem:$0x1E800] =	vst v63  }
0x84: {  	_ =	swait.ge [sflag:s17], $0x1400  }
0x85: {  	[sflag:s17] =	ssyncset.done $0x0  }
0x86: {  	[sflag:s17] =	ssyncadd.s32 $0xFFFFEC00  }
0x87: {  	[tilespmem:s18], [sflag:$0x3] =	stream.linear.gather [hbm4b:s9+s30], $0x1400, $0x38;
	[tilespmem:$0x1E800] =	vst v63  }
0x88: {  	_ =	swait.ge [sflag:s17], $0x1400  }
0x89: {  	[sflag:s17] =	ssyncset.done $0x0  }
0x8a: {  	[sflag:s17] =	ssyncadd.s32 $0xFFFFEC00  }
0x8b: {  	[tilespmem:s16], [sflag:$0x1] =	stream.indirect.gather [hbm4b:s4+s19], $0x80, s30, s19, $0xb8;
	[tilespmem:$0x1E800] =	vst v63  }
0x8c: {  	s31 =	simm.s32 $0x80  }
0x8d: {  	[tilespmem:s20], [sflag:$0x2] =	stream.indirect.gather [hbm4b:s4+s19], $0x80, s31, s19, $0xb8;
	[tilespmem:$0x1E800] =	vst v63  }
0x8e: {  	_ =	swait.ge [sflag:s21], $0x4000  }
0x8f: {  	[sflag:s21] =	ssyncset.done $0x0  }
0x90: {  	s29 =	simm.s32 $0x1400;
	[sflag:s21] =	ssyncadd.s32 $0xFFFFC000  }
0x91: {  	[spmem:s1] =	stream.indirect.scatter.add.f32 [tilespmem:s16], [sflag:$0x3], $0x80, s29, s19, $0xb8;
	[tilespmem:$0x1E800] =	vst v63  }
0x92: {  	_ =	swait.ge [sflag:s17], $0x4000  }
0x93: {  	[sflag:s17] =	ssyncset.done $0x0  }
0x94: {  	s30 =	simm.s32 $0x100;
	[sflag:s17] =	ssyncadd.s32 $0xFFFFC000  }
0x95: {  	[tilespmem:s16], [sflag:$0x1] =	stream.indirect.gather [hbm4b:s4+s19], $0x80, s30, s19, $0xb8;
	[tilespmem:$0x1E800] =	vst v63  }
0x96: {  	_ =	swait.ge [sflag:s22], $0x4000  }
0x97: {  	[sflag:s22] =	ssyncset.done $0x0  }
0x98: {  	s31 =	simm.s32 $0x1480;
	[sflag:s22] =	ssyncadd.s32 $0xFFFFC000  }
0x99: {  	[spmem:s1] =	stream.indirect.scatter.add.f32 [tilespmem:s20], [sflag:$0x3], $0x80, s31, s19, $0xb8;
	[tilespmem:$0x1E800] =	vst v63  }
0x9a: {  	_ =	swait.ge [sflag:s17], $0x4000  }
0x9b: {  	s26 =	simm.s32 $0x100;
	s28 =	simm.s32 $0x800;
	[sflag:s17] =	ssyncset.done $0x0  }
.LBB2_6:
0x9c: {  	s29 =	sadd.s32 $0x80, s26  }
0x9d: {  	[sflag:s17] =	ssyncadd.s32 $0xFFFFC000;
	s30 =	smov.u32 s28;
	s31 =	sadd.s32 $0x400, s28  }
0x9e: {  	[tilespmem:s20], [sflag:$0x2] =	stream.indirect.gather [hbm4b:s4+s19], $0x80, s29, s19, $0xb8;
	[tilespmem:$0x1E800] =	vst v63  }
0x9f: {  	p0 =	sne.s32 s28, $0x4800;
	_ =	swait.ge [sflag:s21], $0x4000  }
0xa0: {  	[sflag:s21] =	ssyncset.done $0x0  }
0xa1: {  	s28 =	sadd.s32 $0x1400, s26;
	[sflag:s21] =	ssyncadd.s32 $0xFFFFC000  }
0xa2: {  	[spmem:s1] =	stream.indirect.scatter.add.f32 [tilespmem:s16], [sflag:$0x3], $0x80, s28, s19, $0xb8;
	[tilespmem:$0x1E800] =	vst v63  }
0xa3: {  	_ =	swait.ge [sflag:s17], $0x4000  }
0xa4: {  	[sflag:s17] =	ssyncset.done $0x0  }
0xa5: {  	s28 =	sadd.s32 $0x100, s26;
	[sflag:s17] =	ssyncadd.s32 $0xFFFFC000  }
0xa6: {  	[tilespmem:s16], [sflag:$0x1] =	stream.indirect.gather [hbm4b:s4+s19], $0x80, s28, s19, $0xb8;
	[tilespmem:$0x1E800] =	vst v63  }
0xa7: {  	_ =	swait.ge [sflag:s22], $0x4000  }
.Ltmp2:
0xa8: {  	[sflag:s22] =	ssyncset.done $0x0;
	(pc) =	sbr.rel @p0 .LBB2_6-.Ltmp2, $4  }
0xa9: {  	s26 =	sadd.s32 $0x1480, s26;
	[sflag:s22] =	ssyncadd.s32 $0xFFFFC000  }
0xaa: {  	[spmem:s1] =	stream.indirect.scatter.add.f32 [tilespmem:s20], [sflag:$0x3], $0x80, s26, s19, $0xb8;
	[tilespmem:$0x1E800] =	vst v63  }
0xab: {  	_ =	swait.ge [sflag:s17], $0x4000  }
0xac: {  	s28 =	smov.u32 s31;
	s26 =	sshra.s32 s30, $0x2;
	[sflag:s17] =	ssyncset.done $0x0  }
0xad: {  	s28 =	sadd.s32 $0x80, s26;
	[sflag:s17] =	ssyncadd.s32 $0xFFFFC000  }
0xae: {  	[tilespmem:s20], [sflag:$0x2] =	stream.indirect.gather [hbm4b:s4+s19], $0x80, s28, s19, $0xb8;
	[tilespmem:$0x1E800] =	vst v63  }
0xaf: {  	_ =	swait.ge [sflag:s21], $0x4000  }
0xb0: {  	[sflag:s21] =	ssyncset.done $0x0  }
0xb1: {  	s30 =	sadd.s32 $0x1400, s26;
	[sflag:s21] =	ssyncadd.s32 $0xFFFFC000  }
0xb2: {  	[spmem:s1] =	stream.indirect.scatter.add.f32 [tilespmem:s16], [sflag:$0x3], $0x80, s30, s19, $0xb8;
	[tilespmem:$0x1E800] =	vst v63  }
0xb3: {  	_ =	swait.ge [sflag:s17], $0x4000  }
0xb4: {  	[sflag:s17] =	ssyncset.done $0x0  }
0xb5: {  	s31 =	sadd.s32 $0x100, s26;
	[sflag:s17] =	ssyncadd.s32 $0xFFFFC000  }
0xb6: {  	[tilespmem:s16], [sflag:$0x1] =	stream.indirect.gather [hbm4b:s4+s19], $0x80, s31, s19, $0xb8;
	[tilespmem:$0x1E800] =	vst v63  }
0xb7: {  	_ =	swait.ge [sflag:s22], $0x4000  }
0xb8: {  	[sflag:s22] =	ssyncset.done $0x0  }
0xb9: {  	s29 =	sadd.s32 $0x1480, s26;
	[sflag:s22] =	ssyncadd.s32 $0xFFFFC000  }
0xba: {  	[spmem:s1] =	stream.indirect.scatter.add.f32 [tilespmem:s20], [sflag:$0x3], $0x80, s29, s19, $0xb8;
	[tilespmem:$0x1E800] =	vst v63  }
0xbb: {  	_ =	swait.ge [sflag:s17], $0x4000  }
0xbc: {  	[sflag:s17] =	ssyncset.done $0x0  }
0xbd: {  	[sflag:s17] =	ssyncadd.s32 $0xFFFFC000  }
0xbe: {  	[tilespmem:s20], [sflag:$0x2] =	stream.indirect.gather [hbm4b:s4+s19], $0x80, s23, s19, $0xb8;
	[tilespmem:$0x1E800] =	vst v63  }
0xbf: {  	_ =	swait.ge [sflag:s21], $0x4000  }
0xc0: {  	[sflag:s21] =	ssyncset.done $0x0  }
0xc1: {  	[sflag:s21] =	ssyncadd.s32 $0xFFFFC000  }
0xc2: {  	[spmem:s1] =	stream.indirect.scatter.add.f32 [tilespmem:s16], [sflag:$0x3], $0x80, s24, s19, $0xb8;
	[tilespmem:$0x1E800] =	vst v63  }
0xc3: {  	_ =	swait.ge [sflag:s17], $0x4000  }
0xc4: {  	[sflag:s17] =	ssyncset.done $0x0  }
0xc5: {  	[sflag:s17] =	ssyncadd.s32 $0xFFFFC000  }
0xc6: {  	_ =	swait.ge [sflag:s22], $0x4000  }
0xc7: {  	[sflag:s22] =	ssyncset.done $0x0  }
0xc8: {  	[sflag:s22] =	ssyncadd.s32 $0xFFFFC000  }
0xc9: {  	[spmem:s1] =	stream.indirect.scatter.add.f32 [tilespmem:s20], [sflag:$0x3], $0x80, s25, s19, $0xb8;
	[tilespmem:$0x1E800] =	vst v63  }
0xca: {  	_ =	swait.ge [sflag:s17], $0x4000  }
0xcb: {  	s3 =	sadd.s32 $0x1, s3;
	s30 =	sshll.u32 s2, $0x6;
	[sflag:s17] =	ssyncset.done $0x0  }
0xcc: {  	p0 =	sne.s32 s3, s11;
	s26 =	sor.u32 $0x1C03, s30;
	[sflag:s17] =	ssyncadd.s32 $0xFFFFC000  }
.Ltmp3:
0xcd: {  	s31 =	sshrl.u32 s5, $0x3;
	[bflag:$0x0] =	sbarrier.arrive $0xFFFF;
	(pc) =	sbr.rel @p0 .LBB2_1-.Ltmp3, $4  }
0xce: {  	[hbm:s10], [sflag:s26] =	dma.local [spmem:s31], $0x2800  }
0xcf: {  	_ =	swait.ge [sflag:s17], $0x2800  }
0xd0: {  	[sflag:s17] =	ssyncset.done $0x0  }
0xd1: {  	[sflag:s17] =	ssyncadd.s32 $0xFFFFD800  }
0xd2: {  	_ =	sfence.sel $0x180000  }
0xd3: {  	[bflag:$0x0] =	sbarrier.arrive $0xFFFF  }
0xd4: {  	p0 =	sne.s32 s2, $0x0;
	_ =	strace $0x9000004D  }
0xd5: {  	s0 =	sadd.s32 @!p0 $0x100000, s0;
	[bflag:$0x2] =	sbarrier.arrive $0xFFFF  }
0xd6: {  	[sflag:s0] =	ssyncadd.tile.s32 @!p0 $0x1;
	_ =	shalt  }
.Lfunc_end2:
_tile_overlayer_lowered:
.L_overlay_start_2:
0xd7: {  	(tag) =	ssettag $0x2  }
0xd8: {  	s0 =	rddreg [dreg:$0x0];
	s2 =	stileid.u32  }
0xd9: {  	s1 =	rddreg [dreg:$0x1];
	p0 =	sne.s32 s2, $0x0  }
0xda: {  	s3 =	rddreg [dreg:$0x2];
	[bflag:$0x3] =	sbarrier.arrive $0xFFFF;
	s2 =	simm.s32 @!p0 $0x1C03  }
0xdb: {  	[timem:s3], [sflag:s2] =	dma.local @!p0 [hbm:s0], s1  }
0xdc: {  	s0 =	simm.s32 @!p0 $0x3  }
0xdd: {  	_ =	swait.ge @!p0 [sflag:s0], s1  }
0xde: {  	s1 =	ssub.s32 @!p0 $0x0, s1;
	[sflag:s0] =	ssyncset.done @!p0 $0x0  }
0xdf: {  	[sflag:s0] =	ssyncadd.s32 @!p0 s1  }
0xe0: {  	[bflag:$0x3] =	sbarrier.arrive $0xFFFF  }
0xe1: {  	_ =	shalt  }

// kernel: kernel.18.cloned.1.call-start
scs
__scs_entry_jumppad:
0x0: {  	(pc) =	sbr.rel $0x88, $3  }
0x1: {  	(tag) =	ssettag $0x0;
	lr =	simm.s32 $0x1  }
0x2: {  	[smem:$0x3F97] =	sst lr;
	_ =	strace $0xD0000000  }
0x3: {  	_ = 	snop  }
0x4: {  	_ = 	snop  }
0x5: {  	_ = 	snop  }
0x6: {  	_ = 	snop  }
0x7: {  	_ = 	snop  }
__scs_overlays_trampoline_lowered:
0x8: {  	[smem:$0x3FA6] =	sst s0  }
0x9: {  	[smem:$0x3FA7] =	sst s1  }
0xa: {  	[smem:$0x3FA8] =	sst s2  }
0xb: {  	[smem:$0x3FA9] =	sst s3  }
0xc: {  	[smem:$0x3FAA] =	sst s4  }
0xd: {  	[smem:$0x3FAB] =	sst s5  }
0xe: {  	[smem:$0x3FAC] =	sst s6  }
0xf: {  	[smem:$0x3FAD] =	sst s7  }
0x10: {  	[smem:$0x3FAE] =	sst s8  }
0x11: {  	[smem:$0x3FAF] =	sst s9;
	s0 =	simm.s32 @!p0 $0x0  }
0x12: {  	s1 =	sld [smem:$0x3F95];
	s0 =	simm.s32 @p0 $0x1  }
0x13: {  	[smem:$0x3FB0] =	sst s0;
	s0 =	simm.s32 @!p1 $0x0  }
0x14: {  	s2 =	sld [smem:$0x3F94];
	s0 =	simm.s32 @p1 $0x1  }
0x15: {  	[smem:$0x3FB1] =	sst s0;
	s0 =	simm.s32 @!p2 $0x0  }
0x16: {  	s3 =	sld [smem:$0x3FDB];
	s0 =	simm.s32 @p2 $0x1  }
0x17: {  	s4 =	simm.s32 $0x1BF5;
	[smem:$0x3FB3] =	sst s0  }
0x18: {  	s0 =	sld [smem:$0x3F96];
	_ =	swait.ge [sflag:s4], $0x0  }
0x19: {  	s7 =	sld [smem:$0x3F97]  }
0x1a: {  	s8 =	sadd.s32 $0xFFFFE003, lr  }
0x1b: {  	s9 =	sadd.s32 $0xFFFFFEF7, lr;
	s5 =	simm.s32 $0xFFFFFFFF;
	p2 =	slt.u32 s8, $0xFFFFF086  }
0x1c: {  	p1 =	slt.u32 s9, $0xF7A;
	s5 =	simm.s32 @!p2 $0x0  }
0x1d: {  	s5 =	simm.s32 @p1 $0x1;
	p0 =	seq.s32 s7, s2  }
0x1e: {  	s7 =	smul.u32 @!p0 $0xF7A, s2;
	p2 =	seq.s32 @!p0 s5, $0x0  }
0x1f: {  	s9 =	smul.u32 $0xF7A, s1;
	s8 =	simm.s32 @!p0 $0x1BF5;
	p2 =	por !p2, p0  }
0x20: {  	[sflag:s8] =	ssyncset.s32 @!p0 $0xFFFFF086;
	s6 =	sadd.s32 @!p0 s3, s7;
	s7 =	simm.s32 @!p0 $0x108  }
0x21: {  	s3 =	sadd.s32 s3, s9;
	s6 =	sadd.s32 @!p0 $0x88, s6;
	s7 =	simm.s32 @p2 $0x1082  }
0x22: {  	[simem:s7], [sflag:s8] =	dma.local @!p0 [hbm:s6], $0xF7A  }
0x23: {  	s9 =	sor.u32 $0xD0000000, s2;
	s6 =	simm.s32 $0x108;
	_ =	swait.ge @!p0 [sflag:s8], $0x0  }
0x24: {  	s3 =	sadd.s32 $0x88, s3;
	s6 =	simm.s32 @!p1 $0x1082;
	[sflag:s4] =	ssyncset.s32 $0xFFFFF086  }
0x25: {  	[simem:s6], [sflag:s4] =	dma.local [hbm:s3], $0xF7A  }
0x26: {  	[smem:$0x3F97] =	sst s1;
	(tag) =	ssettag s2;
	_ =	strace s9  }
0x27: {  	s1 =	sld [smem:$0x3FA7]  }
0x28: {  	s2 =	sld [smem:$0x3FA8]  }
0x29: {  	s4 =	sld [smem:$0x3FAA]  }
0x2a: {  	p0 =	seq.s32 s5, $0x0;
	s5 =	sld [smem:$0x3FAB]  }
0x2b: {  	s6 =	sld [smem:$0x3FAC]  }
0x2c: {  	s7 =	sld [smem:$0x3FAD]  }
0x2d: {  	s3 =	simm.s32 $0x108;
	s8 =	sld [smem:$0x3FAE]  }
0x2e: {  	s3 =	simm.s32 @!p0 $0x1082;
	s9 =	sld [smem:$0x3FAF]  }
0x2f: {  	lr =	sadd.s32 s0, s3;
	s0 =	sld [smem:$0x3FA6]  }
0x30: {  	s3 =	sld [smem:$0x3FA9]  }
0x31: {  	[smem:$0x3FB2] =	sst s10  }
0x32: {  	s10 =	sld [smem:$0x3FB0];
	_ =	sdelay $0x3  }
0x33: {  	p0 =	seq.s32 s10, $0x1;
	s10 =	sld [smem:$0x3FB2];
	_ =	sdelay $0x3  }
0x34: {  	[smem:$0x3FB2] =	sst s10  }
0x35: {  	s10 =	sld [smem:$0x3FB1];
	_ =	sdelay $0x3  }
0x36: {  	p1 =	seq.s32 s10, $0x1;
	s10 =	sld [smem:$0x3FB2];
	_ =	sdelay $0x3  }
0x37: {  	[smem:$0x3FB2] =	sst s10  }
0x38: {  	s10 =	sld [smem:$0x3FB3]  }
0x39: {  	_ = 	snop;
	(pc) =	sbr.ind lr, $3  }
0x3a: {  	_ = 	snop  }
0x3b: {  	_ = 	snop  }
0x3c: {  	p2 =	seq.s32 s10, $0x1;
	s10 =	sld [smem:$0x3FB2]  }
0x3d: {  	_ =	shalt  }
0x3e: {  	_ =	shalt  }
0x3f: {  	_ =	shalt  }
0x40: {  	_ =	shalt  }
0x41: {  	_ =	shalt  }
0x42: {  	_ =	shalt  }
0x43: {  	_ =	shalt  }
0x44: {  	_ =	shalt  }
0x45: {  	_ =	shalt  }
0x46: {  	_ =	shalt  }
0x47: {  	_ =	shalt  }
0x48: {  	_ =	shalt  }
0x49: {  	_ =	shalt  }
0x4a: {  	_ =	shalt  }
0x4b: {  	_ =	shalt  }
0x4c: {  	_ =	shalt  }
0x4d: {  	_ =	shalt  }
0x4e: {  	_ =	shalt  }
0x4f: {  	_ =	shalt  }
0x50: {  	_ =	shalt  }
0x51: {  	_ =	shalt  }
0x52: {  	_ =	shalt  }
0x53: {  	_ =	shalt  }
0x54: {  	_ =	shalt  }
0x55: {  	_ =	shalt  }
0x56: {  	_ =	shalt  }
0x57: {  	_ =	shalt  }
0x58: {  	_ =	shalt  }
0x59: {  	_ =	shalt  }
0x5a: {  	_ =	shalt  }
0x5b: {  	_ =	shalt  }
0x5c: {  	_ =	shalt  }
0x5d: {  	_ =	shalt  }
0x5e: {  	_ =	shalt  }
0x5f: {  	_ =	shalt  }
0x60: {  	_ =	shalt  }
0x61: {  	_ =	shalt  }
0x62: {  	_ =	shalt  }
0x63: {  	_ =	shalt  }
0x64: {  	_ =	shalt  }
0x65: {  	_ =	shalt  }
0x66: {  	_ =	shalt  }
0x67: {  	_ =	shalt  }
0x68: {  	_ =	shalt  }
0x69: {  	_ =	shalt  }
0x6a: {  	_ =	shalt  }
0x6b: {  	_ =	shalt  }
0x6c: {  	_ =	shalt  }
0x6d: {  	_ =	shalt  }
0x6e: {  	_ =	shalt  }
0x6f: {  	_ =	shalt  }
0x70: {  	_ =	shalt  }
0x71: {  	_ =	shalt  }
0x72: {  	_ =	shalt  }
0x73: {  	_ =	shalt  }
0x74: {  	_ =	shalt  }
0x75: {  	_ =	shalt  }
0x76: {  	_ =	shalt  }
0x77: {  	_ =	shalt  }
0x78: {  	_ =	shalt  }
0x79: {  	_ =	shalt  }
0x7a: {  	_ =	shalt  }
0x7b: {  	_ =	shalt  }
0x7c: {  	_ =	shalt  }
0x7d: {  	_ =	shalt  }
0x7e: {  	_ =	shalt  }
0x7f: {  	_ =	shalt  }
0x80: {  	_ =	shalt  }
0x81: {  	_ =	shalt  }
0x82: {  	_ =	shalt  }
0x83: {  	_ =	shalt  }
0x84: {  	_ =	shalt  }
0x85: {  	_ =	shalt  }
0x86: {  	_ =	shalt  }
0x87: {  	_ =	shalt  }
.Lfunc_end0:
.L_simem_size_0:
called_computation.3_lowered:
.L_overlay_start_0:
0x88: {  	s2 =	sld [smem:$0x3FD9]  }
0x89: {  	s3 =	sld [smem:$0x3FFE];
	_ =	sdelay $0x1  }
0x8a: {  	s1 =	srdreg.scid  }
0x8b: {  	s0 =	sand.u32 $0x1, s1  }
0x8c: {  	s14 =	sshll.u32 s0, $0xA;
	s2 =	sadd.s32 s3, s2  }
0x8d: {  	s2 =	sadd.s32 s2, s14  }
0x8e: {  	[smem:$0x3FBE] =	sst s2  }
0x8f: {  	_ = 	snop  }
0x90: {  	s2 =	sld [smem:$0x3FD0];
	_ =	sdelay $0x2  }
0x91: {  	s15 =	simm.s32 $0xA;
	s4 =	simm.s32 $0x10  }
0x92: {  	[smem:s4], [sflag:s15] =	dma.local [hbm:s2], $0x1  }
0x93: {  	_ =	swait.eq [sflag:s15], $0x1  }
0x94: {  	[sflag:s15] =	ssyncset.done $0x0  }
0x95: {  	s16 =	sld [smem:$0x10];
	[sflag:s15] =	ssyncadd.s32 $0xFFFFFFFF  }
0x96: {  	s17 =	sld [smem:$0x11];
	(tm) =	ssettm $0x1  }
0x97: {  	s18 =	sld [smem:$0x3FFB];
	_ =	sdelay $0x3  }
0x98: {  	_ =	strace s18  }
0x99: {  	s4 =	sld [smem:$0x3FFC];
	_ =	sdelay $0x3  }
0x9a: {  	_ =	strace s4  }
0x9b: {  	s4 =	sld [smem:$0x3FFD];
	_ =	sdelay $0x3  }
0x9c: {  	_ =	strace s4  }
0x9d: {  	_ =	strace $0x8FFFFFFF  }
0x9e: {  	s19 =	sld [smem:$0x3FDB];
	_ =	sdelay $0x1  }
0x9f: {  	s5 =	simm.s32 $_scs_section_size  }
0xa0: {  	s6 =	simm.s32 $_size__tile_overlayer_lowered;
	s7 =	simm.s32 $_tile_overlayer_lowered  }
0xa1: {  	s22 =	simm.s32 $0x1BFF;
	s21 =	sshll.u32 s7, $0x1;
	s4 =	sadd.s32 s5, s19  }
0xa2: {  	s8 =	simm.s32 $0x0;
	s20 =	sshll.u32 s6, $0x1;
	s6 =	sadd.s32 s21, s4  }
0xa3: {  	[timem:s8], [sflag:s22] =	dma.local [hbm:s6], s20  }
0xa4: {  	_ =	swait.ge [sflag:s22], s20  }
0xa5: {  	s5 =	ssub.s32 $0x0, s20;
	[sflag:s22] =	ssyncset.done $0x0  }
0xa6: {  	[sflag:s22] =	ssyncadd.s32 s5;
	_ =	sdelay $0x1  }
0xa7: {  	s23 =	simm.s32 $0x1B8B  }
0xa8: {  	_ =	swait.ge [sflag:s23], $0x1  }
0xa9: {  	[sflag:s23] =	ssyncset.done $0x0  }
0xaa: {  	s25 =	simm.s32 $0x1B8E;
	s24 =	sld [smem:$0x3FFE];
	[sflag:s23] =	ssyncadd.s32 $0xFFFFFFFF  }
0xab: {  	s26 =	simm.s32 $execute0_lowered;
	[smem:$0x3FD2] =	sst s25  }
0xac: {  	s6 =	sshll.u32 s26, $0x1;
	_ =	strace $0x8000004F;
	[dreg:$0x1] =	wrdreg $0xFFFFFFFF  }
0xad: {  	s28 =	simm.s32 $_size_execute0_lowered;
	s4 =	sadd.s32 s4, s6;
	[dreg:$0x0] =	wrdreg $0x0  }
0xae: {  	s6 =	sshll.u32 s28, $0x1;
	[dreg:$0x2] =	wrdreg s4  }
0xaf: {  	[dreg:$0x3] =	wrdreg s6  }
0xb0: {  	[dreg:$0x4] =	wrdreg $0xC0  }
0xb1: {  	_ =	task [dreg:s8], $0x5FFFF  }
0xb2: {  	[dreg:$0x1] =	wrdreg $0xFFFFFFFF  }
0xb3: {  	[dreg:$0x0] =	wrdreg $0x60  }
0xb4: {  	[dreg:$0x2] =	wrdreg s16  }
0xb5: {  	[dreg:$0x3] =	wrdreg s17  }
0xb6: {  	[dreg:$0x4] =	wrdreg s24  }
0xb7: {  	[dreg:$0x5] =	wrdreg $0x9  }
0xb8: {  	_ =	task.clear_ibuf [dreg:s8], $0x6FFFF;
	_ =	strace $0x9000004F  }
0xb9: {  	s29 =	simm.s32 $0x9;
	_ =	strace $0x80000051  }
0xba: {  	_ =	swait.ge [sflag:s29], $0x1  }
0xbb: {  	[sflag:s29] =	ssyncadd.s32 $0xFFFFFFFF  }
0xbc: {  	_ =	strace $0x90000051  }
0xbd: {  	_ =	sfence  }
0xbe: {  	s30 =	sld [smem:$0x0];
	_ =	sdelay $0x2  }
0xbf: {  	s31 =	sshll.u32 s1, $0xD;
	s1 =	sshrl.u32 s1, $0x2  }
0xc0: {  	s3 =	sand.u32 $0x4000, s31;
	s1 =	sadd.s32 s1, s30  }
0xc1: {  	s0 =	sor.u32 s3, s0;
	s1 =	sshll.u32 s1, $0x11  }
0xc2: {  	s0 =	sor.u32 s1, s0  }
0xc3: {  	s0 =	sadd.s32 $0x8F2B, s0  }
0xc4: {  	[sflag:s0] =	ssyncadd.remote.s32 $0x1  }
0xc5: {  	_ =	sfence.sel $0xFFFF  }
0xc6: {  	[dreg:$0x0] =	wrdreg $0xFFFFFFFF;
	(pc) =	sbr.abs _section_cstart, $3  }
0xc7: {  	[dreg:$0x1] =	wrdreg $0xFFFFFFFF  }
0xc8: {  	_ =	task.clear_ibuf [dreg:s8], $0x2FFFF;
	_ =	strace $0x9FFFFFFF  }
0xc9: {  	(tm) =	ssettm $0x7FFFFFFF  }
tec
execute0_lowered:
.L_overlay_start_1:
0x0: {  	(tag) =	ssettag $0x1  }
0x1: {  	s1 =	rddreg [dreg:$0x0];
	s2 =	srdreg.scid  }
0x2: {  	s0 =	stileid.u32;
	s3 =	rddreg [dreg:$0x1]  }
0x3: {  	s6 =	rddreg [dreg:$0x2];
	s4 =	simm.s32 $0x0;
	s10 =	simm.s32 $0x1C00  }
0x4: {  	s11 =	simm.s32 $0x80;
	s12 =	simm.s32 $0x3800;
	s13 =	simm.s32 $0x3880  }
0x5: {  	s14 =	simm.s32 $0x3900;
	s15 =	simm.s32 $0x3980;
	s16 =	simm.s32 $0x1  }
0x6: {  	s17 =	simm.s32 $0x2;
	s5 =	sand.u32 $0x1, s2;
	s31 =	sshll.u32 s0, $0x1  }
0x7: {  	s18 =	simm.s32 $0x3A00;
	s19 =	simm.s32 $0x0;
	s7 =	sor.u32 s5, s31  }
0x8: {  	s2 =	rddreg [dreg:$0x3];
	s5 =	ssub.s32 $0x2, s5;
	s8 =	smul.u32 $0x380, s7  }
0x9: {  	[smem:$0x7FF] =	sst s4;
	s7 =	smul.u32 $0x320, s7;
	s9 =	sshrl.u32 s5, $0x1  }
0xa: {  	_ =	strace $0x80000050;
	s9 =	ssub.s32 s5, s9;
	s8 =	sadd.s32 s8, s6  }
0xb: {  	s7 =	sadd.s32 s7, s6;
	s5 =	sadd.s32 $0x8C800, s8;
	s6 =	sadd.s32 $0x93800, s8  }
0xc: {  	s7 =	sadd.s32 $0x800, s7;
	s8 =	smax.u32 s9, $0x1;
	s9 =	simm.s32 $0x3  }
.LBB2_1:
0xd: {  	[tilespmem:s4], [sflag:$0x3] =	stream.linear.gather [hbm4b:s5+s4], $0x1900, $0x38;
	[tilespmem:$0x5300] =	vst v63  }
0xe: {  	_ =	swait.ge [sflag:s9], $0x1900  }
0xf: {  	[sflag:s9] =	ssyncset.done $0x0  }
0x10: {  	[sflag:s9] =	ssyncadd.s32 $0xFFFFE700  }
0x11: {  	[tilespmem:s10], [sflag:$0x3] =	stream.linear.gather [hbm4b:s6+s4], $0x1900, $0x38;
	[tilespmem:$0x5300] =	vst v63  }
0x12: {  	_ =	swait.ge [sflag:s9], $0x1900  }
0x13: {  	[sflag:s9] =	ssyncset.done $0x0  }
0x14: {  	[sflag:s9] =	ssyncadd.s32 $0xFFFFE700  }
0x15: {  	[tilespmem:s12], [sflag:$0x1] =	stream.indirect.gather [hbm4b:s1+s11], $0x1, s4, s11, $0xb8;
	[tilespmem:$0x5300] =	vst v63  }
0x16: {  	_ = 	snop  }
0x17: {  	[tilespmem:s13], [sflag:$0x1] =	stream.indirect.gather [hbm4b:s3+s11], $0x1, s10, s11, $0xb8;
	[tilespmem:$0x5300] =	vst v63  }
0x18: {  	s20 =	simm.s32 $0x80  }
0x19: {  	[tilespmem:s14], [sflag:$0x2] =	stream.indirect.gather [hbm4b:s1+s11], $0x1, s20, s11, $0xb8;
	[tilespmem:$0x5300] =	vst v63  }
0x1a: {  	s31 =	simm.s32 $0x1C80  }
0x1b: {  	[tilespmem:s15], [sflag:$0x2] =	stream.indirect.gather [hbm4b:s3+s11], $0x1, s31, s11, $0xb8;
	[tilespmem:$0x5300] =	vst v63  }
0x1c: {  	_ =	swait.ge [sflag:s16], $0x80  }
0x1d: {  	[sflag:s16] =	ssyncset.done $0x0  }
0x1e: {  	[sflag:s16] =	ssyncadd.s32 $0xFFFFFF80  }
0x1f: {  	_ =	swait.ge [sflag:s16], $0x80  }
0x20: {  	[sflag:s16] =	ssyncset.done $0x0  }
0x21: {  	[sflag:s16] =	ssyncadd.s32 $0xFFFFFF80  }
0x22: {  	v0 =	vld [tilespmem:$0x3800]  }
0x23: {  	v1 =	vld [tilespmem:$0x3880];
	_ =	sdelay $0x4  }
0x24: {  	v0 =	vadd.f32 v1, v0  }
0x25: {  	s20 =	simm.s32 $0x0  }
0x26: {  	[tilespmem:s20+$0x3A00] =	vst v0  }
0x27: {  	v0 =	vld [tilespmem:$0x3810]  }
0x28: {  	v1 =	vld [tilespmem:$0x3890];
	_ =	sdelay $0x4  }
0x29: {  	v0 =	vadd.f32 v1, v0;
	_ =	sdelay $0x1  }
0x2a: {  	[tilespmem:s20+$0x3A10] =	vst v0  }
0x2b: {  	v0 =	vld [tilespmem:$0x3820]  }
0x2c: {  	v1 =	vld [tilespmem:$0x38A0];
	_ =	sdelay $0x4  }
0x2d: {  	v0 =	vadd.f32 v1, v0;
	_ =	sdelay $0x1  }
0x2e: {  	[tilespmem:s20+$0x3A20] =	vst v0  }
0x2f: {  	v0 =	vld [tilespmem:$0x3830]  }
0x30: {  	v1 =	vld [tilespmem:$0x38B0];
	_ =	sdelay $0x4  }
0x31: {  	v0 =	vadd.f32 v1, v0;
	_ =	sdelay $0x1  }
0x32: {  	[tilespmem:s20+$0x3A30] =	vst v0  }
0x33: {  	v0 =	vld [tilespmem:$0x3840]  }
0x34: {  	v1 =	vld [tilespmem:$0x38C0];
	_ =	sdelay $0x4  }
0x35: {  	v0 =	vadd.f32 v1, v0;
	_ =	sdelay $0x1  }
0x36: {  	[tilespmem:s20+$0x3A40] =	vst v0  }
0x37: {  	v0 =	vld [tilespmem:$0x3850]  }
0x38: {  	v1 =	vld [tilespmem:$0x38D0];
	_ =	sdelay $0x4  }
0x39: {  	v0 =	vadd.f32 v1, v0;
	_ =	sdelay $0x1  }
0x3a: {  	[tilespmem:s20+$0x3A50] =	vst v0  }
0x3b: {  	v0 =	vld [tilespmem:$0x3860]  }
0x3c: {  	v1 =	vld [tilespmem:$0x38E0];
	_ =	sdelay $0x4  }
0x3d: {  	v0 =	vadd.f32 v1, v0;
	_ =	sdelay $0x1  }
0x3e: {  	[tilespmem:s20+$0x3A60] =	vst v0  }
0x3f: {  	v0 =	vld [tilespmem:$0x3870]  }
0x40: {  	v1 =	vld [tilespmem:$0x38F0];
	_ =	sdelay $0x4  }
0x41: {  	v0 =	vadd.f32 v1, v0  }
0x42: {  	p0 =	por $0x0, $0x0  }
0x43: {  	s21 =	simm.s32 @!p0 $0x100;
	s22 =	simm.s32 @!p0 $0x80;
	s23 =	simm.s32 @!p0 $0x3800;
	[tilespmem:s20+$0x3A70] =	vst v0  }
0x44: {  	[tilespmem:s23], [sflag:$0x1] =	stream.indirect.gather @!p0 [hbm4b:s1+s22], $0x1, s21, s22, $0xb8;
	[tilespmem:$0x5300] =	vst v63  }
0x45: {  	s21 =	simm.s32 @!p0 $0x1D00;
	s23 =	simm.s32 @!p0 $0x3880  }
0x46: {  	[tilespmem:s23], [sflag:$0x1] =	stream.indirect.gather @!p0 [hbm4b:s3+s22], $0x1, s21, s22, $0xb8;
	[tilespmem:$0x5300] =	vst v63  }
0x47: {  	_ =	swait.ge [sflag:s17], $0x80  }
0x48: {  	[sflag:s17] =	ssyncset.done $0x0  }
0x49: {  	[sflag:s17] =	ssyncadd.s32 $0xFFFFFF80  }
0x4a: {  	_ =	swait.ge [sflag:s17], $0x80  }
0x4b: {  	[sflag:s17] =	ssyncset.done $0x0  }
0x4c: {  	[sflag:s17] =	ssyncadd.s32 $0xFFFFFF80  }
0x4d: {  	v0 =	vld [tilespmem:$0x3900]  }
0x4e: {  	v1 =	vld [tilespmem:$0x3980];
	_ =	sdelay $0x4  }
0x4f: {  	v0 =	vadd.f32 v1, v0;
	_ =	sdelay $0x1  }
0x50: {  	[tilespmem:s20+$0x3A80] =	vst v0  }
0x51: {  	v0 =	vld [tilespmem:$0x3910]  }
0x52: {  	v1 =	vld [tilespmem:$0x3990];
	_ =	sdelay $0x4  }
0x53: {  	v0 =	vadd.f32 v1, v0;
	_ =	sdelay $0x1  }
0x54: {  	[tilespmem:s20+$0x3A90] =	vst v0  }
0x55: {  	v0 =	vld [tilespmem:$0x3920]  }
0x56: {  	v1 =	vld [tilespmem:$0x39A0];
	_ =	sdelay $0x4  }
0x57: {  	v0 =	vadd.f32 v1, v0;
	_ =	sdelay $0x1  }
0x58: {  	[tilespmem:s20+$0x3AA0] =	vst v0  }
0x59: {  	v0 =	vld [tilespmem:$0x3930]  }
0x5a: {  	v1 =	vld [tilespmem:$0x39B0];
	_ =	sdelay $0x4  }
0x5b: {  	v0 =	vadd.f32 v1, v0;
	_ =	sdelay $0x1  }
0x5c: {  	[tilespmem:s20+$0x3AB0] =	vst v0  }
0x5d: {  	v0 =	vld [tilespmem:$0x3940]  }
0x5e: {  	v1 =	vld [tilespmem:$0x39C0];
	_ =	sdelay $0x4  }
0x5f: {  	v0 =	vadd.f32 v1, v0;
	_ =	sdelay $0x1  }
0x60: {  	[tilespmem:s20+$0x3AC0] =	vst v0  }
0x61: {  	v0 =	vld [tilespmem:$0x3950]  }
0x62: {  	v1 =	vld [tilespmem:$0x39D0];
	_ =	sdelay $0x4  }
0x63: {  	v0 =	vadd.f32 v1, v0;
	_ =	sdelay $0x1  }
0x64: {  	[tilespmem:s20+$0x3AD0] =	vst v0  }
0x65: {  	s21 =	simm.s32 $0x400;
	v0 =	vld [tilespmem:$0x3960]  }
.LBB2_2:
0x66: {  	v1 =	vld [tilespmem:$0x39E0];
	s22 =	smov.u32 s21;
	s21 =	sadd.s32 $0x400, s21  }
0x67: {  	p0 =	sne.s32 s21, $0x6400;
	_ =	sdelay $0x3  }
0x68: {  	v0 =	vadd.f32 v1, v0;
	_ =	sdelay $0x1  }
0x69: {  	[tilespmem:s20+$0x3AE0] =	vst v0  }
0x6a: {  	v0 =	vld [tilespmem:$0x3970]  }
0x6b: {  	v1 =	vld [tilespmem:$0x39F0];
	_ =	sdelay $0x4  }
0x6c: {  	v0 =	vadd.f32 v1, v0  }
0x6d: {  	s23 =	sshra.s32 s22, $0x2  }
0x6e: {  	s24 =	sadd.s32 $0x80, s23;
	[tilespmem:s20+$0x3AF0] =	vst v0;
	s20 =	smov.u32 s23  }
0x6f: {  	[tilespmem:s14], [sflag:$0x2] =	stream.indirect.gather [hbm4b:s1+s11], $0x1, s24, s11, $0xb8;
	[tilespmem:$0x5300] =	vst v63  }
0x70: {  	s23 =	sadd.s32 $0x1C80, s20  }
0x71: {  	[tilespmem:s15], [sflag:$0x2] =	stream.indirect.gather [hbm4b:s3+s11], $0x1, s23, s11, $0xb8;
	[tilespmem:$0x5300] =	vst v63  }
0x72: {  	_ =	swait.ge [sflag:s16], $0x80  }
0x73: {  	[sflag:s16] =	ssyncset.done $0x0  }
0x74: {  	[sflag:s16] =	ssyncadd.s32 $0xFFFFFF80  }
0x75: {  	_ =	swait.ge [sflag:s16], $0x80  }
0x76: {  	[sflag:s16] =	ssyncset.done $0x0  }
0x77: {  	[sflag:s16] =	ssyncadd.s32 $0xFFFFFF80  }
0x78: {  	v0 =	vld [tilespmem:$0x3800]  }
0x79: {  	v1 =	vld [tilespmem:$0x3880];
	_ =	sdelay $0x4  }
0x7a: {  	v0 =	vadd.f32 v1, v0;
	_ =	sdelay $0x1  }
0x7b: {  	[tilespmem:s20+$0x3A00] =	vst v0  }
0x7c: {  	v0 =	vld [tilespmem:$0x3810]  }
0x7d: {  	v1 =	vld [tilespmem:$0x3890];
	_ =	sdelay $0x4  }
0x7e: {  	v0 =	vadd.f32 v1, v0;
	_ =	sdelay $0x1  }
0x7f: {  	[tilespmem:s20+$0x3A10] =	vst v0  }
0x80: {  	v0 =	vld [tilespmem:$0x3820]  }
0x81: {  	v1 =	vld [tilespmem:$0x38A0];
	_ =	sdelay $0x4  }
0x82: {  	v0 =	vadd.f32 v1, v0;
	_ =	sdelay $0x1  }
0x83: {  	[tilespmem:s20+$0x3A20] =	vst v0  }
0x84: {  	v0 =	vld [tilespmem:$0x3830]  }
0x85: {  	v1 =	vld [tilespmem:$0x38B0];
	_ =	sdelay $0x4  }
0x86: {  	v0 =	vadd.f32 v1, v0;
	_ =	sdelay $0x1  }
0x87: {  	[tilespmem:s20+$0x3A30] =	vst v0  }
0x88: {  	v0 =	vld [tilespmem:$0x3840]  }
0x89: {  	v1 =	vld [tilespmem:$0x38C0];
	_ =	sdelay $0x4  }
0x8a: {  	v0 =	vadd.f32 v1, v0;
	_ =	sdelay $0x1  }
0x8b: {  	[tilespmem:s20+$0x3A40] =	vst v0  }
0x8c: {  	v0 =	vld [tilespmem:$0x3850]  }
0x8d: {  	v1 =	vld [tilespmem:$0x38D0];
	_ =	sdelay $0x4  }
0x8e: {  	v0 =	vadd.f32 v1, v0;
	_ =	sdelay $0x1  }
0x8f: {  	[tilespmem:s20+$0x3A50] =	vst v0  }
0x90: {  	v0 =	vld [tilespmem:$0x3860]  }
0x91: {  	v1 =	vld [tilespmem:$0x38E0];
	_ =	sdelay $0x4  }
0x92: {  	v0 =	vadd.f32 v1, v0  }
0x93: {  	p1 =	seq.s32 s22, $0x6000  }
0x94: {  	s22 =	sshra.s32 @!p1 s22, $0x2;
	[tilespmem:s20+$0x3A60] =	vst v0  }
0x95: {  	s25 =	simm.s32 @!p1 $0x3800;
	s24 =	simm.s32 @!p1 $0x80;
	s23 =	sadd.s32 @!p1 $0x100, s22;
	v0 =	vld [tilespmem:$0x3870]  }
0x96: {  	s22 =	sadd.s32 @!p1 $0x1D00, s22;
	v1 =	vld [tilespmem:$0x38F0]  }
0x97: {  	s26 =	simm.s32 @!p1 $0x3880;
	_ =	sdelay $0x3  }
0x98: {  	v0 =	vadd.f32 v1, v0;
	_ =	sdelay $0x1  }
0x99: {  	[tilespmem:s20+$0x3A70] =	vst v0  }
0x9a: {  	[tilespmem:s25], [sflag:$0x1] =	stream.indirect.gather @!p1 [hbm4b:s1+s24], $0x1, s23, s24, $0xb8;
	[tilespmem:$0x5300] =	vst v63  }
0x9b: {  	_ = 	snop  }
0x9c: {  	[tilespmem:s26], [sflag:$0x1] =	stream.indirect.gather @!p1 [hbm4b:s3+s24], $0x1, s22, s24, $0xb8;
	[tilespmem:$0x5300] =	vst v63  }
0x9d: {  	_ =	swait.ge [sflag:s17], $0x80  }
0x9e: {  	[sflag:s17] =	ssyncset.done $0x0  }
0x9f: {  	[sflag:s17] =	ssyncadd.s32 $0xFFFFFF80  }
0xa0: {  	_ =	swait.ge [sflag:s17], $0x80  }
0xa1: {  	[sflag:s17] =	ssyncset.done $0x0  }
0xa2: {  	[sflag:s17] =	ssyncadd.s32 $0xFFFFFF80  }
0xa3: {  	v0 =	vld [tilespmem:$0x3900]  }
0xa4: {  	v1 =	vld [tilespmem:$0x3980];
	_ =	sdelay $0x4  }
0xa5: {  	v0 =	vadd.f32 v1, v0;
	_ =	sdelay $0x1  }
0xa6: {  	[tilespmem:s20+$0x3A80] =	vst v0  }
0xa7: {  	v0 =	vld [tilespmem:$0x3910]  }
0xa8: {  	v1 =	vld [tilespmem:$0x3990];
	_ =	sdelay $0x4  }
0xa9: {  	v0 =	vadd.f32 v1, v0;
	_ =	sdelay $0x1  }
0xaa: {  	[tilespmem:s20+$0x3A90] =	vst v0  }
0xab: {  	v0 =	vld [tilespmem:$0x3920]  }
0xac: {  	v1 =	vld [tilespmem:$0x39A0];
	_ =	sdelay $0x4  }
0xad: {  	v0 =	vadd.f32 v1, v0;
	_ =	sdelay $0x1  }
0xae: {  	[tilespmem:s20+$0x3AA0] =	vst v0  }
0xaf: {  	v0 =	vld [tilespmem:$0x3930]  }
0xb0: {  	v1 =	vld [tilespmem:$0x39B0];
	_ =	sdelay $0x4  }
0xb1: {  	v0 =	vadd.f32 v1, v0;
	_ =	sdelay $0x1  }
0xb2: {  	[tilespmem:s20+$0x3AB0] =	vst v0  }
0xb3: {  	v0 =	vld [tilespmem:$0x3940]  }
0xb4: {  	v1 =	vld [tilespmem:$0x39C0];
	_ =	sdelay $0x4  }
0xb5: {  	v0 =	vadd.f32 v1, v0;
	_ =	sdelay $0x1  }
0xb6: {  	[tilespmem:s20+$0x3AC0] =	vst v0  }
0xb7: {  	v0 =	vld [tilespmem:$0x3950]  }
0xb8: {  	v1 =	vld [tilespmem:$0x39D0];
	_ =	sdelay $0x3  }
.Ltmp0:
0xb9: {  	(pc) =	sbr.rel @p0 .LBB2_2-.Ltmp0, $3  }
0xba: {  	v0 =	vadd.f32 v1, v0;
	_ =	sdelay $0x1  }
0xbb: {  	[tilespmem:s20+$0x3AD0] =	vst v0  }
0xbc: {  	v0 =	vld [tilespmem:$0x3960]  }
0xbd: {  	v1 =	vld [tilespmem:$0x39E0];
	_ =	sdelay $0x4  }
0xbe: {  	v0 =	vadd.f32 v1, v0;
	_ =	sdelay $0x1  }
0xbf: {  	[tilespmem:s20+$0x3AE0] =	vst v0  }
0xc0: {  	v0 =	vld [tilespmem:$0x3970]  }
0xc1: {  	v63 =	vld [tilespmem:$0x39F0];
	_ =	sdelay $0x4  }
0xc2: {  	s19 =	sadd.s32 $0x1, s19;
	v0 =	vadd.f32 v63, v0  }
0xc3: {  	p0 =	sne.s32 s19, s8  }
.Ltmp1:
0xc4: {  	[tilespmem:s20+$0x3AF0] =	vst v0;
	(pc) =	sbr.rel @p0 .LBB2_1-.Ltmp1, $4  }
0xc5: {  	[hbm4b:s7+s4] =	stream.linear.scatter [tilespmem:s18], [sflag:$0x3], $0x1900, $0x38;
	[tilespmem:$0x5300] =	vst v63  }
0xc6: {  	_ =	swait.ge [sflag:s9], $0x1900  }
0xc7: {  	[sflag:s9] =	ssyncset.done $0x0  }
0xc8: {  	[sflag:s9] =	ssyncadd.s32 $0xFFFFE700  }
0xc9: {  	_ =	sfence.sel $0x180000  }
0xca: {  	[bflag:$0x0] =	sbarrier.arrive $0xFFFF  }
0xcb: {  	p0 =	sne.s32 s0, $0x0;
	_ =	strace $0x90000050  }
0xcc: {  	s0 =	sadd.s32 @!p0 $0x100000, s2;
	[bflag:$0x2] =	sbarrier.arrive $0xFFFF  }
0xcd: {  	[sflag:s0] =	ssyncadd.tile.s32 @!p0 $0x1;
	_ =	shalt  }
.Lfunc_end2:
_tile_overlayer_lowered:
.L_overlay_start_2:
0xce: {  	(tag) =	ssettag $0x2  }
0xcf: {  	s0 =	rddreg [dreg:$0x0];
	s2 =	stileid.u32  }
0xd0: {  	s1 =	rddreg [dreg:$0x1];
	p0 =	sne.s32 s2, $0x0  }
0xd1: {  	s3 =	rddreg [dreg:$0x2];
	[bflag:$0x3] =	sbarrier.arrive $0xFFFF;
	s2 =	simm.s32 @!p0 $0x1C03  }
0xd2: {  	[timem:s3], [sflag:s2] =	dma.local @!p0 [hbm:s0], s1  }
0xd3: {  	s0 =	simm.s32 @!p0 $0x3  }
0xd4: {  	_ =	swait.ge @!p0 [sflag:s0], s1  }
0xd5: {  	s1 =	ssub.s32 @!p0 $0x0, s1;
	[sflag:s0] =	ssyncset.done @!p0 $0x0  }
0xd6: {  	[sflag:s0] =	ssyncadd.s32 @!p0 s1  }
0xd7: {  	[bflag:$0x3] =	sbarrier.arrive $0xFFFF  }
0xd8: {  	_ =	shalt  }

// kernel: kernel.9.cloned.1.call-start
scs
__scs_entry_jumppad:
0x0: {  	(pc) =	sbr.rel $0x88, $3  }
0x1: {  	(tag) =	ssettag $0x0;
	lr =	simm.s32 $0x1  }
0x2: {  	[smem:$0x3F97] =	sst lr;
	_ =	strace $0xD0000000  }
0x3: {  	_ = 	snop  }
0x4: {  	_ = 	snop  }
0x5: {  	_ = 	snop  }
0x6: {  	_ = 	snop  }
0x7: {  	_ = 	snop  }
__scs_overlays_trampoline_lowered:
0x8: {  	[smem:$0x3FA6] =	sst s0  }
0x9: {  	[smem:$0x3FA7] =	sst s1  }
0xa: {  	[smem:$0x3FA8] =	sst s2  }
0xb: {  	[smem:$0x3FA9] =	sst s3  }
0xc: {  	[smem:$0x3FAA] =	sst s4  }
0xd: {  	[smem:$0x3FAB] =	sst s5  }
0xe: {  	[smem:$0x3FAC] =	sst s6  }
0xf: {  	[smem:$0x3FAD] =	sst s7  }
0x10: {  	[smem:$0x3FAE] =	sst s8  }
0x11: {  	[smem:$0x3FAF] =	sst s9;
	s0 =	simm.s32 @!p0 $0x0  }
0x12: {  	s1 =	sld [smem:$0x3F95];
	s0 =	simm.s32 @p0 $0x1  }
0x13: {  	[smem:$0x3FB0] =	sst s0;
	s0 =	simm.s32 @!p1 $0x0  }
0x14: {  	s2 =	sld [smem:$0x3F94];
	s0 =	simm.s32 @p1 $0x1  }
0x15: {  	[smem:$0x3FB1] =	sst s0;
	s0 =	simm.s32 @!p2 $0x0  }
0x16: {  	s3 =	sld [smem:$0x3FDB];
	s0 =	simm.s32 @p2 $0x1  }
0x17: {  	s4 =	simm.s32 $0x1BF5;
	[smem:$0x3FB3] =	sst s0  }
0x18: {  	s0 =	sld [smem:$0x3F96];
	_ =	swait.ge [sflag:s4], $0x0  }
0x19: {  	s7 =	sld [smem:$0x3F97]  }
0x1a: {  	s8 =	sadd.s32 $0xFFFFE003, lr  }
0x1b: {  	s9 =	sadd.s32 $0xFFFFFEF7, lr;
	s5 =	simm.s32 $0xFFFFFFFF;
	p2 =	slt.u32 s8, $0xFFFFF086  }
0x1c: {  	p1 =	slt.u32 s9, $0xF7A;
	s5 =	simm.s32 @!p2 $0x0  }
0x1d: {  	s5 =	simm.s32 @p1 $0x1;
	p0 =	seq.s32 s7, s2  }
0x1e: {  	s7 =	smul.u32 @!p0 $0xF7A, s2;
	p2 =	seq.s32 @!p0 s5, $0x0  }
0x1f: {  	s9 =	smul.u32 $0xF7A, s1;
	s8 =	simm.s32 @!p0 $0x1BF5;
	p2 =	por !p2, p0  }
0x20: {  	[sflag:s8] =	ssyncset.s32 @!p0 $0xFFFFF086;
	s6 =	sadd.s32 @!p0 s3, s7;
	s7 =	simm.s32 @!p0 $0x108  }
0x21: {  	s3 =	sadd.s32 s3, s9;
	s6 =	sadd.s32 @!p0 $0x88, s6;
	s7 =	simm.s32 @p2 $0x1082  }
0x22: {  	[simem:s7], [sflag:s8] =	dma.local @!p0 [hbm:s6], $0xF7A  }
0x23: {  	s9 =	sor.u32 $0xD0000000, s2;
	s6 =	simm.s32 $0x108;
	_ =	swait.ge @!p0 [sflag:s8], $0x0  }
0x24: {  	s3 =	sadd.s32 $0x88, s3;
	s6 =	simm.s32 @!p1 $0x1082;
	[sflag:s4] =	ssyncset.s32 $0xFFFFF086  }
0x25: {  	[simem:s6], [sflag:s4] =	dma.local [hbm:s3], $0xF7A  }
0x26: {  	[smem:$0x3F97] =	sst s1;
	(tag) =	ssettag s2;
	_ =	strace s9  }
0x27: {  	s1 =	sld [smem:$0x3FA7]  }
0x28: {  	s2 =	sld [smem:$0x3FA8]  }
0x29: {  	s4 =	sld [smem:$0x3FAA]  }
0x2a: {  	p0 =	seq.s32 s5, $0x0;
	s5 =	sld [smem:$0x3FAB]  }
0x2b: {  	s6 =	sld [smem:$0x3FAC]  }
0x2c: {  	s7 =	sld [smem:$0x3FAD]  }
0x2d: {  	s3 =	simm.s32 $0x108;
	s8 =	sld [smem:$0x3FAE]  }
0x2e: {  	s3 =	simm.s32 @!p0 $0x1082;
	s9 =	sld [smem:$0x3FAF]  }
0x2f: {  	lr =	sadd.s32 s0, s3;
	s0 =	sld [smem:$0x3FA6]  }
0x30: {  	s3 =	sld [smem:$0x3FA9]  }
0x31: {  	[smem:$0x3FB2] =	sst s10  }
0x32: {  	s10 =	sld [smem:$0x3FB0];
	_ =	sdelay $0x3  }
0x33: {  	p0 =	seq.s32 s10, $0x1;
	s10 =	sld [smem:$0x3FB2];
	_ =	sdelay $0x3  }
0x34: {  	[smem:$0x3FB2] =	sst s10  }
0x35: {  	s10 =	sld [smem:$0x3FB1];
	_ =	sdelay $0x3  }
0x36: {  	p1 =	seq.s32 s10, $0x1;
	s10 =	sld [smem:$0x3FB2];
	_ =	sdelay $0x3  }
0x37: {  	[smem:$0x3FB2] =	sst s10  }
0x38: {  	s10 =	sld [smem:$0x3FB3]  }
0x39: {  	_ = 	snop;
	(pc) =	sbr.ind lr, $3  }
0x3a: {  	_ = 	snop  }
0x3b: {  	_ = 	snop  }
0x3c: {  	p2 =	seq.s32 s10, $0x1;
	s10 =	sld [smem:$0x3FB2]  }
0x3d: {  	_ =	shalt  }
0x3e: {  	_ =	shalt  }
0x3f: {  	_ =	shalt  }
0x40: {  	_ =	shalt  }
0x41: {  	_ =	shalt  }
0x42: {  	_ =	shalt  }
0x43: {  	_ =	shalt  }
0x44: {  	_ =	shalt  }
0x45: {  	_ =	shalt  }
0x46: {  	_ =	shalt  }
0x47: {  	_ =	shalt  }
0x48: {  	_ =	shalt  }
0x49: {  	_ =	shalt  }
0x4a: {  	_ =	shalt  }
0x4b: {  	_ =	shalt  }
0x4c: {  	_ =	shalt  }
0x4d: {  	_ =	shalt  }
0x4e: {  	_ =	shalt  }
0x4f: {  	_ =	shalt  }
0x50: {  	_ =	shalt  }
0x51: {  	_ =	shalt  }
0x52: {  	_ =	shalt  }
0x53: {  	_ =	shalt  }
0x54: {  	_ =	shalt  }
0x55: {  	_ =	shalt  }
0x56: {  	_ =	shalt  }
0x57: {  	_ =	shalt  }
0x58: {  	_ =	shalt  }
0x59: {  	_ =	shalt  }
0x5a: {  	_ =	shalt  }
0x5b: {  	_ =	shalt  }
0x5c: {  	_ =	shalt  }
0x5d: {  	_ =	shalt  }
0x5e: {  	_ =	shalt  }
0x5f: {  	_ =	shalt  }
0x60: {  	_ =	shalt  }
0x61: {  	_ =	shalt  }
0x62: {  	_ =	shalt  }
0x63: {  	_ =	shalt  }
0x64: {  	_ =	shalt  }
0x65: {  	_ =	shalt  }
0x66: {  	_ =	shalt  }
0x67: {  	_ =	shalt  }
0x68: {  	_ =	shalt  }
0x69: {  	_ =	shalt  }
0x6a: {  	_ =	shalt  }
0x6b: {  	_ =	shalt  }
0x6c: {  	_ =	shalt  }
0x6d: {  	_ =	shalt  }
0x6e: {  	_ =	shalt  }
0x6f: {  	_ =	shalt  }
0x70: {  	_ =	shalt  }
0x71: {  	_ =	shalt  }
0x72: {  	_ =	shalt  }
0x73: {  	_ =	shalt  }
0x74: {  	_ =	shalt  }
0x75: {  	_ =	shalt  }
0x76: {  	_ =	shalt  }
0x77: {  	_ =	shalt  }
0x78: {  	_ =	shalt  }
0x79: {  	_ =	shalt  }
0x7a: {  	_ =	shalt  }
0x7b: {  	_ =	shalt  }
0x7c: {  	_ =	shalt  }
0x7d: {  	_ =	shalt  }
0x7e: {  	_ =	shalt  }
0x7f: {  	_ =	shalt  }
0x80: {  	_ =	shalt  }
0x81: {  	_ =	shalt  }
0x82: {  	_ =	shalt  }
0x83: {  	_ =	shalt  }
0x84: {  	_ =	shalt  }
0x85: {  	_ =	shalt  }
0x86: {  	_ =	shalt  }
0x87: {  	_ =	shalt  }
.Lfunc_end0:
.L_simem_size_0:
called_computation_lowered:
.L_overlay_start_0:
0x88: {  	s2 =	sld [smem:$0x3FD9]  }
0x89: {  	s3 =	sld [smem:$0x3FFE];
	_ =	sdelay $0x1  }
0x8a: {  	s1 =	srdreg.scid  }
0x8b: {  	s0 =	sand.u32 $0x1, s1  }
0x8c: {  	s14 =	sshll.u32 s0, $0xA;
	s2 =	sadd.s32 s3, s2  }
0x8d: {  	s2 =	sadd.s32 s2, s14  }
0x8e: {  	[smem:$0x3FBE] =	sst s2  }
0x8f: {  	_ = 	snop  }
0x90: {  	s2 =	sld [smem:$0x3FD0];
	_ =	sdelay $0x2  }
0x91: {  	s15 =	simm.s32 $0xA;
	s4 =	simm.s32 $0x10  }
0x92: {  	[smem:s4], [sflag:s15] =	dma.local [hbm:s2], $0x1  }
0x93: {  	_ =	swait.eq [sflag:s15], $0x1  }
0x94: {  	[sflag:s15] =	ssyncset.done $0x0  }
0x95: {  	[sflag:s15] =	ssyncadd.s32 $0xFFFFFFFF  }
0x96: {  	s16 =	sld [smem:$0x10];
	(tm) =	ssettm $0x1  }
0x97: {  	s17 =	sld [smem:$0x3FFB];
	_ =	sdelay $0x3  }
0x98: {  	_ =	strace s17  }
0x99: {  	s3 =	sld [smem:$0x3FFC];
	_ =	sdelay $0x3  }
0x9a: {  	_ =	strace s3  }
0x9b: {  	s3 =	sld [smem:$0x3FFD];
	_ =	sdelay $0x3  }
0x9c: {  	_ =	strace s3  }
0x9d: {  	_ =	strace $0x8FFFFFFF  }
0x9e: {  	s18 =	sld [smem:$0x3FDB];
	_ =	sdelay $0x1  }
0x9f: {  	s19 =	simm.s32 $_scs_section_size  }
0xa0: {  	s5 =	simm.s32 $_size__tile_overlayer_lowered;
	s6 =	simm.s32 $_tile_overlayer_lowered  }
0xa1: {  	s22 =	simm.s32 $0x1BFF;
	s21 =	sshll.u32 s6, $0x1;
	s3 =	sadd.s32 s19, s18  }
0xa2: {  	s7 =	simm.s32 $0x0;
	s20 =	sshll.u32 s5, $0x1;
	s5 =	sadd.s32 s21, s3  }
0xa3: {  	[timem:s7], [sflag:s22] =	dma.local [hbm:s5], s20  }
0xa4: {  	_ =	swait.ge [sflag:s22], s20  }
0xa5: {  	s4 =	ssub.s32 $0x0, s20;
	[sflag:s22] =	ssyncset.done $0x0  }
0xa6: {  	[sflag:s22] =	ssyncadd.s32 s4;
	_ =	sdelay $0x1  }
0xa7: {  	s23 =	simm.s32 $0x1B8B  }
0xa8: {  	_ =	swait.ge [sflag:s23], $0x1  }
0xa9: {  	[sflag:s23] =	ssyncset.done $0x0  }
0xaa: {  	s25 =	simm.s32 $0x1B8E;
	s24 =	sld [smem:$0x3FFE];
	[sflag:s23] =	ssyncadd.s32 $0xFFFFFFFF  }
0xab: {  	s26 =	simm.s32 $execute0_lowered;
	[smem:$0x3FD2] =	sst s25  }
0xac: {  	s5 =	sshll.u32 s26, $0x1;
	_ =	strace $0x80000046;
	[dreg:$0x1] =	wrdreg $0xFFFFFFFF  }
0xad: {  	s28 =	simm.s32 $_size_execute0_lowered;
	s3 =	sadd.s32 s3, s5;
	[dreg:$0x0] =	wrdreg $0x0  }
0xae: {  	s5 =	sshll.u32 s28, $0x1;
	[dreg:$0x2] =	wrdreg s3  }
0xaf: {  	[dreg:$0x3] =	wrdreg s5  }
0xb0: {  	[dreg:$0x4] =	wrdreg $0xC0  }
0xb1: {  	_ =	task [dreg:s7], $0x5FFFF  }
0xb2: {  	[dreg:$0x1] =	wrdreg $0xFFFFFFFF  }
0xb3: {  	[dreg:$0x0] =	wrdreg $0x60  }
0xb4: {  	[dreg:$0x2] =	wrdreg s24  }
0xb5: {  	[dreg:$0x3] =	wrdreg s16  }
0xb6: {  	[dreg:$0x4] =	wrdreg $0x2B000  }
0xb7: {  	[dreg:$0x5] =	wrdreg $0x9  }
0xb8: {  	_ =	task.clear_ibuf [dreg:s7], $0x6FFFF;
	_ =	strace $0x90000046  }
0xb9: {  	s29 =	simm.s32 $0x9;
	_ =	strace $0x80000048  }
0xba: {  	_ =	swait.ge [sflag:s29], $0x1  }
0xbb: {  	[sflag:s29] =	ssyncadd.s32 $0xFFFFFFFF  }
0xbc: {  	_ =	strace $0x90000048  }
0xbd: {  	_ =	sfence  }
0xbe: {  	s30 =	sld [smem:$0x0];
	_ =	sdelay $0x2  }
0xbf: {  	s31 =	sshll.u32 s1, $0xD;
	s1 =	sshrl.u32 s1, $0x2  }
0xc0: {  	s3 =	sand.u32 $0x4000, s31;
	s1 =	sadd.s32 s1, s30  }
0xc1: {  	s0 =	sor.u32 s3, s0;
	s1 =	sshll.u32 s1, $0x11  }
0xc2: {  	s0 =	sor.u32 s1, s0  }
0xc3: {  	s0 =	sadd.s32 $0x8F2B, s0  }
0xc4: {  	[sflag:s0] =	ssyncadd.remote.s32 $0x1  }
0xc5: {  	_ =	sfence.sel $0xFFFF  }
0xc6: {  	[dreg:$0x0] =	wrdreg $0xFFFFFFFF;
	(pc) =	sbr.abs _section_cstart, $3  }
0xc7: {  	[dreg:$0x1] =	wrdreg $0xFFFFFFFF  }
0xc8: {  	_ =	task.clear_ibuf [dreg:s7], $0x2FFFF;
	_ =	strace $0x9FFFFFFF  }
0xc9: {  	(tm) =	ssettm $0x7FFFFFFF  }
tec
execute0_lowered:
.L_overlay_start_1:
0x0: {  	(tag) =	ssettag $0x1  }
0x1: {  	s4 =	rddreg [dreg:$0x0];
	s1 =	srdreg.scid  }
0x2: {  	s0 =	stileid.u32;
	s6 =	rddreg [dreg:$0x1]  }
0x3: {  	s2 =	rddreg [dreg:$0x2];
	s3 =	simm.s32 $0x0;
	s11 =	simm.s32 $0x2800  }
0x4: {  	s14 =	simm.s32 $0x20;
	s15 =	simm.s32 $0x10;
	s16 =	simm.s32 $0x0  }
0x5: {  	s5 =	sand.u32 $0x1, s1;
	s1 =	rddreg [dreg:$0x3];
	s8 =	smul.u32 $0xA00, s0  }
0x6: {  	s28 =	sshll.u32 s0, $0x1;
	[smem:$0x7FF] =	sst s3;
	s10 =	smul.u32 $0x500, s0  }
0x7: {  	s12 =	sshll.u32 s0, $0x6;
	s7 =	sor.u32 s5, s28;
	_ =	strace $0x80000047  }
0x8: {  	s9 =	ssub.s32 $0x2, s5;
	s5 =	sshll.u32 s5, $0x7;
	s12 =	sor.u32 $0x1C01, s12  }
0x9: {  	s7 =	smul.u32 $0x500, s7;
	s29 =	sshrl.u32 s9, $0x1;
	s8 =	sshrl.u32 s8, $0x2  }
0xa: {  	s30 =	sor.u32 s5, s10;
	s10 =	simm.s32 $0x80;
	s5 =	sadd.s32 s8, s2  }
0xb: {  	s31 =	sshrl.u32 s30, $0x3;
	s8 =	simm.s32 $0x1;
	s4 =	sadd.s32 s7, s4  }
0xc: {  	s7 =	ssub.s32 s9, s29;
	s6 =	sadd.s32 s6, s31;
	s9 =	simm.s32 $0x2880  }
0xd: {  	v0 =	vimm.f32 $1.000000000e+00;
	v1 =	vimm.f32 $0.0e+00;
	s13 =	sshrl.u32 s5, $0x3;
	s4 =	sadd.s32 $0x800, s4;
	s7 =	smax.u32 s7, $0x1  }
.LBB2_1:
0xe: {  	[tilespmem:$0x2800] =	vst v0  }
0xf: {  	[tilespmem:$0x2810] =	vst v0  }
0x10: {  	[tilespmem:$0x2820] =	vst v0  }
0x11: {  	[tilespmem:$0x2830] =	vst v0  }
0x12: {  	[tilespmem:$0x2840] =	vst v0  }
0x13: {  	[tilespmem:$0x2850] =	vst v0  }
0x14: {  	[tilespmem:$0x2860] =	vst v0  }
0x15: {  	[tilespmem:$0x2870] =	vst v0  }
0x16: {  	[tilespmem:$0x2880] =	vst v1  }
0x17: {  	[tilespmem:$0x2890] =	vst v1  }
0x18: {  	[tilespmem:$0x28A0] =	vst v1  }
0x19: {  	[tilespmem:$0x28B0] =	vst v1  }
0x1a: {  	[tilespmem:$0x28C0] =	vst v1  }
0x1b: {  	[tilespmem:$0x28D0] =	vst v1  }
0x1c: {  	[tilespmem:$0x28E0] =	vst v1  }
0x1d: {  	[tilespmem:$0x28F0] =	vst v1  }
0x1e: {  	[tilespmem:$0x2900] =	vst v1  }
0x1f: {  	[tilespmem:$0x2910] =	vst v1  }
0x20: {  	[tilespmem:$0x2920] =	vst v1  }
0x21: {  	[tilespmem:$0x2930] =	vst v1  }
0x22: {  	[tilespmem:$0x2940] =	vst v1  }
0x23: {  	[tilespmem:$0x2950] =	vst v1  }
0x24: {  	[tilespmem:$0x2960] =	vst v1  }
0x25: {  	[tilespmem:$0x2970] =	vst v1  }
0x26: {  	[tilespmem:$0x2980] =	vst v1  }
0x27: {  	[tilespmem:$0x2990] =	vst v1  }
0x28: {  	[tilespmem:$0x29A0] =	vst v1  }
0x29: {  	[tilespmem:$0x29B0] =	vst v1  }
0x2a: {  	[tilespmem:$0x29C0] =	vst v1  }
0x2b: {  	[tilespmem:$0x29D0] =	vst v1  }
0x2c: {  	[tilespmem:$0x29E0] =	vst v1  }
0x2d: {  	[tilespmem:$0x29F0] =	vst v1  }
0x2e: {  	[tilespmem:$0x2A00] =	vst v1  }
0x2f: {  	[tilespmem:$0x2A10] =	vst v1  }
0x30: {  	[tilespmem:$0x2A20] =	vst v1  }
0x31: {  	[tilespmem:$0x2A30] =	vst v1  }
0x32: {  	[tilespmem:$0x2A40] =	vst v1  }
0x33: {  	[tilespmem:$0x2A50] =	vst v1  }
0x34: {  	[tilespmem:$0x2A60] =	vst v1  }
0x35: {  	[tilespmem:$0x2A70] =	vst v1  }
0x36: {  	[tilespmem:$0x2A80] =	vst v1  }
0x37: {  	[tilespmem:$0x2A90] =	vst v1  }
0x38: {  	[tilespmem:$0x2AA0] =	vst v1  }
0x39: {  	[tilespmem:$0x2AB0] =	vst v1  }
0x3a: {  	[tilespmem:$0x2AC0] =	vst v1  }
0x3b: {  	[tilespmem:$0x2AD0] =	vst v1  }
0x3c: {  	[tilespmem:$0x2AE0] =	vst v1  }
0x3d: {  	[tilespmem:$0x2AF0] =	vst v1  }
0x3e: {  	[tilespmem:s3], [sflag:$0x1] =	stream.linear.gather [hbm4b:s4+s3], $0x2800, $0x38;
	[tilespmem:$0x2D80] =	vst v63  }
0x3f: {  	_ =	swait.ge [sflag:s8], $0x2800  }
0x40: {  	[sflag:s8] =	ssyncset.done $0x0  }
0x41: {  	[sflag:s8] =	ssyncadd.s32 $0xFFFFD800  }
0x42: {  	[spmem:s5] =	stream.linear.scatter [tilespmem:s9], [sflag:$0x1], $0x280, $0x38;
	[tilespmem:$0x2D80] =	vst v63  }
0x43: {  	_ =	swait.ge [sflag:s8], $0x280  }
0x44: {  	[sflag:s8] =	ssyncset.done $0x0  }
0x45: {  	[sflag:s8] =	ssyncadd.s32 $0xFFFFFD80  }
0x46: {  	s17 =	simm.s32 $0x0;
	[bflag:$0x0] =	sbarrier.arrive $0xFFFF  }
0x47: {  	[spmem:s2] =	stream.indirect.scatter.add.f32 [tilespmem:s11], [sflag:$0x1], $0x1, s17, s10, $0xb8;
	[tilespmem:$0x2D80] =	vst v63  }
0x48: {  	_ =	swait.ge [sflag:s8], $0x80  }
0x49: {  	s17 =	simm.s32 $0x200;
	[sflag:s8] =	ssyncset.done $0x0  }
.LBB2_2:
0x4a: {  	s18 =	sshra.s32 s17, $0x2;
	[sflag:s8] =	ssyncadd.s32 $0xFFFFFF80;
	p0 =	sne.s32 s17, $0x9E00  }
0x4b: {  	[spmem:s2] =	stream.indirect.scatter.add.f32 [tilespmem:s11], [sflag:$0x1], $0x1, s18, s10, $0xb8;
	[tilespmem:$0x2D80] =	vst v63  }
.Ltmp0:
0x4c: {  	_ = 	snop;
	(pc) =	sbr.rel @p0 .LBB2_2-.Ltmp0, $4  }
0x4d: {  	_ = 	snop  }
0x4e: {  	s17 =	sadd.s32 $0x200, s17  }
0x4f: {  	_ =	swait.ge [sflag:s8], $0x80  }
0x50: {  	[sflag:s8] =	ssyncset.done $0x0  }
0x51: {  	s16 =	sadd.s32 $0x1, s16  }
0x52: {  	[sflag:s8] =	ssyncadd.s32 $0xFFFFFF80;
	p0 =	sne.s32 s16, s7  }
.Ltmp1:
0x53: {  	[bflag:$0x0] =	sbarrier.arrive $0xFFFF;
	(pc) =	sbr.rel @p0 .LBB2_1-.Ltmp1, $4  }
0x54: {  	[hbm:s6@s14], [sflag:s12] =	dma.strided [spmem:s13@s15], $0x50, s8, $0x10   }
0x55: {  	_ =	swait.ge [sflag:s8], $0x50  }
0x56: {  	[sflag:s8] =	ssyncset.done $0x0  }
0x57: {  	[sflag:s8] =	ssyncadd.s32 $0xFFFFFFB0  }
0x58: {  	_ =	sfence.sel $0x180000  }
0x59: {  	[bflag:$0x0] =	sbarrier.arrive $0xFFFF  }
0x5a: {  	p0 =	sne.s32 s0, $0x0;
	_ =	strace $0x90000047  }
0x5b: {  	s0 =	sadd.s32 @!p0 $0x100000, s1;
	[bflag:$0x2] =	sbarrier.arrive $0xFFFF  }
0x5c: {  	[sflag:s0] =	ssyncadd.tile.s32 @!p0 $0x1;
	_ =	shalt  }
.Lfunc_end2:
_tile_overlayer_lowered:
.L_overlay_start_2:
0x5d: {  	(tag) =	ssettag $0x2  }
0x5e: {  	s0 =	rddreg [dreg:$0x0];
	s2 =	stileid.u32  }
0x5f: {  	s1 =	rddreg [dreg:$0x1];
	p0 =	sne.s32 s2, $0x0  }
0x60: {  	s3 =	rddreg [dreg:$0x2];
	[bflag:$0x3] =	sbarrier.arrive $0xFFFF;
	s2 =	simm.s32 @!p0 $0x1C01  }
0x61: {  	[timem:s3], [sflag:s2] =	dma.local @!p0 [hbm:s0], s1  }
0x62: {  	s0 =	simm.s32 @!p0 $0x1  }
0x63: {  	_ =	swait.ge @!p0 [sflag:s0], s1  }
0x64: {  	s1 =	ssub.s32 @!p0 $0x0, s1;
	[sflag:s0] =	ssyncset.done @!p0 $0x0  }
0x65: {  	[sflag:s0] =	ssyncadd.s32 @!p0 s1  }
0x66: {  	[bflag:$0x3] =	sbarrier.arrive $0xFFFF  }
0x67: {  	_ =	shalt  }

</sc_bundles>
